<compile_context>
chip_gen: v7x
topology: tpu7x:2x2x1
jax: 0.10.2.dev20260603
libtpu: 0.0.44.dev20260713+nightly
codegen_flags: <defaults>
</compile_context>

<pallas_src>
import functools

import jax
import jax.numpy as jnp
from jax import lax
from jax.experimental import pallas as pl
from jax.experimental.pallas import tpu as pltpu
from jax.experimental.pallas import tpu_sc as plsc

N_CLASSES = 18
H = 64
W = 64
B = 1024


_NC = 2
_NS = 16
_NW_USED = 8
_B_PER_W = B // _NW_USED
_L = 16


def _sc_gather_body(table_hbm, x_hbm, rows_hbm, table_v, x_v, out_v, sem):
    wid = lax.axis_index("s") * _NC + lax.axis_index("c")

    @pl.when(wid < _NW_USED)
    def _():
        base = wid * _B_PER_W
        c1 = pltpu.async_copy(table_hbm, table_v, sem)
        c2 = pltpu.async_copy(x_hbm.at[pl.ds(base, _B_PER_W)], x_v, sem)
        c1.wait()
        c2.wait()
        dv0 = table_v[pl.ds(0, _L)]
        dv1 = table_v[pl.ds(_L, _L)]
        for chunk in range(_B_PER_W // _L):
            xx = x_v[pl.ds(chunk * _L, _L)]
            for c in range(N_CLASSES):
                dv = dv0[c] if c < _L else dv1[c - _L]
                vals = jnp.where(xx == c, dv, jnp.float32(0.0))
                out_v[c, pl.ds(chunk * _L, _L)] = vals
        pltpu.sync_copy(out_v, rows_hbm.at[:, pl.ds(base, _B_PER_W)])


_sc_gather = functools.partial(
    pl.kernel,
    mesh=plsc.VectorSubcoreMesh(core_axis_name="c", subcore_axis_name="s"),
    out_type=jax.ShapeDtypeStruct((N_CLASSES, B), jnp.float32),
    scratch_types=[
        pltpu.VMEM((2 * _L,), jnp.float32),
        pltpu.VMEM((_B_PER_W,), jnp.int32),
        pltpu.VMEM((N_CLASSES, _B_PER_W), jnp.float32),
        pltpu.SemaphoreType.DMA,
    ],
)(_sc_gather_body)



_BA = 1


_BW = 64


_WSPLIT = W // _BW


def _tc_broadcast_body(rows_ref, out_ref):
    v = rows_ref[...]
    out_ref[...] = jnp.broadcast_to(v[None, :, None, :], (_BA, N_CLASSES, _BW, B))


def _tc_broadcast(rows_t):
    return pl.pallas_call(
        _tc_broadcast_body,
        grid=((H // _BA) * _WSPLIT,),
        in_specs=[pl.BlockSpec((N_CLASSES, B), lambda i: (0, 0))],
        out_specs=pl.BlockSpec(
            (_BA, N_CLASSES, _BW, B),
            lambda i: (i // _WSPLIT, 0, i % _WSPLIT, 0),
        ),
        out_shape=jax.ShapeDtypeStruct((H, N_CLASSES, W, B), jnp.float32),
        compiler_params=pltpu.CompilerParams(
            dimension_semantics=("parallel",),
        ),
    )(rows_t)


def kernel(x, embeddings):
    table_small = jnp.pad(jnp.diagonal(embeddings[:, 0, 0, :]), (0, 2 * _L - N_CLASSES))
    rows_t = _sc_gather(table_small, x)
    out = _tc_broadcast(rows_t)
    return jnp.transpose(out, (3, 0, 2, 1))

# --- scband reference (transcript-rebuilt; emitter-appended) ---
"""Pipeline reference for scband-action-one-hot2d-24026047054723 (READ-ONLY COPY).

The authoritative reference and input builder live on the scoring server;
editing this copy changes nothing except your own understanding.
"""

import jax, jax.numpy as jnp
import numpy as np

NUM_CLASSES = 18
DATA_SHAPE = (64, 64)


def _build_embeddings():
    n = NUM_CLASSES
    h, w = DATA_SHAPE
    # torch: stack of n tensors, each zeros(n, h, w) with embedding[i][i] = 1.0
    # stacked[i, j, h, w] = 1.0 iff i == j
    stacked = jnp.broadcast_to(jnp.eye(n, dtype=jnp.float32)[:, :, None, None], (n, n, h, w))
    # torch .transpose(1, -1) swaps axes 1 and 3 -> shape [n, w, h, n]
    emb = jnp.transpose(stacked, (0, 3, 2, 1))
    return emb


def setup_inputs(seed: int = 0) -> dict:
    key = jax.random.key(seed)
    x = jax.random.randint(key, (1024,), 0, NUM_CLASSES, dtype=jnp.int64 if jax.config.jax_enable_x64 else jnp.int32)
    embeddings = _build_embeddings()
    return {"x": x, "embeddings": embeddings}


def reference(x, embeddings):
    # forward: self.embeddings[x]  -> gather rows along axis 0
    return jnp.take(embeddings, x, axis=0)

if __name__ == "__main__":
    import jax
    _d = setup_inputs()
    print(jax.jit(kernel)(*tuple(_d.values())))

</pallas_src>

<mosaic_0001>
#map = affine_map<(d0, d1) -> (0)>
#map1 = affine_map<(d0, d1) -> (0, 0)>
module attributes {stable_mosaic.version = 14 : i64} {
  func.func @_sc_gather_body(%arg0: i32, %arg1: i32, %arg2: memref<32xf32, #tpu.memory_space<hbm>>, %arg3: memref<1024xi32, #tpu.memory_space<hbm>>, %arg4: memref<18x1024xf32, #tpu.memory_space<hbm>>, %arg5: memref<32xf32, #tpu.memory_space<vmem>>, %arg6: memref<128xi32, #tpu.memory_space<vmem>>, %arg7: memref<18x128xf32, #tpu.memory_space<vmem>>, %arg8: memref<!tpu.dma_semaphore, #tpu.memory_space<semaphore_mem>>) attributes {dimension_semantics = [#tpu.dimension_semantics<core_parallel>, #tpu.dimension_semantics<subcore_parallel>], iteration_bounds = array<i64: 2, 16>, scalar_prefetch = 0 : i64, scratch_operands = 4 : i64, tpu.core_type = #tpu.core_type<sc_vector_subcore>, window_params = [{transform_indices = #map}, {transform_indices = #map}, {transform_indices = #map1}]} {
    %mul3A = arith.constant 2 : i32
    %mul3A_0 = arith.muli %arg1, %mul3A : i32
    %add3A = arith.addi %mul3A_0, %arg0 : i32
    %lt3A = arith.constant 8 : i32
    %lt3A_1 = arith.cmpi slt, %add3A, %lt3A : i32
    %convert_element_type3A = arith.extui %lt3A_1 : i1 to i32
    %cond3A = arith.constant 0 : i32
    %cond3A_2 = arith.cmpi ne, %convert_element_type3A, %cond3A : i32
    scf.if %cond3A_2 {
      %mul3A_3 = arith.constant 128 : i32
      %mul3A_4 = arith.muli %add3A, %mul3A_3 : i32
      tpu.enqueue_dma source(%arg2 : memref<32xf32, #tpu.memory_space<hbm>>) target(%arg5 : memref<32xf32, #tpu.memory_space<vmem>>) target_semaphore(%arg8 : memref<!tpu.dma_semaphore, #tpu.memory_space<semaphore_mem>>)
      %dma_start3A = tpu.memref_slice %arg3[%mul3A_4] : memref<1024xi32, #tpu.memory_space<hbm>> -> memref<128xi32, #tpu.memory_space<hbm>>
      %dma_start3A_5 = tpu.memref_slice %arg3[%mul3A_4] : memref<1024xi32, #tpu.memory_space<hbm>> -> memref<128xi32, #tpu.memory_space<hbm>>
      tpu.enqueue_dma source(%dma_start3A_5 : memref<128xi32, #tpu.memory_space<hbm>>) target(%arg6 : memref<128xi32, #tpu.memory_space<vmem>>) target_semaphore(%arg8 : memref<!tpu.dma_semaphore, #tpu.memory_space<semaphore_mem>>)
      tpu.wait_dma2 semaphore(%arg8 : memref<!tpu.dma_semaphore, #tpu.memory_space<semaphore_mem>>) src(%arg2 : memref<32xf32, #tpu.memory_space<hbm>>) dst(%arg5 : memref<32xf32, #tpu.memory_space<vmem>>)
      %dma_wait3A = tpu.memref_slice %arg3[%mul3A_4] : memref<1024xi32, #tpu.memory_space<hbm>> -> memref<128xi32, #tpu.memory_space<hbm>>
      %dma_wait3A_6 = tpu.memref_slice %arg3[%mul3A_4] : memref<1024xi32, #tpu.memory_space<hbm>> -> memref<128xi32, #tpu.memory_space<hbm>>
      tpu.wait_dma2 semaphore(%arg8 : memref<!tpu.dma_semaphore, #tpu.memory_space<semaphore_mem>>) src(%dma_wait3A_6 : memref<128xi32, #tpu.memory_space<hbm>>) dst(%arg6 : memref<128xi32, #tpu.memory_space<vmem>>)
      %get3A = arith.constant 0 : index
      %get3A_7 = tpu.vector_load %arg5[%get3A] {strides = array<i32>} : memref<32xf32, #tpu.memory_space<vmem>>, vector<16xf32>,
      %get3A_8 = vector.shape_cast %get3A_7 : vector<16xf32> to vector<16xf32>
      %get3A_9 = arith.constant 16 : index
      %get3A_10 = tpu.vector_load %arg5[%get3A_9] {strides = array<i32>} : memref<32xf32, #tpu.memory_space<vmem>>, vector<16xf32>,
      %get3A_11 = vector.shape_cast %get3A_10 : vector<16xf32> to vector<16xf32>
      %get3A_12 = arith.constant 0 : index
      %get3A_13 = tpu.vector_load %arg6[%get3A_12] {strides = array<i32>} : memref<128xi32, #tpu.memory_space<vmem>>, vector<16xi32>,
      %get3A_14 = vector.shape_cast %get3A_13 : vector<16xi32> to vector<16xi32>
      %slice3A = vector.extract_strided_slice %get3A_8 {offsets = [0], sizes = [1], strides = [1]} : vector<16xf32> to vector<1xf32>
      %squeeze3A = vector.extract %slice3A[0] : f32 from vector<1xf32>
      %eq3A = arith.constant 0 : i32
      %eq3A_15 = vector.broadcast %eq3A : i32 to vector<16xi32>
      %eq3A_16 = arith.cmpi eq, %get3A_14, %eq3A_15 : vector<16xi32>
      %jit3A = arith.constant 0.000000e+00 : f32
      %broadcast_in_dim3A = vector.broadcast %squeeze3A : f32 to vector<16xf32>
      %broadcast_in_dim3A_17 = vector.broadcast %jit3A : f32 to vector<16xf32>
      %select_n3A = arith.select %eq3A_16, %broadcast_in_dim3A, %broadcast_in_dim3A_17 : vector<16xi1>, vector<16xf32>
      %swap3A = arith.constant 0 : i32
      %swap3A_18 = arith.index_cast %swap3A : i32 to index
      %swap3A_19 = arith.constant 0 : index
      %swap3A_20 = tpu.vector_load %arg7[%swap3A_18, %swap3A_19] {strides = array<i32>} : memref<18x128xf32, #tpu.memory_space<vmem>>, vector<1x16xf32>,
      %swap3A_21 = vector.shape_cast %swap3A_20 : vector<1x16xf32> to vector<16xf32>
      %swap3A_22 = vector.shape_cast %select_n3A : vector<16xf32> to vector<1x16xf32>
      tpu.vector_store %arg7[%swap3A_18, %swap3A_19], %swap3A_22 {strides = array<i32>} : memref<18x128xf32, #tpu.memory_space<vmem>>, vector<1x16xf32>,
      %slice3A_23 = vector.extract_strided_slice %get3A_8 {offsets = [1], sizes = [1], strides = [1]} : vector<16xf32> to vector<1xf32>
      %squeeze3A_24 = vector.extract %slice3A_23[0] : f32 from vector<1xf32>
      %eq3A_25 = arith.constant 1 : i32
      %eq3A_26 = vector.broadcast %eq3A_25 : i32 to vector<16xi32>
      %eq3A_27 = arith.cmpi eq, %get3A_14, %eq3A_26 : vector<16xi32>
      %jit3A_28 = arith.constant 0.000000e+00 : f32
      %broadcast_in_dim3A_29 = vector.broadcast %squeeze3A_24 : f32 to vector<16xf32>
      %broadcast_in_dim3A_30 = vector.broadcast %jit3A_28 : f32 to vector<16xf32>
      %select_n3A_31 = arith.select %eq3A_27, %broadcast_in_dim3A_29, %broadcast_in_dim3A_30 : vector<16xi1>, vector<16xf32>
      %swap3A_32 = arith.constant 1 : i32
      %swap3A_33 = arith.index_cast %swap3A_32 : i32 to index
      %swap3A_34 = arith.constant 0 : index
      %swap3A_35 = tpu.vector_load %arg7[%swap3A_33, %swap3A_34] {strides = array<i32>} : memref<18x128xf32, #tpu.memory_space<vmem>>, vector<1x16xf32>,
      %swap3A_36 = vector.shape_cast %swap3A_35 : vector<1x16xf32> to vector<16xf32>
      %swap3A_37 = vector.shape_cast %select_n3A_31 : vector<16xf32> to vector<1x16xf32>
      tpu.vector_store %arg7[%swap3A_33, %swap3A_34], %swap3A_37 {strides = array<i32>} : memref<18x128xf32, #tpu.memory_space<vmem>>, vector<1x16xf32>,
      %slice3A_38 = vector.extract_strided_slice %get3A_8 {offsets = [2], sizes = [1], strides = [1]} : vector<16xf32> to vector<1xf32>
      %squeeze3A_39 = vector.extract %slice3A_38[0] : f32 from vector<1xf32>
      %eq3A_40 = arith.constant 2 : i32
      %eq3A_41 = vector.broadcast %eq3A_40 : i32 to vector<16xi32>
      %eq3A_42 = arith.cmpi eq, %get3A_14, %eq3A_41 : vector<16xi32>
      %jit3A_43 = arith.constant 0.000000e+00 : f32
      %broadcast_in_dim3A_44 = vector.broadcast %squeeze3A_39 : f32 to vector<16xf32>
      %broadcast_in_dim3A_45 = vector.broadcast %jit3A_43 : f32 to vector<16xf32>
      %select_n3A_46 = arith.select %eq3A_42, %broadcast_in_dim3A_44, %broadcast_in_dim3A_45 : vector<16xi1>, vector<16xf32>
      %swap3A_47 = arith.constant 2 : i32
      %swap3A_48 = arith.index_cast %swap3A_47 : i32 to index
      %swap3A_49 = arith.constant 0 : index
      %swap3A_50 = tpu.vector_load %arg7[%swap3A_48, %swap3A_49] {strides = array<i32>} : memref<18x128xf32, #tpu.memory_space<vmem>>, vector<1x16xf32>,
      %swap3A_51 = vector.shape_cast %swap3A_50 : vector<1x16xf32> to vector<16xf32>
      %swap3A_52 = vector.shape_cast %select_n3A_46 : vector<16xf32> to vector<1x16xf32>
      tpu.vector_store %arg7[%swap3A_48, %swap3A_49], %swap3A_52 {strides = array<i32>} : memref<18x128xf32, #tpu.memory_space<vmem>>, vector<1x16xf32>,
      %slice3A_53 = vector.extract_strided_slice %get3A_8 {offsets = [3], sizes = [1], strides = [1]} : vector<16xf32> to vector<1xf32>
      %squeeze3A_54 = vector.extract %slice3A_53[0] : f32 from vector<1xf32>
      %eq3A_55 = arith.constant 3 : i32
      %eq3A_56 = vector.broadcast %eq3A_55 : i32 to vector<16xi32>
      %eq3A_57 = arith.cmpi eq, %get3A_14, %eq3A_56 : vector<16xi32>
      %jit3A_58 = arith.constant 0.000000e+00 : f32
      %broadcast_in_dim3A_59 = vector.broadcast %squeeze3A_54 : f32 to vector<16xf32>
      %broadcast_in_dim3A_60 = vector.broadcast %jit3A_58 : f32 to vector<16xf32>
      %select_n3A_61 = arith.select %eq3A_57, %broadcast_in_dim3A_59, %broadcast_in_dim3A_60 : vector<16xi1>, vector<16xf32>
      %swap3A_62 = arith.constant 3 : i32
      %swap3A_63 = arith.index_cast %swap3A_62 : i32 to index
      %swap3A_64 = arith.constant 0 : index
      %swap3A_65 = tpu.vector_load %arg7[%swap3A_63, %swap3A_64] {strides = array<i32>} : memref<18x128xf32, #tpu.memory_space<vmem>>, vector<1x16xf32>,
      %swap3A_66 = vector.shape_cast %swap3A_65 : vector<1x16xf32> to vector<16xf32>
      %swap3A_67 = vector.shape_cast %select_n3A_61 : vector<16xf32> to vector<1x16xf32>
      tpu.vector_store %arg7[%swap3A_63, %swap3A_64], %swap3A_67 {strides = array<i32>} : memref<18x128xf32, #tpu.memory_space<vmem>>, vector<1x16xf32>,
      %slice3A_68 = vector.extract_strided_slice %get3A_8 {offsets = [4], sizes = [1], strides = [1]} : vector<16xf32> to vector<1xf32>
      %squeeze3A_69 = vector.extract %slice3A_68[0] : f32 from vector<1xf32>
      %eq3A_70 = arith.constant 4 : i32
      %eq3A_71 = vector.broadcast %eq3A_70 : i32 to vector<16xi32>
      %eq3A_72 = arith.cmpi eq, %get3A_14, %eq3A_71 : vector<16xi32>
      %jit3A_73 = arith.constant 0.000000e+00 : f32
      %broadcast_in_dim3A_74 = vector.broadcast %squeeze3A_69 : f32 to vector<16xf32>
      %broadcast_in_dim3A_75 = vector.broadcast %jit3A_73 : f32 to vector<16xf32>
      %select_n3A_76 = arith.select %eq3A_72, %broadcast_in_dim3A_74, %broadcast_in_dim3A_75 : vector<16xi1>, vector<16xf32>
      %swap3A_77 = arith.constant 4 : i32
      %swap3A_78 = arith.index_cast %swap3A_77 : i32 to index
      %swap3A_79 = arith.constant 0 : index
      %swap3A_80 = tpu.vector_load %arg7[%swap3A_78, %swap3A_79] {strides = array<i32>} : memref<18x128xf32, #tpu.memory_space<vmem>>, vector<1x16xf32>,
      %swap3A_81 = vector.shape_cast %swap3A_80 : vector<1x16xf32> to vector<16xf32>
      %swap3A_82 = vector.shape_cast %select_n3A_76 : vector<16xf32> to vector<1x16xf32>
      tpu.vector_store %arg7[%swap3A_78, %swap3A_79], %swap3A_82 {strides = array<i32>} : memref<18x128xf32, #tpu.memory_space<vmem>>, vector<1x16xf32>,
      %slice3A_83 = vector.extract_strided_slice %get3A_8 {offsets = [5], sizes = [1], strides = [1]} : vector<16xf32> to vector<1xf32>
      %squeeze3A_84 = vector.extract %slice3A_83[0] : f32 from vector<1xf32>
      %eq3A_85 = arith.constant 5 : i32
      %eq3A_86 = vector.broadcast %eq3A_85 : i32 to vector<16xi32>
      %eq3A_87 = arith.cmpi eq, %get3A_14, %eq3A_86 : vector<16xi32>
      %jit3A_88 = arith.constant 0.000000e+00 : f32
      %broadcast_in_dim3A_89 = vector.broadcast %squeeze3A_84 : f32 to vector<16xf32>
      %broadcast_in_dim3A_90 = vector.broadcast %jit3A_88 : f32 to vector<16xf32>
      %select_n3A_91 = arith.select %eq3A_87, %broadcast_in_dim3A_89, %broadcast_in_dim3A_90 : vector<16xi1>, vector<16xf32>
      %swap3A_92 = arith.constant 5 : i32
      %swap3A_93 = arith.index_cast %swap3A_92 : i32 to index
      %swap3A_94 = arith.constant 0 : index
      %swap3A_95 = tpu.vector_load %arg7[%swap3A_93, %swap3A_94] {strides = array<i32>} : memref<18x128xf32, #tpu.memory_space<vmem>>, vector<1x16xf32>,
      %swap3A_96 = vector.shape_cast %swap3A_95 : vector<1x16xf32> to vector<16xf32>
      %swap3A_97 = vector.shape_cast %select_n3A_91 : vector<16xf32> to vector<1x16xf32>
      tpu.vector_store %arg7[%swap3A_93, %swap3A_94], %swap3A_97 {strides = array<i32>} : memref<18x128xf32, #tpu.memory_space<vmem>>, vector<1x16xf32>,
      %slice3A_98 = vector.extract_strided_slice %get3A_8 {offsets = [6], sizes = [1], strides = [1]} : vector<16xf32> to vector<1xf32>
      %squeeze3A_99 = vector.extract %slice3A_98[0] : f32 from vector<1xf32>
      %eq3A_100 = arith.constant 6 : i32
      %eq3A_101 = vector.broadcast %eq3A_100 : i32 to vector<16xi32>
      %eq3A_102 = arith.cmpi eq, %get3A_14, %eq3A_101 : vector<16xi32>
      %jit3A_103 = arith.constant 0.000000e+00 : f32
      %broadcast_in_dim3A_104 = vector.broadcast %squeeze3A_99 : f32 to vector<16xf32>
      %broadcast_in_dim3A_105 = vector.broadcast %jit3A_103 : f32 to vector<16xf32>
      %select_n3A_106 = arith.select %eq3A_102, %broadcast_in_dim3A_104, %broadcast_in_dim3A_105 : vector<16xi1>, vector<16xf32>
      %swap3A_107 = arith.constant 6 : i32
      %swap3A_108 = arith.index_cast %swap3A_107 : i32 to index
      %swap3A_109 = arith.constant 0 : index
      %swap3A_110 = tpu.vector_load %arg7[%swap3A_108, %swap3A_109] {strides = array<i32>} : memref<18x128xf32, #tpu.memory_space<vmem>>, vector<1x16xf32>,
      %swap3A_111 = vector.shape_cast %swap3A_110 : vector<1x16xf32> to vector<16xf32>
      %swap3A_112 = vector.shape_cast %select_n3A_106 : vector<16xf32> to vector<1x16xf32>
      tpu.vector_store %arg7[%swap3A_108, %swap3A_109], %swap3A_112 {strides = array<i32>} : memref<18x128xf32, #tpu.memory_space<vmem>>, vector<1x16xf32>,
      %slice3A_113 = vector.extract_strided_slice %get3A_8 {offsets = [7], sizes = [1], strides = [1]} : vector<16xf32> to vector<1xf32>
      %squeeze3A_114 = vector.extract %slice3A_113[0] : f32 from vector<1xf32>
      %eq3A_115 = arith.constant 7 : i32
      %eq3A_116 = vector.broadcast %eq3A_115 : i32 to vector<16xi32>
      %eq3A_117 = arith.cmpi eq, %get3A_14, %eq3A_116 : vector<16xi32>
      %jit3A_118 = arith.constant 0.000000e+00 : f32
      %broadcast_in_dim3A_119 = vector.broadcast %squeeze3A_114 : f32 to vector<16xf32>
      %broadcast_in_dim3A_120 = vector.broadcast %jit3A_118 : f32 to vector<16xf32>
      %select_n3A_121 = arith.select %eq3A_117, %broadcast_in_dim3A_119, %broadcast_in_dim3A_120 : vector<16xi1>, vector<16xf32>
      %swap3A_122 = arith.constant 7 : i32
      %swap3A_123 = arith.index_cast %swap3A_122 : i32 to index
      %swap3A_124 = arith.constant 0 : index
      %swap3A_125 = tpu.vector_load %arg7[%swap3A_123, %swap3A_124] {strides = array<i32>} : memref<18x128xf32, #tpu.memory_space<vmem>>, vector<1x16xf32>,
      %swap3A_126 = vector.shape_cast %swap3A_125 : vector<1x16xf32> to vector<16xf32>
      %swap3A_127 = vector.shape_cast %select_n3A_121 : vector<16xf32> to vector<1x16xf32>
      tpu.vector_store %arg7[%swap3A_123, %swap3A_124], %swap3A_127 {strides = array<i32>} : memref<18x128xf32, #tpu.memory_space<vmem>>, vector<1x16xf32>,
      %slice3A_128 = vector.extract_strided_slice %get3A_8 {offsets = [8], sizes = [1], strides = [1]} : vector<16xf32> to vector<1xf32>
      %squeeze3A_129 = vector.extract %slice3A_128[0] : f32 from vector<1xf32>
      %eq3A_130 = arith.constant 8 : i32
      %eq3A_131 = vector.broadcast %eq3A_130 : i32 to vector<16xi32>
      %eq3A_132 = arith.cmpi eq, %get3A_14, %eq3A_131 : vector<16xi32>
      %jit3A_133 = arith.constant 0.000000e+00 : f32
      %broadcast_in_dim3A_134 = vector.broadcast %squeeze3A_129 : f32 to vector<16xf32>
      %broadcast_in_dim3A_135 = vector.broadcast %jit3A_133 : f32 to vector<16xf32>
      %select_n3A_136 = arith.select %eq3A_132, %broadcast_in_dim3A_134, %broadcast_in_dim3A_135 : vector<16xi1>, vector<16xf32>
      %swap3A_137 = arith.constant 8 : i32
      %swap3A_138 = arith.index_cast %swap3A_137 : i32 to index
      %swap3A_139 = arith.constant 0 : index
      %swap3A_140 = tpu.vector_load %arg7[%swap3A_138, %swap3A_139] {strides = array<i32>} : memref<18x128xf32, #tpu.memory_space<vmem>>, vector<1x16xf32>,
      %swap3A_141 = vector.shape_cast %swap3A_140 : vector<1x16xf32> to vector<16xf32>
      %swap3A_142 = vector.shape_cast %select_n3A_136 : vector<16xf32> to vector<1x16xf32>
      tpu.vector_store %arg7[%swap3A_138, %swap3A_139], %swap3A_142 {strides = array<i32>} : memref<18x128xf32, #tpu.memory_space<vmem>>, vector<1x16xf32>,
      %slice3A_143 = vector.extract_strided_slice %get3A_8 {offsets = [9], sizes = [1], strides = [1]} : vector<16xf32> to vector<1xf32>
      %squeeze3A_144 = vector.extract %slice3A_143[0] : f32 from vector<1xf32>
      %eq3A_145 = arith.constant 9 : i32
      %eq3A_146 = vector.broadcast %eq3A_145 : i32 to vector<16xi32>
      %eq3A_147 = arith.cmpi eq, %get3A_14, %eq3A_146 : vector<16xi32>
      %jit3A_148 = arith.constant 0.000000e+00 : f32
      %broadcast_in_dim3A_149 = vector.broadcast %squeeze3A_144 : f32 to vector<16xf32>
      %broadcast_in_dim3A_150 = vector.broadcast %jit3A_148 : f32 to vector<16xf32>
      %select_n3A_151 = arith.select %eq3A_147, %broadcast_in_dim3A_149, %broadcast_in_dim3A_150 : vector<16xi1>, vector<16xf32>
      %swap3A_152 = arith.constant 9 : i32
      %swap3A_153 = arith.index_cast %swap3A_152 : i32 to index
      %swap3A_154 = arith.constant 0 : index
      %swap3A_155 = tpu.vector_load %arg7[%swap3A_153, %swap3A_154] {strides = array<i32>} : memref<18x128xf32, #tpu.memory_space<vmem>>, vector<1x16xf32>,
      %swap3A_156 = vector.shape_cast %swap3A_155 : vector<1x16xf32> to vector<16xf32>
      %swap3A_157 = vector.shape_cast %select_n3A_151 : vector<16xf32> to vector<1x16xf32>
      tpu.vector_store %arg7[%swap3A_153, %swap3A_154], %swap3A_157 {strides = array<i32>} : memref<18x128xf32, #tpu.memory_space<vmem>>, vector<1x16xf32>,
      %slice3A_158 = vector.extract_strided_slice %get3A_8 {offsets = [10], sizes = [1], strides = [1]} : vector<16xf32> to vector<1xf32>
      %squeeze3A_159 = vector.extract %slice3A_158[0] : f32 from vector<1xf32>
      %eq3A_160 = arith.constant 10 : i32
      %eq3A_161 = vector.broadcast %eq3A_160 : i32 to vector<16xi32>
      %eq3A_162 = arith.cmpi eq, %get3A_14, %eq3A_161 : vector<16xi32>
      %jit3A_163 = arith.constant 0.000000e+00 : f32
      %broadcast_in_dim3A_164 = vector.broadcast %squeeze3A_159 : f32 to vector<16xf32>
      %broadcast_in_dim3A_165 = vector.broadcast %jit3A_163 : f32 to vector<16xf32>
      %select_n3A_166 = arith.select %eq3A_162, %broadcast_in_dim3A_164, %broadcast_in_dim3A_165 : vector<16xi1>, vector<16xf32>
      %swap3A_167 = arith.constant 10 : i32
      %swap3A_168 = arith.index_cast %swap3A_167 : i32 to index
      %swap3A_169 = arith.constant 0 : index
      %swap3A_170 = tpu.vector_load %arg7[%swap3A_168, %swap3A_169] {strides = array<i32>} : memref<18x128xf32, #tpu.memory_space<vmem>>, vector<1x16xf32>,
      %swap3A_171 = vector.shape_cast %swap3A_170 : vector<1x16xf32> to vector<16xf32>
      %swap3A_172 = vector.shape_cast %select_n3A_166 : vector<16xf32> to vector<1x16xf32>
      tpu.vector_store %arg7[%swap3A_168, %swap3A_169], %swap3A_172 {strides = array<i32>} : memref<18x128xf32, #tpu.memory_space<vmem>>, vector<1x16xf32>,
      %slice3A_173 = vector.extract_strided_slice %get3A_8 {offsets = [11], sizes = [1], strides = [1]} : vector<16xf32> to vector<1xf32>
      %squeeze3A_174 = vector.extract %slice3A_173[0] : f32 from vector<1xf32>
      %eq3A_175 = arith.constant 11 : i32
      %eq3A_176 = vector.broadcast %eq3A_175 : i32 to vector<16xi32>
      %eq3A_177 = arith.cmpi eq, %get3A_14, %eq3A_176 : vector<16xi32>
      %jit3A_178 = arith.constant 0.000000e+00 : f32
      %broadcast_in_dim3A_179 = vector.broadcast %squeeze3A_174 : f32 to vector<16xf32>
      %broadcast_in_dim3A_180 = vector.broadcast %jit3A_178 : f32 to vector<16xf32>
      %select_n3A_181 = arith.select %eq3A_177, %broadcast_in_dim3A_179, %broadcast_in_dim3A_180 : vector<16xi1>, vector<16xf32>
      %swap3A_182 = arith.constant 11 : i32
      %swap3A_183 = arith.index_cast %swap3A_182 : i32 to index
      %swap3A_184 = arith.constant 0 : index
      %swap3A_185 = tpu.vector_load %arg7[%swap3A_183, %swap3A_184] {strides = array<i32>} : memref<18x128xf32, #tpu.memory_space<vmem>>, vector<1x16xf32>,
      %swap3A_186 = vector.shape_cast %swap3A_185 : vector<1x16xf32> to vector<16xf32>
      %swap3A_187 = vector.shape_cast %select_n3A_181 : vector<16xf32> to vector<1x16xf32>
      tpu.vector_store %arg7[%swap3A_183, %swap3A_184], %swap3A_187 {strides = array<i32>} : memref<18x128xf32, #tpu.memory_space<vmem>>, vector<1x16xf32>,
      %slice3A_188 = vector.extract_strided_slice %get3A_8 {offsets = [12], sizes = [1], strides = [1]} : vector<16xf32> to vector<1xf32>
      %squeeze3A_189 = vector.extract %slice3A_188[0] : f32 from vector<1xf32>
      %eq3A_190 = arith.constant 12 : i32
      %eq3A_191 = vector.broadcast %eq3A_190 : i32 to vector<16xi32>
      %eq3A_192 = arith.cmpi eq, %get3A_14, %eq3A_191 : vector<16xi32>
      %jit3A_193 = arith.constant 0.000000e+00 : f32
      %broadcast_in_dim3A_194 = vector.broadcast %squeeze3A_189 : f32 to vector<16xf32>
      %broadcast_in_dim3A_195 = vector.broadcast %jit3A_193 : f32 to vector<16xf32>
      %select_n3A_196 = arith.select %eq3A_192, %broadcast_in_dim3A_194, %broadcast_in_dim3A_195 : vector<16xi1>, vector<16xf32>
      %swap3A_197 = arith.constant 12 : i32
      %swap3A_198 = arith.index_cast %swap3A_197 : i32 to index
      %swap3A_199 = arith.constant 0 : index
      %swap3A_200 = tpu.vector_load %arg7[%swap3A_198, %swap3A_199] {strides = array<i32>} : memref<18x128xf32, #tpu.memory_space<vmem>>, vector<1x16xf32>,
      %swap3A_201 = vector.shape_cast %swap3A_200 : vector<1x16xf32> to vector<16xf32>
      %swap3A_202 = vector.shape_cast %select_n3A_196 : vector<16xf32> to vector<1x16xf32>
      tpu.vector_store %arg7[%swap3A_198, %swap3A_199], %swap3A_202 {strides = array<i32>} : memref<18x128xf32, #tpu.memory_space<vmem>>, vector<1x16xf32>,
      %slice3A_203 = vector.extract_strided_slice %get3A_8 {offsets = [13], sizes = [1], strides = [1]} : vector<16xf32> to vector<1xf32>
      %squeeze3A_204 = vector.extract %slice3A_203[0] : f32 from vector<1xf32>
      %eq3A_205 = arith.constant 13 : i32
      %eq3A_206 = vector.broadcast %eq3A_205 : i32 to vector<16xi32>
      %eq3A_207 = arith.cmpi eq, %get3A_14, %eq3A_206 : vector<16xi32>
      %jit3A_208 = arith.constant 0.000000e+00 : f32
      %broadcast_in_dim3A_209 = vector.broadcast %squeeze3A_204 : f32 to vector<16xf32>
      %broadcast_in_dim3A_210 = vector.broadcast %jit3A_208 : f32 to vector<16xf32>
      %select_n3A_211 = arith.select %eq3A_207, %broadcast_in_dim3A_209, %broadcast_in_dim3A_210 : vector<16xi1>, vector<16xf32>
      %swap3A_212 = arith.constant 13 : i32
      %swap3A_213 = arith.index_cast %swap3A_212 : i32 to index
      %swap3A_214 = arith.constant 0 : index
      %swap3A_215 = tpu.vector_load %arg7[%swap3A_213, %swap3A_214] {strides = array<i32>} : memref<18x128xf32, #tpu.memory_space<vmem>>, vector<1x16xf32>,
      %swap3A_216 = vector.shape_cast %swap3A_215 : vector<1x16xf32> to vector<16xf32>
      %swap3A_217 = vector.shape_cast %select_n3A_211 : vector<16xf32> to vector<1x16xf32>
      tpu.vector_store %arg7[%swap3A_213, %swap3A_214], %swap3A_217 {strides = array<i32>} : memref<18x128xf32, #tpu.memory_space<vmem>>, vector<1x16xf32>,
      %slice3A_218 = vector.extract_strided_slice %get3A_8 {offsets = [14], sizes = [1], strides = [1]} : vector<16xf32> to vector<1xf32>
      %squeeze3A_219 = vector.extract %slice3A_218[0] : f32 from vector<1xf32>
      %eq3A_220 = arith.constant 14 : i32
      %eq3A_221 = vector.broadcast %eq3A_220 : i32 to vector<16xi32>
      %eq3A_222 = arith.cmpi eq, %get3A_14, %eq3A_221 : vector<16xi32>
      %jit3A_223 = arith.constant 0.000000e+00 : f32
      %broadcast_in_dim3A_224 = vector.broadcast %squeeze3A_219 : f32 to vector<16xf32>
      %broadcast_in_dim3A_225 = vector.broadcast %jit3A_223 : f32 to vector<16xf32>
      %select_n3A_226 = arith.select %eq3A_222, %broadcast_in_dim3A_224, %broadcast_in_dim3A_225 : vector<16xi1>, vector<16xf32>
      %swap3A_227 = arith.constant 14 : i32
      %swap3A_228 = arith.index_cast %swap3A_227 : i32 to index
      %swap3A_229 = arith.constant 0 : index
      %swap3A_230 = tpu.vector_load %arg7[%swap3A_228, %swap3A_229] {strides = array<i32>} : memref<18x128xf32, #tpu.memory_space<vmem>>, vector<1x16xf32>,
      %swap3A_231 = vector.shape_cast %swap3A_230 : vector<1x16xf32> to vector<16xf32>
      %swap3A_232 = vector.shape_cast %select_n3A_226 : vector<16xf32> to vector<1x16xf32>
      tpu.vector_store %arg7[%swap3A_228, %swap3A_229], %swap3A_232 {strides = array<i32>} : memref<18x128xf32, #tpu.memory_space<vmem>>, vector<1x16xf32>,
      %slice3A_233 = vector.extract_strided_slice %get3A_8 {offsets = [15], sizes = [1], strides = [1]} : vector<16xf32> to vector<1xf32>
      %squeeze3A_234 = vector.extract %slice3A_233[0] : f32 from vector<1xf32>
      %eq3A_235 = arith.constant 15 : i32
      %eq3A_236 = vector.broadcast %eq3A_235 : i32 to vector<16xi32>
      %eq3A_237 = arith.cmpi eq, %get3A_14, %eq3A_236 : vector<16xi32>
      %jit3A_238 = arith.constant 0.000000e+00 : f32
      %broadcast_in_dim3A_239 = vector.broadcast %squeeze3A_234 : f32 to vector<16xf32>
      %broadcast_in_dim3A_240 = vector.broadcast %jit3A_238 : f32 to vector<16xf32>
      %select_n3A_241 = arith.select %eq3A_237, %broadcast_in_dim3A_239, %broadcast_in_dim3A_240 : vector<16xi1>, vector<16xf32>
      %swap3A_242 = arith.constant 15 : i32
      %swap3A_243 = arith.index_cast %swap3A_242 : i32 to index
      %swap3A_244 = arith.constant 0 : index
      %swap3A_245 = tpu.vector_load %arg7[%swap3A_243, %swap3A_244] {strides = array<i32>} : memref<18x128xf32, #tpu.memory_space<vmem>>, vector<1x16xf32>,
      %swap3A_246 = vector.shape_cast %swap3A_245 : vector<1x16xf32> to vector<16xf32>
      %swap3A_247 = vector.shape_cast %select_n3A_241 : vector<16xf32> to vector<1x16xf32>
      tpu.vector_store %arg7[%swap3A_243, %swap3A_244], %swap3A_247 {strides = array<i32>} : memref<18x128xf32, #tpu.memory_space<vmem>>, vector<1x16xf32>,
      %slice3A_248 = vector.extract_strided_slice %get3A_11 {offsets = [0], sizes = [1], strides = [1]} : vector<16xf32> to vector<1xf32>
      %squeeze3A_249 = vector.extract %slice3A_248[0] : f32 from vector<1xf32>
      %eq3A_250 = arith.constant 16 : i32
      %eq3A_251 = vector.broadcast %eq3A_250 : i32 to vector<16xi32>
      %eq3A_252 = arith.cmpi eq, %get3A_14, %eq3A_251 : vector<16xi32>
      %jit3A_253 = arith.constant 0.000000e+00 : f32
      %broadcast_in_dim3A_254 = vector.broadcast %squeeze3A_249 : f32 to vector<16xf32>
      %broadcast_in_dim3A_255 = vector.broadcast %jit3A_253 : f32 to vector<16xf32>
      %select_n3A_256 = arith.select %eq3A_252, %broadcast_in_dim3A_254, %broadcast_in_dim3A_255 : vector<16xi1>, vector<16xf32>
      %swap3A_257 = arith.constant 16 : i32
      %swap3A_258 = arith.index_cast %swap3A_257 : i32 to index
      %swap3A_259 = arith.constant 0 : index
      %swap3A_260 = tpu.vector_load %arg7[%swap3A_258, %swap3A_259] {strides = array<i32>} : memref<18x128xf32, #tpu.memory_space<vmem>>, vector<1x16xf32>,
      %swap3A_261 = vector.shape_cast %swap3A_260 : vector<1x16xf32> to vector<16xf32>
      %swap3A_262 = vector.shape_cast %select_n3A_256 : vector<16xf32> to vector<1x16xf32>
      tpu.vector_store %arg7[%swap3A_258, %swap3A_259], %swap3A_262 {strides = array<i32>} : memref<18x128xf32, #tpu.memory_space<vmem>>, vector<1x16xf32>,
      %slice3A_263 = vector.extract_strided_slice %get3A_11 {offsets = [1], sizes = [1], strides = [1]} : vector<16xf32> to vector<1xf32>
      %squeeze3A_264 = vector.extract %slice3A_263[0] : f32 from vector<1xf32>
      %eq3A_265 = arith.constant 17 : i32
      %eq3A_266 = vector.broadcast %eq3A_265 : i32 to vector<16xi32>
      %eq3A_267 = arith.cmpi eq, %get3A_14, %eq3A_266 : vector<16xi32>
      %jit3A_268 = arith.constant 0.000000e+00 : f32
      %broadcast_in_dim3A_269 = vector.broadcast %squeeze3A_264 : f32 to vector<16xf32>
      %broadcast_in_dim3A_270 = vector.broadcast %jit3A_268 : f32 to vector<16xf32>
      %select_n3A_271 = arith.select %eq3A_267, %broadcast_in_dim3A_269, %broadcast_in_dim3A_270 : vector<16xi1>, vector<16xf32>
      %swap3A_272 = arith.constant 17 : i32
      %swap3A_273 = arith.index_cast %swap3A_272 : i32 to index
      %swap3A_274 = arith.constant 0 : index
      %swap3A_275 = tpu.vector_load %arg7[%swap3A_273, %swap3A_274] {strides = array<i32>} : memref<18x128xf32, #tpu.memory_space<vmem>>, vector<1x16xf32>,
      %swap3A_276 = vector.shape_cast %swap3A_275 : vector<1x16xf32> to vector<16xf32>
      %swap3A_277 = vector.shape_cast %select_n3A_271 : vector<16xf32> to vector<1x16xf32>
      tpu.vector_store %arg7[%swap3A_273, %swap3A_274], %swap3A_277 {strides = array<i32>} : memref<18x128xf32, #tpu.memory_space<vmem>>, vector<1x16xf32>,
      %get3A_278 = arith.constant 16 : index
      %get3A_279 = tpu.vector_load %arg6[%get3A_278] {strides = array<i32>} : memref<128xi32, #tpu.memory_space<vmem>>, vector<16xi32>,
      %get3A_280 = vector.shape_cast %get3A_279 : vector<16xi32> to vector<16xi32>
      %slice3A_281 = vector.extract_strided_slice %get3A_8 {offsets = [0], sizes = [1], strides = [1]} : vector<16xf32> to vector<1xf32>
      %squeeze3A_282 = vector.extract %slice3A_281[0] : f32 from vector<1xf32>
      %eq3A_283 = arith.constant 0 : i32
      %eq3A_284 = vector.broadcast %eq3A_283 : i32 to vector<16xi32>
      %eq3A_285 = arith.cmpi eq, %get3A_280, %eq3A_284 : vector<16xi32>
      %jit3A_286 = arith.constant 0.000000e+00 : f32
      %broadcast_in_dim3A_287 = vector.broadcast %squeeze3A_282 : f32 to vector<16xf32>
      %broadcast_in_dim3A_288 = vector.broadcast %jit3A_286 : f32 to vector<16xf32>
      %select_n3A_289 = arith.select %eq3A_285, %broadcast_in_dim3A_287, %broadcast_in_dim3A_288 : vector<16xi1>, vector<16xf32>
      %swap3A_290 = arith.constant 0 : i32
      %swap3A_291 = arith.index_cast %swap3A_290 : i32 to index
      %swap3A_292 = arith.constant 16 : index
      %swap3A_293 = tpu.vector_load %arg7[%swap3A_291, %swap3A_292] {strides = array<i32>} : memref<18x128xf32, #tpu.memory_space<vmem>>, vector<1x16xf32>,
      %swap3A_294 = vector.shape_cast %swap3A_293 : vector<1x16xf32> to vector<16xf32>
      %swap3A_295 = vector.shape_cast %select_n3A_289 : vector<16xf32> to vector<1x16xf32>
      tpu.vector_store %arg7[%swap3A_291, %swap3A_292], %swap3A_295 {strides = array<i32>} : memref<18x128xf32, #tpu.memory_space<vmem>>, vector<1x16xf32>,
      %slice3A_296 = vector.extract_strided_slice %get3A_8 {offsets = [1], sizes = [1], strides = [1]} : vector<16xf32> to vector<1xf32>
      %squeeze3A_297 = vector.extract %slice3A_296[0] : f32 from vector<1xf32>
      %eq3A_298 = arith.constant 1 : i32
      %eq3A_299 = vector.broadcast %eq3A_298 : i32 to vector<16xi32>
      %eq3A_300 = arith.cmpi eq, %get3A_280, %eq3A_299 : vector<16xi32>
      %jit3A_301 = arith.constant 0.000000e+00 : f32
      %broadcast_in_dim3A_302 = vector.broadcast %squeeze3A_297 : f32 to vector<16xf32>
      %broadcast_in_dim3A_303 = vector.broadcast %jit3A_301 : f32 to vector<16xf32>
      %select_n3A_304 = arith.select %eq3A_300, %broadcast_in_dim3A_302, %broadcast_in_dim3A_303 : vector<16xi1>, vector<16xf32>
      %swap3A_305 = arith.constant 1 : i32
      %swap3A_306 = arith.index_cast %swap3A_305 : i32 to index
      %swap3A_307 = arith.constant 16 : index
      %swap3A_308 = tpu.vector_load %arg7[%swap3A_306, %swap3A_307] {strides = array<i32>} : memref<18x128xf32, #tpu.memory_space<vmem>>, vector<1x16xf32>,
      %swap3A_309 = vector.shape_cast %swap3A_308 : vector<1x16xf32> to vector<16xf32>
      %swap3A_310 = vector.shape_cast %select_n3A_304 : vector<16xf32> to vector<1x16xf32>
      tpu.vector_store %arg7[%swap3A_306, %swap3A_307], %swap3A_310 {strides = array<i32>} : memref<18x128xf32, #tpu.memory_space<vmem>>, vector<1x16xf32>,
      %slice3A_311 = vector.extract_strided_slice %get3A_8 {offsets = [2], sizes = [1], strides = [1]} : vector<16xf32> to vector<1xf32>
      %squeeze3A_312 = vector.extract %slice3A_311[0] : f32 from vector<1xf32>
      %eq3A_313 = arith.constant 2 : i32
      %eq3A_314 = vector.broadcast %eq3A_313 : i32 to vector<16xi32>
      %eq3A_315 = arith.cmpi eq, %get3A_280, %eq3A_314 : vector<16xi32>
      %jit3A_316 = arith.constant 0.000000e+00 : f32
      %broadcast_in_dim3A_317 = vector.broadcast %squeeze3A_312 : f32 to vector<16xf32>
      %broadcast_in_dim3A_318 = vector.broadcast %jit3A_316 : f32 to vector<16xf32>
      %select_n3A_319 = arith.select %eq3A_315, %broadcast_in_dim3A_317, %broadcast_in_dim3A_318 : vector<16xi1>, vector<16xf32>
      %swap3A_320 = arith.constant 2 : i32
      %swap3A_321 = arith.index_cast %swap3A_320 : i32 to index
      %swap3A_322 = arith.constant 16 : index
      %swap3A_323 = tpu.vector_load %arg7[%swap3A_321, %swap3A_322] {strides = array<i32>} : memref<18x128xf32, #tpu.memory_space<vmem>>, vector<1x16xf32>,
      %swap3A_324 = vector.shape_cast %swap3A_323 : vector<1x16xf32> to vector<16xf32>
      %swap3A_325 = vector.shape_cast %select_n3A_319 : vector<16xf32> to vector<1x16xf32>
      tpu.vector_store %arg7[%swap3A_321, %swap3A_322], %swap3A_325 {strides = array<i32>} : memref<18x128xf32, #tpu.memory_space<vmem>>, vector<1x16xf32>,
      %slice3A_326 = vector.extract_strided_slice %get3A_8 {offsets = [3], sizes = [1], strides = [1]} : vector<16xf32> to vector<1xf32>
      %squeeze3A_327 = vector.extract %slice3A_326[0] : f32 from vector<1xf32>
      %eq3A_328 = arith.constant 3 : i32
      %eq3A_329 = vector.broadcast %eq3A_328 : i32 to vector<16xi32>
      %eq3A_330 = arith.cmpi eq, %get3A_280, %eq3A_329 : vector<16xi32>
      %jit3A_331 = arith.constant 0.000000e+00 : f32
      %broadcast_in_dim3A_332 = vector.broadcast %squeeze3A_327 : f32 to vector<16xf32>
      %broadcast_in_dim3A_333 = vector.broadcast %jit3A_331 : f32 to vector<16xf32>
      %select_n3A_334 = arith.select %eq3A_330, %broadcast_in_dim3A_332, %broadcast_in_dim3A_333 : vector<16xi1>, vector<16xf32>
      %swap3A_335 = arith.constant 3 : i32
      %swap3A_336 = arith.index_cast %swap3A_335 : i32 to index
      %swap3A_337 = arith.constant 16 : index
      %swap3A_338 = tpu.vector_load %arg7[%swap3A_336, %swap3A_337] {strides = array<i32>} : memref<18x128xf32, #tpu.memory_space<vmem>>, vector<1x16xf32>,
      %swap3A_339 = vector.shape_cast %swap3A_338 : vector<1x16xf32> to vector<16xf32>
      %swap3A_340 = vector.shape_cast %select_n3A_334 : vector<16xf32> to vector<1x16xf32>
      tpu.vector_store %arg7[%swap3A_336, %swap3A_337], %swap3A_340 {strides = array<i32>} : memref<18x128xf32, #tpu.memory_space<vmem>>, vector<1x16xf32>,
      %slice3A_341 = vector.extract_strided_slice %get3A_8 {offsets = [4], sizes = [1], strides = [1]} : vector<16xf32> to vector<1xf32>
      %squeeze3A_342 = vector.extract %slice3A_341[0] : f32 from vector<1xf32>
      %eq3A_343 = arith.constant 4 : i32
      %eq3A_344 = vector.broadcast %eq3A_343 : i32 to vector<16xi32>
      %eq3A_345 = arith.cmpi eq, %get3A_280, %eq3A_344 : vector<16xi32>
      %jit3A_346 = arith.constant 0.000000e+00 : f32
      %broadcast_in_dim3A_347 = vector.broadcast %squeeze3A_342 : f32 to vector<16xf32>
      %broadcast_in_dim3A_348 = vector.broadcast %jit3A_346 : f32 to vector<16xf32>
      %select_n3A_349 = arith.select %eq3A_345, %broadcast_in_dim3A_347, %broadcast_in_dim3A_348 : vector<16xi1>, vector<16xf32>
      %swap3A_350 = arith.constant 4 : i32
      %swap3A_351 = arith.index_cast %swap3A_350 : i32 to index
      %swap3A_352 = arith.constant 16 : index
      %swap3A_353 = tpu.vector_load %arg7[%swap3A_351, %swap3A_352] {strides = array<i32>} : memref<18x128xf32, #tpu.memory_space<vmem>>, vector<1x16xf32>,
      %swap3A_354 = vector.shape_cast %swap3A_353 : vector<1x16xf32> to vector<16xf32>
      %swap3A_355 = vector.shape_cast %select_n3A_349 : vector<16xf32> to vector<1x16xf32>
      tpu.vector_store %arg7[%swap3A_351, %swap3A_352], %swap3A_355 {strides = array<i32>} : memref<18x128xf32, #tpu.memory_space<vmem>>, vector<1x16xf32>,
      %slice3A_356 = vector.extract_strided_slice %get3A_8 {offsets = [5], sizes = [1], strides = [1]} : vector<16xf32> to vector<1xf32>
      %squeeze3A_357 = vector.extract %slice3A_356[0] : f32 from vector<1xf32>
      %eq3A_358 = arith.constant 5 : i32
      %eq3A_359 = vector.broadcast %eq3A_358 : i32 to vector<16xi32>
      %eq3A_360 = arith.cmpi eq, %get3A_280, %eq3A_359 : vector<16xi32>
      %jit3A_361 = arith.constant 0.000000e+00 : f32
      %broadcast_in_dim3A_362 = vector.broadcast %squeeze3A_357 : f32 to vector<16xf32>
      %broadcast_in_dim3A_363 = vector.broadcast %jit3A_361 : f32 to vector<16xf32>
      %select_n3A_364 = arith.select %eq3A_360, %broadcast_in_dim3A_362, %broadcast_in_dim3A_363 : vector<16xi1>, vector<16xf32>
      %swap3A_365 = arith.constant 5 : i32
      %swap3A_366 = arith.index_cast %swap3A_365 : i32 to index
      %swap3A_367 = arith.constant 16 : index
      %swap3A_368 = tpu.vector_load %arg7[%swap3A_366, %swap3A_367] {strides = array<i32>} : memref<18x128xf32, #tpu.memory_space<vmem>>, vector<1x16xf32>,
      %swap3A_369 = vector.shape_cast %swap3A_368 : vector<1x16xf32> to vector<16xf32>
      %swap3A_370 = vector.shape_cast %select_n3A_364 : vector<16xf32> to vector<1x16xf32>
      tpu.vector_store %arg7[%swap3A_366, %swap3A_367], %swap3A_370 {strides = array<i32>} : memref<18x128xf32, #tpu.memory_space<vmem>>, vector<1x16xf32>,
      %slice3A_371 = vector.extract_strided_slice %get3A_8 {offsets = [6], sizes = [1], strides = [1]} : vector<16xf32> to vector<1xf32>
      %squeeze3A_372 = vector.extract %slice3A_371[0] : f32 from vector<1xf32>
      %eq3A_373 = arith.constant 6 : i32
      %eq3A_374 = vector.broadcast %eq3A_373 : i32 to vector<16xi32>
      %eq3A_375 = arith.cmpi eq, %get3A_280, %eq3A_374 : vector<16xi32>
      %jit3A_376 = arith.constant 0.000000e+00 : f32
      %broadcast_in_dim3A_377 = vector.broadcast %squeeze3A_372 : f32 to vector<16xf32>
      %broadcast_in_dim3A_378 = vector.broadcast %jit3A_376 : f32 to vector<16xf32>
      %select_n3A_379 = arith.select %eq3A_375, %broadcast_in_dim3A_377, %broadcast_in_dim3A_378 : vector<16xi1>, vector<16xf32>
      %swap3A_380 = arith.constant 6 : i32
      %swap3A_381 = arith.index_cast %swap3A_380 : i32 to index
      %swap3A_382 = arith.constant 16 : index
      %swap3A_383 = tpu.vector_load %arg7[%swap3A_381, %swap3A_382] {strides = array<i32>} : memref<18x128xf32, #tpu.memory_space<vmem>>, vector<1x16xf32>,
      %swap3A_384 = vector.shape_cast %swap3A_383 : vector<1x16xf32> to vector<16xf32>
      %swap3A_385 = vector.shape_cast %select_n3A_379 : vector<16xf32> to vector<1x16xf32>
      tpu.vector_store %arg7[%swap3A_381, %swap3A_382], %swap3A_385 {strides = array<i32>} : memref<18x128xf32, #tpu.memory_space<vmem>>, vector<1x16xf32>,
      %slice3A_386 = vector.extract_strided_slice %get3A_8 {offsets = [7], sizes = [1], strides = [1]} : vector<16xf32> to vector<1xf32>
      %squeeze3A_387 = vector.extract %slice3A_386[0] : f32 from vector<1xf32>
      %eq3A_388 = arith.constant 7 : i32
      %eq3A_389 = vector.broadcast %eq3A_388 : i32 to vector<16xi32>
      %eq3A_390 = arith.cmpi eq, %get3A_280, %eq3A_389 : vector<16xi32>
      %jit3A_391 = arith.constant 0.000000e+00 : f32
      %broadcast_in_dim3A_392 = vector.broadcast %squeeze3A_387 : f32 to vector<16xf32>
      %broadcast_in_dim3A_393 = vector.broadcast %jit3A_391 : f32 to vector<16xf32>
      %select_n3A_394 = arith.select %eq3A_390, %broadcast_in_dim3A_392, %broadcast_in_dim3A_393 : vector<16xi1>, vector<16xf32>
      %swap3A_395 = arith.constant 7 : i32
      %swap3A_396 = arith.index_cast %swap3A_395 : i32 to index
      %swap3A_397 = arith.constant 16 : index
      %swap3A_398 = tpu.vector_load %arg7[%swap3A_396, %swap3A_397] {strides = array<i32>} : memref<18x128xf32, #tpu.memory_space<vmem>>, vector<1x16xf32>,
      %swap3A_399 = vector.shape_cast %swap3A_398 : vector<1x16xf32> to vector<16xf32>
      %swap3A_400 = vector.shape_cast %select_n3A_394 : vector<16xf32> to vector<1x16xf32>
      tpu.vector_store %arg7[%swap3A_396, %swap3A_397], %swap3A_400 {strides = array<i32>} : memref<18x128xf32, #tpu.memory_space<vmem>>, vector<1x16xf32>,
      %slice3A_401 = vector.extract_strided_slice %get3A_8 {offsets = [8], sizes = [1], strides = [1]} : vector<16xf32> to vector<1xf32>
      %squeeze3A_402 = vector.extract %slice3A_401[0] : f32 from vector<1xf32>
      %eq3A_403 = arith.constant 8 : i32
      %eq3A_404 = vector.broadcast %eq3A_403 : i32 to vector<16xi32>
      %eq3A_405 = arith.cmpi eq, %get3A_280, %eq3A_404 : vector<16xi32>
      %jit3A_406 = arith.constant 0.000000e+00 : f32
      %broadcast_in_dim3A_407 = vector.broadcast %squeeze3A_402 : f32 to vector<16xf32>
      %broadcast_in_dim3A_408 = vector.broadcast %jit3A_406 : f32 to vector<16xf32>
      %select_n3A_409 = arith.select %eq3A_405, %broadcast_in_dim3A_407, %broadcast_in_dim3A_408 : vector<16xi1>, vector<16xf32>
      %swap3A_410 = arith.constant 8 : i32
      %swap3A_411 = arith.index_cast %swap3A_410 : i32 to index
      %swap3A_412 = arith.constant 16 : index
      %swap3A_413 = tpu.vector_load %arg7[%swap3A_411, %swap3A_412] {strides = array<i32>} : memref<18x128xf32, #tpu.memory_space<vmem>>, vector<1x16xf32>,
      %swap3A_414 = vector.shape_cast %swap3A_413 : vector<1x16xf32> to vector<16xf32>
      %swap3A_415 = vector.shape_cast %select_n3A_409 : vector<16xf32> to vector<1x16xf32>
      tpu.vector_store %arg7[%swap3A_411, %swap3A_412], %swap3A_415 {strides = array<i32>} : memref<18x128xf32, #tpu.memory_space<vmem>>, vector<1x16xf32>,
      %slice3A_416 = vector.extract_strided_slice %get3A_8 {offsets = [9], sizes = [1], strides = [1]} : vector<16xf32> to vector<1xf32>
      %squeeze3A_417 = vector.extract %slice3A_416[0] : f32 from vector<1xf32>
      %eq3A_418 = arith.constant 9 : i32
      %eq3A_419 = vector.broadcast %eq3A_418 : i32 to vector<16xi32>
      %eq3A_420 = arith.cmpi eq, %get3A_280, %eq3A_419 : vector<16xi32>
      %jit3A_421 = arith.constant 0.000000e+00 : f32
      %broadcast_in_dim3A_422 = vector.broadcast %squeeze3A_417 : f32 to vector<16xf32>
      %broadcast_in_dim3A_423 = vector.broadcast %jit3A_421 : f32 to vector<16xf32>
      %select_n3A_424 = arith.select %eq3A_420, %broadcast_in_dim3A_422, %broadcast_in_dim3A_423 : vector<16xi1>, vector<16xf32>
      %swap3A_425 = arith.constant 9 : i32
      %swap3A_426 = arith.index_cast %swap3A_425 : i32 to index
      %swap3A_427 = arith.constant 16 : index
      %swap3A_428 = tpu.vector_load %arg7[%swap3A_426, %swap3A_427] {strides = array<i32>} : memref<18x128xf32, #tpu.memory_space<vmem>>, vector<1x16xf32>,
      %swap3A_429 = vector.shape_cast %swap3A_428 : vector<1x16xf32> to vector<16xf32>
      %swap3A_430 = vector.shape_cast %select_n3A_424 : vector<16xf32> to vector<1x16xf32>
      tpu.vector_store %arg7[%swap3A_426, %swap3A_427], %swap3A_430 {strides = array<i32>} : memref<18x128xf32, #tpu.memory_space<vmem>>, vector<1x16xf32>,
      %slice3A_431 = vector.extract_strided_slice %get3A_8 {offsets = [10], sizes = [1], strides = [1]} : vector<16xf32> to vector<1xf32>
      %squeeze3A_432 = vector.extract %slice3A_431[0] : f32 from vector<1xf32>
      %eq3A_433 = arith.constant 10 : i32
      %eq3A_434 = vector.broadcast %eq3A_433 : i32 to vector<16xi32>
      %eq3A_435 = arith.cmpi eq, %get3A_280, %eq3A_434 : vector<16xi32>
      %jit3A_436 = arith.constant 0.000000e+00 : f32
      %broadcast_in_dim3A_437 = vector.broadcast %squeeze3A_432 : f32 to vector<16xf32>
      %broadcast_in_dim3A_438 = vector.broadcast %jit3A_436 : f32 to vector<16xf32>
      %select_n3A_439 = arith.select %eq3A_435, %broadcast_in_dim3A_437, %broadcast_in_dim3A_438 : vector<16xi1>, vector<16xf32>
      %swap3A_440 = arith.constant 10 : i32
      %swap3A_441 = arith.index_cast %swap3A_440 : i32 to index
      %swap3A_442 = arith.constant 16 : index
      %swap3A_443 = tpu.vector_load %arg7[%swap3A_441, %swap3A_442] {strides = array<i32>} : memref<18x128xf32, #tpu.memory_space<vmem>>, vector<1x16xf32>,
      %swap3A_444 = vector.shape_cast %swap3A_443 : vector<1x16xf32> to vector<16xf32>
      %swap3A_445 = vector.shape_cast %select_n3A_439 : vector<16xf32> to vector<1x16xf32>
      tpu.vector_store %arg7[%swap3A_441, %swap3A_442], %swap3A_445 {strides = array<i32>} : memref<18x128xf32, #tpu.memory_space<vmem>>, vector<1x16xf32>,
      %slice3A_446 = vector.extract_strided_slice %get3A_8 {offsets = [11], sizes = [1], strides = [1]} : vector<16xf32> to vector<1xf32>
      %squeeze3A_447 = vector.extract %slice3A_446[0] : f32 from vector<1xf32>
      %eq3A_448 = arith.constant 11 : i32
      %eq3A_449 = vector.broadcast %eq3A_448 : i32 to vector<16xi32>
      %eq3A_450 = arith.cmpi eq, %get3A_280, %eq3A_449 : vector<16xi32>
      %jit3A_451 = arith.constant 0.000000e+00 : f32
      %broadcast_in_dim3A_452 = vector.broadcast %squeeze3A_447 : f32 to vector<16xf32>
      %broadcast_in_dim3A_453 = vector.broadcast %jit3A_451 : f32 to vector<16xf32>
      %select_n3A_454 = arith.select %eq3A_450, %broadcast_in_dim3A_452, %broadcast_in_dim3A_453 : vector<16xi1>, vector<16xf32>
      %swap3A_455 = arith.constant 11 : i32
      %swap3A_456 = arith.index_cast %swap3A_455 : i32 to index
      %swap3A_457 = arith.constant 16 : index
      %swap3A_458 = tpu.vector_load %arg7[%swap3A_456, %swap3A_457] {strides = array<i32>} : memref<18x128xf32, #tpu.memory_space<vmem>>, vector<1x16xf32>,
      %swap3A_459 = vector.shape_cast %swap3A_458 : vector<1x16xf32> to vector<16xf32>
      %swap3A_460 = vector.shape_cast %select_n3A_454 : vector<16xf32> to vector<1x16xf32>
      tpu.vector_store %arg7[%swap3A_456, %swap3A_457], %swap3A_460 {strides = array<i32>} : memref<18x128xf32, #tpu.memory_space<vmem>>, vector<1x16xf32>,
      %slice3A_461 = vector.extract_strided_slice %get3A_8 {offsets = [12], sizes = [1], strides = [1]} : vector<16xf32> to vector<1xf32>
      %squeeze3A_462 = vector.extract %slice3A_461[0] : f32 from vector<1xf32>
      %eq3A_463 = arith.constant 12 : i32
      %eq3A_464 = vector.broadcast %eq3A_463 : i32 to vector<16xi32>
      %eq3A_465 = arith.cmpi eq, %get3A_280, %eq3A_464 : vector<16xi32>
      %jit3A_466 = arith.constant 0.000000e+00 : f32
      %broadcast_in_dim3A_467 = vector.broadcast %squeeze3A_462 : f32 to vector<16xf32>
      %broadcast_in_dim3A_468 = vector.broadcast %jit3A_466 : f32 to vector<16xf32>
      %select_n3A_469 = arith.select %eq3A_465, %broadcast_in_dim3A_467, %broadcast_in_dim3A_468 : vector<16xi1>, vector<16xf32>
      %swap3A_470 = arith.constant 12 : i32
      %swap3A_471 = arith.index_cast %swap3A_470 : i32 to index
      %swap3A_472 = arith.constant 16 : index
      %swap3A_473 = tpu.vector_load %arg7[%swap3A_471, %swap3A_472] {strides = array<i32>} : memref<18x128xf32, #tpu.memory_space<vmem>>, vector<1x16xf32>,
      %swap3A_474 = vector.shape_cast %swap3A_473 : vector<1x16xf32> to vector<16xf32>
      %swap3A_475 = vector.shape_cast %select_n3A_469 : vector<16xf32> to vector<1x16xf32>
      tpu.vector_store %arg7[%swap3A_471, %swap3A_472], %swap3A_475 {strides = array<i32>} : memref<18x128xf32, #tpu.memory_space<vmem>>, vector<1x16xf32>,
      %slice3A_476 = vector.extract_strided_slice %get3A_8 {offsets = [13], sizes = [1], strides = [1]} : vector<16xf32> to vector<1xf32>
      %squeeze3A_477 = vector.extract %slice3A_476[0] : f32 from vector<1xf32>
      %eq3A_478 = arith.constant 13 : i32
      %eq3A_479 = vector.broadcast %eq3A_478 : i32 to vector<16xi32>
      %eq3A_480 = arith.cmpi eq, %get3A_280, %eq3A_479 : vector<16xi32>
      %jit3A_481 = arith.constant 0.000000e+00 : f32
      %broadcast_in_dim3A_482 = vector.broadcast %squeeze3A_477 : f32 to vector<16xf32>
      %broadcast_in_dim3A_483 = vector.broadcast %jit3A_481 : f32 to vector<16xf32>
      %select_n3A_484 = arith.select %eq3A_480, %broadcast_in_dim3A_482, %broadcast_in_dim3A_483 : vector<16xi1>, vector<16xf32>
      %swap3A_485 = arith.constant 13 : i32
      %swap3A_486 = arith.index_cast %swap3A_485 : i32 to index
      %swap3A_487 = arith.constant 16 : index
      %swap3A_488 = tpu.vector_load %arg7[%swap3A_486, %swap3A_487] {strides = array<i32>} : memref<18x128xf32, #tpu.memory_space<vmem>>, vector<1x16xf32>,
      %swap3A_489 = vector.shape_cast %swap3A_488 : vector<1x16xf32> to vector<16xf32>
      %swap3A_490 = vector.shape_cast %select_n3A_484 : vector<16xf32> to vector<1x16xf32>
      tpu.vector_store %arg7[%swap3A_486, %swap3A_487], %swap3A_490 {strides = array<i32>} : memref<18x128xf32, #tpu.memory_space<vmem>>, vector<1x16xf32>,
      %slice3A_491 = vector.extract_strided_slice %get3A_8 {offsets = [14], sizes = [1], strides = [1]} : vector<16xf32> to vector<1xf32>
      %squeeze3A_492 = vector.extract %slice3A_491[0] : f32 from vector<1xf32>
      %eq3A_493 = arith.constant 14 : i32
      %eq3A_494 = vector.broadcast %eq3A_493 : i32 to vector<16xi32>
      %eq3A_495 = arith.cmpi eq, %get3A_280, %eq3A_494 : vector<16xi32>
      %jit3A_496 = arith.constant 0.000000e+00 : f32
      %broadcast_in_dim3A_497 = vector.broadcast %squeeze3A_492 : f32 to vector<16xf32>
      %broadcast_in_dim3A_498 = vector.broadcast %jit3A_496 : f32 to vector<16xf32>
      %select_n3A_499 = arith.select %eq3A_495, %broadcast_in_dim3A_497, %broadcast_in_dim3A_498 : vector<16xi1>, vector<16xf32>
      %swap3A_500 = arith.constant 14 : i32
      %swap3A_501 = arith.index_cast %swap3A_500 : i32 to index
      %swap3A_502 = arith.constant 16 : index
      %swap3A_503 = tpu.vector_load %arg7[%swap3A_501, %swap3A_502] {strides = array<i32>} : memref<18x128xf32, #tpu.memory_space<vmem>>, vector<1x16xf32>,
      %swap3A_504 = vector.shape_cast %swap3A_503 : vector<1x16xf32> to vector<16xf32>
      %swap3A_505 = vector.shape_cast %select_n3A_499 : vector<16xf32> to vector<1x16xf32>
      tpu.vector_store %arg7[%swap3A_501, %swap3A_502], %swap3A_505 {strides = array<i32>} : memref<18x128xf32, #tpu.memory_space<vmem>>, vector<1x16xf32>,
      %slice3A_506 = vector.extract_strided_slice %get3A_8 {offsets = [15], sizes = [1], strides = [1]} : vector<16xf32> to vector<1xf32>
      %squeeze3A_507 = vector.extract %slice3A_506[0] : f32 from vector<1xf32>
      %eq3A_508 = arith.constant 15 : i32
      %eq3A_509 = vector.broadcast %eq3A_508 : i32 to vector<16xi32>
      %eq3A_510 = arith.cmpi eq, %get3A_280, %eq3A_509 : vector<16xi32>
      %jit3A_511 = arith.constant 0.000000e+00 : f32
      %broadcast_in_dim3A_512 = vector.broadcast %squeeze3A_507 : f32 to vector<16xf32>
      %broadcast_in_dim3A_513 = vector.broadcast %jit3A_511 : f32 to vector<16xf32>
      %select_n3A_514 = arith.select %eq3A_510, %broadcast_in_dim3A_512, %broadcast_in_dim3A_513 : vector<16xi1>, vector<16xf32>
      %swap3A_515 = arith.constant 15 : i32
      %swap3A_516 = arith.index_cast %swap3A_515 : i32 to index
      %swap3A_517 = arith.constant 16 : index
      %swap3A_518 = tpu.vector_load %arg7[%swap3A_516, %swap3A_517] {strides = array<i32>} : memref<18x128xf32, #tpu.memory_space<vmem>>, vector<1x16xf32>,
      %swap3A_519 = vector.shape_cast %swap3A_518 : vector<1x16xf32> to vector<16xf32>
      %swap3A_520 = vector.shape_cast %select_n3A_514 : vector<16xf32> to vector<1x16xf32>
      tpu.vector_store %arg7[%swap3A_516, %swap3A_517], %swap3A_520 {strides = array<i32>} : memref<18x128xf32, #tpu.memory_space<vmem>>, vector<1x16xf32>,
      %slice3A_521 = vector.extract_strided_slice %get3A_11 {offsets = [0], sizes = [1], strides = [1]} : vector<16xf32> to vector<1xf32>
      %squeeze3A_522 = vector.extract %slice3A_521[0] : f32 from vector<1xf32>
      %eq3A_523 = arith.constant 16 : i32
      %eq3A_524 = vector.broadcast %eq3A_523 : i32 to vector<16xi32>
      %eq3A_525 = arith.cmpi eq, %get3A_280, %eq3A_524 : vector<16xi32>
      %jit3A_526 = arith.constant 0.000000e+00 : f32
      %broadcast_in_dim3A_527 = vector.broadcast %squeeze3A_522 : f32 to vector<16xf32>
      %broadcast_in_dim3A_528 = vector.broadcast %jit3A_526 : f32 to vector<16xf32>
      %select_n3A_529 = arith.select %eq3A_525, %broadcast_in_dim3A_527, %broadcast_in_dim3A_528 : vector<16xi1>, vector<16xf32>
      %swap3A_530 = arith.constant 16 : i32
      %swap3A_531 = arith.index_cast %swap3A_530 : i32 to index
      %swap3A_532 = arith.constant 16 : index
      %swap3A_533 = tpu.vector_load %arg7[%swap3A_531, %swap3A_532] {strides = array<i32>} : memref<18x128xf32, #tpu.memory_space<vmem>>, vector<1x16xf32>,
      %swap3A_534 = vector.shape_cast %swap3A_533 : vector<1x16xf32> to vector<16xf32>
      %swap3A_535 = vector.shape_cast %select_n3A_529 : vector<16xf32> to vector<1x16xf32>
      tpu.vector_store %arg7[%swap3A_531, %swap3A_532], %swap3A_535 {strides = array<i32>} : memref<18x128xf32, #tpu.memory_space<vmem>>, vector<1x16xf32>,
      %slice3A_536 = vector.extract_strided_slice %get3A_11 {offsets = [1], sizes = [1], strides = [1]} : vector<16xf32> to vector<1xf32>
      %squeeze3A_537 = vector.extract %slice3A_536[0] : f32 from vector<1xf32>
      %eq3A_538 = arith.constant 17 : i32
      %eq3A_539 = vector.broadcast %eq3A_538 : i32 to vector<16xi32>
      %eq3A_540 = arith.cmpi eq, %get3A_280, %eq3A_539 : vector<16xi32>
      %jit3A_541 = arith.constant 0.000000e+00 : f32
      %broadcast_in_dim3A_542 = vector.broadcast %squeeze3A_537 : f32 to vector<16xf32>
      %broadcast_in_dim3A_543 = vector.broadcast %jit3A_541 : f32 to vector<16xf32>
      %select_n3A_544 = arith.select %eq3A_540, %broadcast_in_dim3A_542, %broadcast_in_dim3A_543 : vector<16xi1>, vector<16xf32>
      %swap3A_545 = arith.constant 17 : i32
      %swap3A_546 = arith.index_cast %swap3A_545 : i32 to index
      %swap3A_547 = arith.constant 16 : index
      %swap3A_548 = tpu.vector_load %arg7[%swap3A_546, %swap3A_547] {strides = array<i32>} : memref<18x128xf32, #tpu.memory_space<vmem>>, vector<1x16xf32>,
      %swap3A_549 = vector.shape_cast %swap3A_548 : vector<1x16xf32> to vector<16xf32>
      %swap3A_550 = vector.shape_cast %select_n3A_544 : vector<16xf32> to vector<1x16xf32>
      tpu.vector_store %arg7[%swap3A_546, %swap3A_547], %swap3A_550 {strides = array<i32>} : memref<18x128xf32, #tpu.memory_space<vmem>>, vector<1x16xf32>,
      %get3A_551 = arith.constant 32 : index
      %get3A_552 = tpu.vector_load %arg6[%get3A_551] {strides = array<i32>} : memref<128xi32, #tpu.memory_space<vmem>>, vector<16xi32>,
      %get3A_553 = vector.shape_cast %get3A_552 : vector<16xi32> to vector<16xi32>
      %slice3A_554 = vector.extract_strided_slice %get3A_8 {offsets = [0], sizes = [1], strides = [1]} : vector<16xf32> to vector<1xf32>
      %squeeze3A_555 = vector.extract %slice3A_554[0] : f32 from vector<1xf32>
      %eq3A_556 = arith.constant 0 : i32
      %eq3A_557 = vector.broadcast %eq3A_556 : i32 to vector<16xi32>
      %eq3A_558 = arith.cmpi eq, %get3A_553, %eq3A_557 : vector<16xi32>
      %jit3A_559 = arith.constant 0.000000e+00 : f32
      %broadcast_in_dim3A_560 = vector.broadcast %squeeze3A_555 : f32 to vector<16xf32>
      %broadcast_in_dim3A_561 = vector.broadcast %jit3A_559 : f32 to vector<16xf32>
      %select_n3A_562 = arith.select %eq3A_558, %broadcast_in_dim3A_560, %broadcast_in_dim3A_561 : vector<16xi1>, vector<16xf32>
      %swap3A_563 = arith.constant 0 : i32
      %swap3A_564 = arith.index_cast %swap3A_563 : i32 to index
      %swap3A_565 = arith.constant 32 : index
      %swap3A_566 = tpu.vector_load %arg7[%swap3A_564, %swap3A_565] {strides = array<i32>} : memref<18x128xf32, #tpu.memory_space<vmem>>, vector<1x16xf32>,
      %swap3A_567 = vector.shape_cast %swap3A_566 : vector<1x16xf32> to vector<16xf32>
      %swap3A_568 = vector.shape_cast %select_n3A_562 : vector<16xf32> to vector<1x16xf32>
      tpu.vector_store %arg7[%swap3A_564, %swap3A_565], %swap3A_568 {strides = array<i32>} : memref<18x128xf32, #tpu.memory_space<vmem>>, vector<1x16xf32>,
      %slice3A_569 = vector.extract_strided_slice %get3A_8 {offsets = [1], sizes = [1], strides = [1]} : vector<16xf32> to vector<1xf32>
      %squeeze3A_570 = vector.extract %slice3A_569[0] : f32 from vector<1xf32>
      %eq3A_571 = arith.constant 1 : i32
      %eq3A_572 = vector.broadcast %eq3A_571 : i32 to vector<16xi32>
      %eq3A_573 = arith.cmpi eq, %get3A_553, %eq3A_572 : vector<16xi32>
      %jit3A_574 = arith.constant 0.000000e+00 : f32
      %broadcast_in_dim3A_575 = vector.broadcast %squeeze3A_570 : f32 to vector<16xf32>
      %broadcast_in_dim3A_576 = vector.broadcast %jit3A_574 : f32 to vector<16xf32>
      %select_n3A_577 = arith.select %eq3A_573, %broadcast_in_dim3A_575, %broadcast_in_dim3A_576 : vector<16xi1>, vector<16xf32>
      %swap3A_578 = arith.constant 1 : i32
      %swap3A_579 = arith.index_cast %swap3A_578 : i32 to index
      %swap3A_580 = arith.constant 32 : index
      %swap3A_581 = tpu.vector_load %arg7[%swap3A_579, %swap3A_580] {strides = array<i32>} : memref<18x128xf32, #tpu.memory_space<vmem>>, vector<1x16xf32>,
      %swap3A_582 = vector.shape_cast %swap3A_581 : vector<1x16xf32> to vector<16xf32>
      %swap3A_583 = vector.shape_cast %select_n3A_577 : vector<16xf32> to vector<1x16xf32>
      tpu.vector_store %arg7[%swap3A_579, %swap3A_580], %swap3A_583 {strides = array<i32>} : memref<18x128xf32, #tpu.memory_space<vmem>>, vector<1x16xf32>,
      %slice3A_584 = vector.extract_strided_slice %get3A_8 {offsets = [2], sizes = [1], strides = [1]} : vector<16xf32> to vector<1xf32>
      %squeeze3A_585 = vector.extract %slice3A_584[0] : f32 from vector<1xf32>
      %eq3A_586 = arith.constant 2 : i32
      %eq3A_587 = vector.broadcast %eq3A_586 : i32 to vector<16xi32>
      %eq3A_588 = arith.cmpi eq, %get3A_553, %eq3A_587 : vector<16xi32>
      %jit3A_589 = arith.constant 0.000000e+00 : f32
      %broadcast_in_dim3A_590 = vector.broadcast %squeeze3A_585 : f32 to vector<16xf32>
      %broadcast_in_dim3A_591 = vector.broadcast %jit3A_589 : f32 to vector<16xf32>
      %select_n3A_592 = arith.select %eq3A_588, %broadcast_in_dim3A_590, %broadcast_in_dim3A_591 : vector<16xi1>, vector<16xf32>
      %swap3A_593 = arith.constant 2 : i32
      %swap3A_594 = arith.index_cast %swap3A_593 : i32 to index
      %swap3A_595 = arith.constant 32 : index
      %swap3A_596 = tpu.vector_load %arg7[%swap3A_594, %swap3A_595] {strides = array<i32>} : memref<18x128xf32, #tpu.memory_space<vmem>>, vector<1x16xf32>,
      %swap3A_597 = vector.shape_cast %swap3A_596 : vector<1x16xf32> to vector<16xf32>
      %swap3A_598 = vector.shape_cast %select_n3A_592 : vector<16xf32> to vector<1x16xf32>
      tpu.vector_store %arg7[%swap3A_594, %swap3A_595], %swap3A_598 {strides = array<i32>} : memref<18x128xf32, #tpu.memory_space<vmem>>, vector<1x16xf32>,
      %slice3A_599 = vector.extract_strided_slice %get3A_8 {offsets = [3], sizes = [1], strides = [1]} : vector<16xf32> to vector<1xf32>
      %squeeze3A_600 = vector.extract %slice3A_599[0] : f32 from vector<1xf32>
      %eq3A_601 = arith.constant 3 : i32
      %eq3A_602 = vector.broadcast %eq3A_601 : i32 to vector<16xi32>
      %eq3A_603 = arith.cmpi eq, %get3A_553, %eq3A_602 : vector<16xi32>
      %jit3A_604 = arith.constant 0.000000e+00 : f32
      %broadcast_in_dim3A_605 = vector.broadcast %squeeze3A_600 : f32 to vector<16xf32>
      %broadcast_in_dim3A_606 = vector.broadcast %jit3A_604 : f32 to vector<16xf32>
      %select_n3A_607 = arith.select %eq3A_603, %broadcast_in_dim3A_605, %broadcast_in_dim3A_606 : vector<16xi1>, vector<16xf32>
      %swap3A_608 = arith.constant 3 : i32
      %swap3A_609 = arith.index_cast %swap3A_608 : i32 to index
      %swap3A_610 = arith.constant 32 : index
      %swap3A_611 = tpu.vector_load %arg7[%swap3A_609, %swap3A_610] {strides = array<i32>} : memref<18x128xf32, #tpu.memory_space<vmem>>, vector<1x16xf32>,
      %swap3A_612 = vector.shape_cast %swap3A_611 : vector<1x16xf32> to vector<16xf32>
      %swap3A_613 = vector.shape_cast %select_n3A_607 : vector<16xf32> to vector<1x16xf32>
      tpu.vector_store %arg7[%swap3A_609, %swap3A_610], %swap3A_613 {strides = array<i32>} : memref<18x128xf32, #tpu.memory_space<vmem>>, vector<1x16xf32>,
      %slice3A_614 = vector.extract_strided_slice %get3A_8 {offsets = [4], sizes = [1], strides = [1]} : vector<16xf32> to vector<1xf32>
      %squeeze3A_615 = vector.extract %slice3A_614[0] : f32 from vector<1xf32>
      %eq3A_616 = arith.constant 4 : i32
      %eq3A_617 = vector.broadcast %eq3A_616 : i32 to vector<16xi32>
      %eq3A_618 = arith.cmpi eq, %get3A_553, %eq3A_617 : vector<16xi32>
      %jit3A_619 = arith.constant 0.000000e+00 : f32
      %broadcast_in_dim3A_620 = vector.broadcast %squeeze3A_615 : f32 to vector<16xf32>
      %broadcast_in_dim3A_621 = vector.broadcast %jit3A_619 : f32 to vector<16xf32>
      %select_n3A_622 = arith.select %eq3A_618, %broadcast_in_dim3A_620, %broadcast_in_dim3A_621 : vector<16xi1>, vector<16xf32>
      %swap3A_623 = arith.constant 4 : i32
      %swap3A_624 = arith.index_cast %swap3A_623 : i32 to index
      %swap3A_625 = arith.constant 32 : index
      %swap3A_626 = tpu.vector_load %arg7[%swap3A_624, %swap3A_625] {strides = array<i32>} : memref<18x128xf32, #tpu.memory_space<vmem>>, vector<1x16xf32>,
      %swap3A_627 = vector.shape_cast %swap3A_626 : vector<1x16xf32> to vector<16xf32>
      %swap3A_628 = vector.shape_cast %select_n3A_622 : vector<16xf32> to vector<1x16xf32>
      tpu.vector_store %arg7[%swap3A_624, %swap3A_625], %swap3A_628 {strides = array<i32>} : memref<18x128xf32, #tpu.memory_space<vmem>>, vector<1x16xf32>,
      %slice3A_629 = vector.extract_strided_slice %get3A_8 {offsets = [5], sizes = [1], strides = [1]} : vector<16xf32> to vector<1xf32>
      %squeeze3A_630 = vector.extract %slice3A_629[0] : f32 from vector<1xf32>
      %eq3A_631 = arith.constant 5 : i32
      %eq3A_632 = vector.broadcast %eq3A_631 : i32 to vector<16xi32>
      %eq3A_633 = arith.cmpi eq, %get3A_553, %eq3A_632 : vector<16xi32>
      %jit3A_634 = arith.constant 0.000000e+00 : f32
      %broadcast_in_dim3A_635 = vector.broadcast %squeeze3A_630 : f32 to vector<16xf32>
      %broadcast_in_dim3A_636 = vector.broadcast %jit3A_634 : f32 to vector<16xf32>
      %select_n3A_637 = arith.select %eq3A_633, %broadcast_in_dim3A_635, %broadcast_in_dim3A_636 : vector<16xi1>, vector<16xf32>
      %swap3A_638 = arith.constant 5 : i32
      %swap3A_639 = arith.index_cast %swap3A_638 : i32 to index
      %swap3A_640 = arith.constant 32 : index
      %swap3A_641 = tpu.vector_load %arg7[%swap3A_639, %swap3A_640] {strides = array<i32>} : memref<18x128xf32, #tpu.memory_space<vmem>>, vector<1x16xf32>,
      %swap3A_642 = vector.shape_cast %swap3A_641 : vector<1x16xf32> to vector<16xf32>
      %swap3A_643 = vector.shape_cast %select_n3A_637 : vector<16xf32> to vector<1x16xf32>
      tpu.vector_store %arg7[%swap3A_639, %swap3A_640], %swap3A_643 {strides = array<i32>} : memref<18x128xf32, #tpu.memory_space<vmem>>, vector<1x16xf32>,
      %slice3A_644 = vector.extract_strided_slice %get3A_8 {offsets = [6], sizes = [1], strides = [1]} : vector<16xf32> to vector<1xf32>
      %squeeze3A_645 = vector.extract %slice3A_644[0] : f32 from vector<1xf32>
      %eq3A_646 = arith.constant 6 : i32
      %eq3A_647 = vector.broadcast %eq3A_646 : i32 to vector<16xi32>
      %eq3A_648 = arith.cmpi eq, %get3A_553, %eq3A_647 : vector<16xi32>
      %jit3A_649 = arith.constant 0.000000e+00 : f32
      %broadcast_in_dim3A_650 = vector.broadcast %squeeze3A_645 : f32 to vector<16xf32>
      %broadcast_in_dim3A_651 = vector.broadcast %jit3A_649 : f32 to vector<16xf32>
      %select_n3A_652 = arith.select %eq3A_648, %broadcast_in_dim3A_650, %broadcast_in_dim3A_651 : vector<16xi1>, vector<16xf32>
      %swap3A_653 = arith.constant 6 : i32
      %swap3A_654 = arith.index_cast %swap3A_653 : i32 to index
      %swap3A_655 = arith.constant 32 : index
      %swap3A_656 = tpu.vector_load %arg7[%swap3A_654, %swap3A_655] {strides = array<i32>} : memref<18x128xf32, #tpu.memory_space<vmem>>, vector<1x16xf32>,
      %swap3A_657 = vector.shape_cast %swap3A_656 : vector<1x16xf32> to vector<16xf32>
      %swap3A_658 = vector.shape_cast %select_n3A_652 : vector<16xf32> to vector<1x16xf32>
      tpu.vector_store %arg7[%swap3A_654, %swap3A_655], %swap3A_658 {strides = array<i32>} : memref<18x128xf32, #tpu.memory_space<vmem>>, vector<1x16xf32>,
      %slice3A_659 = vector.extract_strided_slice %get3A_8 {offsets = [7], sizes = [1], strides = [1]} : vector<16xf32> to vector<1xf32>
      %squeeze3A_660 = vector.extract %slice3A_659[0] : f32 from vector<1xf32>
      %eq3A_661 = arith.constant 7 : i32
      %eq3A_662 = vector.broadcast %eq3A_661 : i32 to vector<16xi32>
      %eq3A_663 = arith.cmpi eq, %get3A_553, %eq3A_662 : vector<16xi32>
      %jit3A_664 = arith.constant 0.000000e+00 : f32
      %broadcast_in_dim3A_665 = vector.broadcast %squeeze3A_660 : f32 to vector<16xf32>
      %broadcast_in_dim3A_666 = vector.broadcast %jit3A_664 : f32 to vector<16xf32>
      %select_n3A_667 = arith.select %eq3A_663, %broadcast_in_dim3A_665, %broadcast_in_dim3A_666 : vector<16xi1>, vector<16xf32>
      %swap3A_668 = arith.constant 7 : i32
      %swap3A_669 = arith.index_cast %swap3A_668 : i32 to index
      %swap3A_670 = arith.constant 32 : index
      %swap3A_671 = tpu.vector_load %arg7[%swap3A_669, %swap3A_670] {strides = array<i32>} : memref<18x128xf32, #tpu.memory_space<vmem>>, vector<1x16xf32>,
      %swap3A_672 = vector.shape_cast %swap3A_671 : vector<1x16xf32> to vector<16xf32>
      %swap3A_673 = vector.shape_cast %select_n3A_667 : vector<16xf32> to vector<1x16xf32>
      tpu.vector_store %arg7[%swap3A_669, %swap3A_670], %swap3A_673 {strides = array<i32>} : memref<18x128xf32, #tpu.memory_space<vmem>>, vector<1x16xf32>,
      %slice3A_674 = vector.extract_strided_slice %get3A_8 {offsets = [8], sizes = [1], strides = [1]} : vector<16xf32> to vector<1xf32>
      %squeeze3A_675 = vector.extract %slice3A_674[0] : f32 from vector<1xf32>
      %eq3A_676 = arith.constant 8 : i32
      %eq3A_677 = vector.broadcast %eq3A_676 : i32 to vector<16xi32>
      %eq3A_678 = arith.cmpi eq, %get3A_553, %eq3A_677 : vector<16xi32>
      %jit3A_679 = arith.constant 0.000000e+00 : f32
      %broadcast_in_dim3A_680 = vector.broadcast %squeeze3A_675 : f32 to vector<16xf32>
      %broadcast_in_dim3A_681 = vector.broadcast %jit3A_679 : f32 to vector<16xf32>
      %select_n3A_682 = arith.select %eq3A_678, %broadcast_in_dim3A_680, %broadcast_in_dim3A_681 : vector<16xi1>, vector<16xf32>
      %swap3A_683 = arith.constant 8 : i32
      %swap3A_684 = arith.index_cast %swap3A_683 : i32 to index
      %swap3A_685 = arith.constant 32 : index
      %swap3A_686 = tpu.vector_load %arg7[%swap3A_684, %swap3A_685] {strides = array<i32>} : memref<18x128xf32, #tpu.memory_space<vmem>>, vector<1x16xf32>,
      %swap3A_687 = vector.shape_cast %swap3A_686 : vector<1x16xf32> to vector<16xf32>
      %swap3A_688 = vector.shape_cast %select_n3A_682 : vector<16xf32> to vector<1x16xf32>
      tpu.vector_store %arg7[%swap3A_684, %swap3A_685], %swap3A_688 {strides = array<i32>} : memref<18x128xf32, #tpu.memory_space<vmem>>, vector<1x16xf32>,
      %slice3A_689 = vector.extract_strided_slice %get3A_8 {offsets = [9], sizes = [1], strides = [1]} : vector<16xf32> to vector<1xf32>
      %squeeze3A_690 = vector.extract %slice3A_689[0] : f32 from vector<1xf32>
      %eq3A_691 = arith.constant 9 : i32
      %eq3A_692 = vector.broadcast %eq3A_691 : i32 to vector<16xi32>
      %eq3A_693 = arith.cmpi eq, %get3A_553, %eq3A_692 : vector<16xi32>
      %jit3A_694 = arith.constant 0.000000e+00 : f32
      %broadcast_in_dim3A_695 = vector.broadcast %squeeze3A_690 : f32 to vector<16xf32>
      %broadcast_in_dim3A_696 = vector.broadcast %jit3A_694 : f32 to vector<16xf32>
      %select_n3A_697 = arith.select %eq3A_693, %broadcast_in_dim3A_695, %broadcast_in_dim3A_696 : vector<16xi1>, vector<16xf32>
      %swap3A_698 = arith.constant 9 : i32
      %swap3A_699 = arith.index_cast %swap3A_698 : i32 to index
      %swap3A_700 = arith.constant 32 : index
      %swap3A_701 = tpu.vector_load %arg7[%swap3A_699, %swap3A_700] {strides = array<i32>} : memref<18x128xf32, #tpu.memory_space<vmem>>, vector<1x16xf32>,
      %swap3A_702 = vector.shape_cast %swap3A_701 : vector<1x16xf32> to vector<16xf32>
      %swap3A_703 = vector.shape_cast %select_n3A_697 : vector<16xf32> to vector<1x16xf32>
      tpu.vector_store %arg7[%swap3A_699, %swap3A_700], %swap3A_703 {strides = array<i32>} : memref<18x128xf32, #tpu.memory_space<vmem>>, vector<1x16xf32>,
      %slice3A_704 = vector.extract_strided_slice %get3A_8 {offsets = [10], sizes = [1], strides = [1]} : vector<16xf32> to vector<1xf32>
      %squeeze3A_705 = vector.extract %slice3A_704[0] : f32 from vector<1xf32>
      %eq3A_706 = arith.constant 10 : i32
      %eq3A_707 = vector.broadcast %eq3A_706 : i32 to vector<16xi32>
      %eq3A_708 = arith.cmpi eq, %get3A_553, %eq3A_707 : vector<16xi32>
      %jit3A_709 = arith.constant 0.000000e+00 : f32
      %broadcast_in_dim3A_710 = vector.broadcast %squeeze3A_705 : f32 to vector<16xf32>
      %broadcast_in_dim3A_711 = vector.broadcast %jit3A_709 : f32 to vector<16xf32>
      %select_n3A_712 = arith.select %eq3A_708, %broadcast_in_dim3A_710, %broadcast_in_dim3A_711 : vector<16xi1>, vector<16xf32>
      %swap3A_713 = arith.constant 10 : i32
      %swap3A_714 = arith.index_cast %swap3A_713 : i32 to index
      %swap3A_715 = arith.constant 32 : index
      %swap3A_716 = tpu.vector_load %arg7[%swap3A_714, %swap3A_715] {strides = array<i32>} : memref<18x128xf32, #tpu.memory_space<vmem>>, vector<1x16xf32>,
      %swap3A_717 = vector.shape_cast %swap3A_716 : vector<1x16xf32> to vector<16xf32>
      %swap3A_718 = vector.shape_cast %select_n3A_712 : vector<16xf32> to vector<1x16xf32>
      tpu.vector_store %arg7[%swap3A_714, %swap3A_715], %swap3A_718 {strides = array<i32>} : memref<18x128xf32, #tpu.memory_space<vmem>>, vector<1x16xf32>,
      %slice3A_719 = vector.extract_strided_slice %get3A_8 {offsets = [11], sizes = [1], strides = [1]} : vector<16xf32> to vector<1xf32>
      %squeeze3A_720 = vector.extract %slice3A_719[0] : f32 from vector<1xf32>
      %eq3A_721 = arith.constant 11 : i32
      %eq3A_722 = vector.broadcast %eq3A_721 : i32 to vector<16xi32>
      %eq3A_723 = arith.cmpi eq, %get3A_553, %eq3A_722 : vector<16xi32>
      %jit3A_724 = arith.constant 0.000000e+00 : f32
      %broadcast_in_dim3A_725 = vector.broadcast %squeeze3A_720 : f32 to vector<16xf32>
      %broadcast_in_dim3A_726 = vector.broadcast %jit3A_724 : f32 to vector<16xf32>
      %select_n3A_727 = arith.select %eq3A_723, %broadcast_in_dim3A_725, %broadcast_in_dim3A_726 : vector<16xi1>, vector<16xf32>
      %swap3A_728 = arith.constant 11 : i32
      %swap3A_729 = arith.index_cast %swap3A_728 : i32 to index
      %swap3A_730 = arith.constant 32 : index
      %swap3A_731 = tpu.vector_load %arg7[%swap3A_729, %swap3A_730] {strides = array<i32>} : memref<18x128xf32, #tpu.memory_space<vmem>>, vector<1x16xf32>,
      %swap3A_732 = vector.shape_cast %swap3A_731 : vector<1x16xf32> to vector<16xf32>
      %swap3A_733 = vector.shape_cast %select_n3A_727 : vector<16xf32> to vector<1x16xf32>
      tpu.vector_store %arg7[%swap3A_729, %swap3A_730], %swap3A_733 {strides = array<i32>} : memref<18x128xf32, #tpu.memory_space<vmem>>, vector<1x16xf32>,
      %slice3A_734 = vector.extract_strided_slice %get3A_8 {offsets = [12], sizes = [1], strides = [1]} : vector<16xf32> to vector<1xf32>
      %squeeze3A_735 = vector.extract %slice3A_734[0] : f32 from vector<1xf32>
      %eq3A_736 = arith.constant 12 : i32
      %eq3A_737 = vector.broadcast %eq3A_736 : i32 to vector<16xi32>
      %eq3A_738 = arith.cmpi eq, %get3A_553, %eq3A_737 : vector<16xi32>
      %jit3A_739 = arith.constant 0.000000e+00 : f32
      %broadcast_in_dim3A_740 = vector.broadcast %squeeze3A_735 : f32 to vector<16xf32>
      %broadcast_in_dim3A_741 = vector.broadcast %jit3A_739 : f32 to vector<16xf32>
      %select_n3A_742 = arith.select %eq3A_738, %broadcast_in_dim3A_740, %broadcast_in_dim3A_741 : vector<16xi1>, vector<16xf32>
      %swap3A_743 = arith.constant 12 : i32
      %swap3A_744 = arith.index_cast %swap3A_743 : i32 to index
      %swap3A_745 = arith.constant 32 : index
      %swap3A_746 = tpu.vector_load %arg7[%swap3A_744, %swap3A_745] {strides = array<i32>} : memref<18x128xf32, #tpu.memory_space<vmem>>, vector<1x16xf32>,
      %swap3A_747 = vector.shape_cast %swap3A_746 : vector<1x16xf32> to vector<16xf32>
      %swap3A_748 = vector.shape_cast %select_n3A_742 : vector<16xf32> to vector<1x16xf32>
      tpu.vector_store %arg7[%swap3A_744, %swap3A_745], %swap3A_748 {strides = array<i32>} : memref<18x128xf32, #tpu.memory_space<vmem>>, vector<1x16xf32>,
      %slice3A_749 = vector.extract_strided_slice %get3A_8 {offsets = [13], sizes = [1], strides = [1]} : vector<16xf32> to vector<1xf32>
      %squeeze3A_750 = vector.extract %slice3A_749[0] : f32 from vector<1xf32>
      %eq3A_751 = arith.constant 13 : i32
      %eq3A_752 = vector.broadcast %eq3A_751 : i32 to vector<16xi32>
      %eq3A_753 = arith.cmpi eq, %get3A_553, %eq3A_752 : vector<16xi32>
      %jit3A_754 = arith.constant 0.000000e+00 : f32
      %broadcast_in_dim3A_755 = vector.broadcast %squeeze3A_750 : f32 to vector<16xf32>
      %broadcast_in_dim3A_756 = vector.broadcast %jit3A_754 : f32 to vector<16xf32>
      %select_n3A_757 = arith.select %eq3A_753, %broadcast_in_dim3A_755, %broadcast_in_dim3A_756 : vector<16xi1>, vector<16xf32>
      %swap3A_758 = arith.constant 13 : i32
      %swap3A_759 = arith.index_cast %swap3A_758 : i32 to index
      %swap3A_760 = arith.constant 32 : index
      %swap3A_761 = tpu.vector_load %arg7[%swap3A_759, %swap3A_760] {strides = array<i32>} : memref<18x128xf32, #tpu.memory_space<vmem>>, vector<1x16xf32>,
      %swap3A_762 = vector.shape_cast %swap3A_761 : vector<1x16xf32> to vector<16xf32>
      %swap3A_763 = vector.shape_cast %select_n3A_757 : vector<16xf32> to vector<1x16xf32>
      tpu.vector_store %arg7[%swap3A_759, %swap3A_760], %swap3A_763 {strides = array<i32>} : memref<18x128xf32, #tpu.memory_space<vmem>>, vector<1x16xf32>,
      %slice3A_764 = vector.extract_strided_slice %get3A_8 {offsets = [14], sizes = [1], strides = [1]} : vector<16xf32> to vector<1xf32>
      %squeeze3A_765 = vector.extract %slice3A_764[0] : f32 from vector<1xf32>
      %eq3A_766 = arith.constant 14 : i32
      %eq3A_767 = vector.broadcast %eq3A_766 : i32 to vector<16xi32>
      %eq3A_768 = arith.cmpi eq, %get3A_553, %eq3A_767 : vector<16xi32>
      %jit3A_769 = arith.constant 0.000000e+00 : f32
      %broadcast_in_dim3A_770 = vector.broadcast %squeeze3A_765 : f32 to vector<16xf32>
      %broadcast_in_dim3A_771 = vector.broadcast %jit3A_769 : f32 to vector<16xf32>
      %select_n3A_772 = arith.select %eq3A_768, %broadcast_in_dim3A_770, %broadcast_in_dim3A_771 : vector<16xi1>, vector<16xf32>
      %swap3A_773 = arith.constant 14 : i32
      %swap3A_774 = arith.index_cast %swap3A_773 : i32 to index
      %swap3A_775 = arith.constant 32 : index
      %swap3A_776 = tpu.vector_load %arg7[%swap3A_774, %swap3A_775] {strides = array<i32>} : memref<18x128xf32, #tpu.memory_space<vmem>>, vector<1x16xf32>,
      %swap3A_777 = vector.shape_cast %swap3A_776 : vector<1x16xf32> to vector<16xf32>
      %swap3A_778 = vector.shape_cast %select_n3A_772 : vector<16xf32> to vector<1x16xf32>
      tpu.vector_store %arg7[%swap3A_774, %swap3A_775], %swap3A_778 {strides = array<i32>} : memref<18x128xf32, #tpu.memory_space<vmem>>, vector<1x16xf32>,
      %slice3A_779 = vector.extract_strided_slice %get3A_8 {offsets = [15], sizes = [1], strides = [1]} : vector<16xf32> to vector<1xf32>
      %squeeze3A_780 = vector.extract %slice3A_779[0] : f32 from vector<1xf32>
      %eq3A_781 = arith.constant 15 : i32
      %eq3A_782 = vector.broadcast %eq3A_781 : i32 to vector<16xi32>
      %eq3A_783 = arith.cmpi eq, %get3A_553, %eq3A_782 : vector<16xi32>
      %jit3A_784 = arith.constant 0.000000e+00 : f32
      %broadcast_in_dim3A_785 = vector.broadcast %squeeze3A_780 : f32 to vector<16xf32>
      %broadcast_in_dim3A_786 = vector.broadcast %jit3A_784 : f32 to vector<16xf32>
      %select_n3A_787 = arith.select %eq3A_783, %broadcast_in_dim3A_785, %broadcast_in_dim3A_786 : vector<16xi1>, vector<16xf32>
      %swap3A_788 = arith.constant 15 : i32
      %swap3A_789 = arith.index_cast %swap3A_788 : i32 to index
      %swap3A_790 = arith.constant 32 : index
      %swap3A_791 = tpu.vector_load %arg7[%swap3A_789, %swap3A_790] {strides = array<i32>} : memref<18x128xf32, #tpu.memory_space<vmem>>, vector<1x16xf32>,
      %swap3A_792 = vector.shape_cast %swap3A_791 : vector<1x16xf32> to vector<16xf32>
      %swap3A_793 = vector.shape_cast %select_n3A_787 : vector<16xf32> to vector<1x16xf32>
      tpu.vector_store %arg7[%swap3A_789, %swap3A_790], %swap3A_793 {strides = array<i32>} : memref<18x128xf32, #tpu.memory_space<vmem>>, vector<1x16xf32>,
      %slice3A_794 = vector.extract_strided_slice %get3A_11 {offsets = [0], sizes = [1], strides = [1]} : vector<16xf32> to vector<1xf32>
      %squeeze3A_795 = vector.extract %slice3A_794[0] : f32 from vector<1xf32>
      %eq3A_796 = arith.constant 16 : i32
      %eq3A_797 = vector.broadcast %eq3A_796 : i32 to vector<16xi32>
      %eq3A_798 = arith.cmpi eq, %get3A_553, %eq3A_797 : vector<16xi32>
      %jit3A_799 = arith.constant 0.000000e+00 : f32
      %broadcast_in_dim3A_800 = vector.broadcast %squeeze3A_795 : f32 to vector<16xf32>
      %broadcast_in_dim3A_801 = vector.broadcast %jit3A_799 : f32 to vector<16xf32>
      %select_n3A_802 = arith.select %eq3A_798, %broadcast_in_dim3A_800, %broadcast_in_dim3A_801 : vector<16xi1>, vector<16xf32>
      %swap3A_803 = arith.constant 16 : i32
      %swap3A_804 = arith.index_cast %swap3A_803 : i32 to index
      %swap3A_805 = arith.constant 32 : index
      %swap3A_806 = tpu.vector_load %arg7[%swap3A_804, %swap3A_805] {strides = array<i32>} : memref<18x128xf32, #tpu.memory_space<vmem>>, vector<1x16xf32>,
      %swap3A_807 = vector.shape_cast %swap3A_806 : vector<1x16xf32> to vector<16xf32>
      %swap3A_808 = vector.shape_cast %select_n3A_802 : vector<16xf32> to vector<1x16xf32>
      tpu.vector_store %arg7[%swap3A_804, %swap3A_805], %swap3A_808 {strides = array<i32>} : memref<18x128xf32, #tpu.memory_space<vmem>>, vector<1x16xf32>,
      %slice3A_809 = vector.extract_strided_slice %get3A_11 {offsets = [1], sizes = [1], strides = [1]} : vector<16xf32> to vector<1xf32>
      %squeeze3A_810 = vector.extract %slice3A_809[0] : f32 from vector<1xf32>
      %eq3A_811 = arith.constant 17 : i32
      %eq3A_812 = vector.broadcast %eq3A_811 : i32 to vector<16xi32>
      %eq3A_813 = arith.cmpi eq, %get3A_553, %eq3A_812 : vector<16xi32>
      %jit3A_814 = arith.constant 0.000000e+00 : f32
      %broadcast_in_dim3A_815 = vector.broadcast %squeeze3A_810 : f32 to vector<16xf32>
      %broadcast_in_dim3A_816 = vector.broadcast %jit3A_814 : f32 to vector<16xf32>
      %select_n3A_817 = arith.select %eq3A_813, %broadcast_in_dim3A_815, %broadcast_in_dim3A_816 : vector<16xi1>, vector<16xf32>
      %swap3A_818 = arith.constant 17 : i32
      %swap3A_819 = arith.index_cast %swap3A_818 : i32 to index
      %swap3A_820 = arith.constant 32 : index
      %swap3A_821 = tpu.vector_load %arg7[%swap3A_819, %swap3A_820] {strides = array<i32>} : memref<18x128xf32, #tpu.memory_space<vmem>>, vector<1x16xf32>,
      %swap3A_822 = vector.shape_cast %swap3A_821 : vector<1x16xf32> to vector<16xf32>
      %swap3A_823 = vector.shape_cast %select_n3A_817 : vector<16xf32> to vector<1x16xf32>
      tpu.vector_store %arg7[%swap3A_819, %swap3A_820], %swap3A_823 {strides = array<i32>} : memref<18x128xf32, #tpu.memory_space<vmem>>, vector<1x16xf32>,
      %get3A_824 = arith.constant 48 : index
      %get3A_825 = tpu.vector_load %arg6[%get3A_824] {strides = array<i32>} : memref<128xi32, #tpu.memory_space<vmem>>, vector<16xi32>,
      %get3A_826 = vector.shape_cast %get3A_825 : vector<16xi32> to vector<16xi32>
      %slice3A_827 = vector.extract_strided_slice %get3A_8 {offsets = [0], sizes = [1], strides = [1]} : vector<16xf32> to vector<1xf32>
      %squeeze3A_828 = vector.extract %slice3A_827[0] : f32 from vector<1xf32>
      %eq3A_829 = arith.constant 0 : i32
      %eq3A_830 = vector.broadcast %eq3A_829 : i32 to vector<16xi32>
      %eq3A_831 = arith.cmpi eq, %get3A_826, %eq3A_830 : vector<16xi32>
      %jit3A_832 = arith.constant 0.000000e+00 : f32
      %broadcast_in_dim3A_833 = vector.broadcast %squeeze3A_828 : f32 to vector<16xf32>
      %broadcast_in_dim3A_834 = vector.broadcast %jit3A_832 : f32 to vector<16xf32>
      %select_n3A_835 = arith.select %eq3A_831, %broadcast_in_dim3A_833, %broadcast_in_dim3A_834 : vector<16xi1>, vector<16xf32>
      %swap3A_836 = arith.constant 0 : i32
      %swap3A_837 = arith.index_cast %swap3A_836 : i32 to index
      %swap3A_838 = arith.constant 48 : index
      %swap3A_839 = tpu.vector_load %arg7[%swap3A_837, %swap3A_838] {strides = array<i32>} : memref<18x128xf32, #tpu.memory_space<vmem>>, vector<1x16xf32>,
      %swap3A_840 = vector.shape_cast %swap3A_839 : vector<1x16xf32> to vector<16xf32>
      %swap3A_841 = vector.shape_cast %select_n3A_835 : vector<16xf32> to vector<1x16xf32>
      tpu.vector_store %arg7[%swap3A_837, %swap3A_838], %swap3A_841 {strides = array<i32>} : memref<18x128xf32, #tpu.memory_space<vmem>>, vector<1x16xf32>,
      %slice3A_842 = vector.extract_strided_slice %get3A_8 {offsets = [1], sizes = [1], strides = [1]} : vector<16xf32> to vector<1xf32>
      %squeeze3A_843 = vector.extract %slice3A_842[0] : f32 from vector<1xf32>
      %eq3A_844 = arith.constant 1 : i32
      %eq3A_845 = vector.broadcast %eq3A_844 : i32 to vector<16xi32>
      %eq3A_846 = arith.cmpi eq, %get3A_826, %eq3A_845 : vector<16xi32>
      %jit3A_847 = arith.constant 0.000000e+00 : f32
      %broadcast_in_dim3A_848 = vector.broadcast %squeeze3A_843 : f32 to vector<16xf32>
      %broadcast_in_dim3A_849 = vector.broadcast %jit3A_847 : f32 to vector<16xf32>
      %select_n3A_850 = arith.select %eq3A_846, %broadcast_in_dim3A_848, %broadcast_in_dim3A_849 : vector<16xi1>, vector<16xf32>
      %swap3A_851 = arith.constant 1 : i32
      %swap3A_852 = arith.index_cast %swap3A_851 : i32 to index
      %swap3A_853 = arith.constant 48 : index
      %swap3A_854 = tpu.vector_load %arg7[%swap3A_852, %swap3A_853] {strides = array<i32>} : memref<18x128xf32, #tpu.memory_space<vmem>>, vector<1x16xf32>,
      %swap3A_855 = vector.shape_cast %swap3A_854 : vector<1x16xf32> to vector<16xf32>
      %swap3A_856 = vector.shape_cast %select_n3A_850 : vector<16xf32> to vector<1x16xf32>
      tpu.vector_store %arg7[%swap3A_852, %swap3A_853], %swap3A_856 {strides = array<i32>} : memref<18x128xf32, #tpu.memory_space<vmem>>, vector<1x16xf32>,
      %slice3A_857 = vector.extract_strided_slice %get3A_8 {offsets = [2], sizes = [1], strides = [1]} : vector<16xf32> to vector<1xf32>
      %squeeze3A_858 = vector.extract %slice3A_857[0] : f32 from vector<1xf32>
      %eq3A_859 = arith.constant 2 : i32
      %eq3A_860 = vector.broadcast %eq3A_859 : i32 to vector<16xi32>
      %eq3A_861 = arith.cmpi eq, %get3A_826, %eq3A_860 : vector<16xi32>
      %jit3A_862 = arith.constant 0.000000e+00 : f32
      %broadcast_in_dim3A_863 = vector.broadcast %squeeze3A_858 : f32 to vector<16xf32>
      %broadcast_in_dim3A_864 = vector.broadcast %jit3A_862 : f32 to vector<16xf32>
      %select_n3A_865 = arith.select %eq3A_861, %broadcast_in_dim3A_863, %broadcast_in_dim3A_864 : vector<16xi1>, vector<16xf32>
      %swap3A_866 = arith.constant 2 : i32
      %swap3A_867 = arith.index_cast %swap3A_866 : i32 to index
      %swap3A_868 = arith.constant 48 : index
      %swap3A_869 = tpu.vector_load %arg7[%swap3A_867, %swap3A_868] {strides = array<i32>} : memref<18x128xf32, #tpu.memory_space<vmem>>, vector<1x16xf32>,
      %swap3A_870 = vector.shape_cast %swap3A_869 : vector<1x16xf32> to vector<16xf32>
      %swap3A_871 = vector.shape_cast %select_n3A_865 : vector<16xf32> to vector<1x16xf32>
      tpu.vector_store %arg7[%swap3A_867, %swap3A_868], %swap3A_871 {strides = array<i32>} : memref<18x128xf32, #tpu.memory_space<vmem>>, vector<1x16xf32>,
      %slice3A_872 = vector.extract_strided_slice %get3A_8 {offsets = [3], sizes = [1], strides = [1]} : vector<16xf32> to vector<1xf32>
      %squeeze3A_873 = vector.extract %slice3A_872[0] : f32 from vector<1xf32>
      %eq3A_874 = arith.constant 3 : i32
      %eq3A_875 = vector.broadcast %eq3A_874 : i32 to vector<16xi32>
      %eq3A_876 = arith.cmpi eq, %get3A_826, %eq3A_875 : vector<16xi32>
      %jit3A_877 = arith.constant 0.000000e+00 : f32
      %broadcast_in_dim3A_878 = vector.broadcast %squeeze3A_873 : f32 to vector<16xf32>
      %broadcast_in_dim3A_879 = vector.broadcast %jit3A_877 : f32 to vector<16xf32>
      %select_n3A_880 = arith.select %eq3A_876, %broadcast_in_dim3A_878, %broadcast_in_dim3A_879 : vector<16xi1>, vector<16xf32>
      %swap3A_881 = arith.constant 3 : i32
      %swap3A_882 = arith.index_cast %swap3A_881 : i32 to index
      %swap3A_883 = arith.constant 48 : index
      %swap3A_884 = tpu.vector_load %arg7[%swap3A_882, %swap3A_883] {strides = array<i32>} : memref<18x128xf32, #tpu.memory_space<vmem>>, vector<1x16xf32>,
      %swap3A_885 = vector.shape_cast %swap3A_884 : vector<1x16xf32> to vector<16xf32>
      %swap3A_886 = vector.shape_cast %select_n3A_880 : vector<16xf32> to vector<1x16xf32>
      tpu.vector_store %arg7[%swap3A_882, %swap3A_883], %swap3A_886 {strides = array<i32>} : memref<18x128xf32, #tpu.memory_space<vmem>>, vector<1x16xf32>,
      %slice3A_887 = vector.extract_strided_slice %get3A_8 {offsets = [4], sizes = [1], strides = [1]} : vector<16xf32> to vector<1xf32>
      %squeeze3A_888 = vector.extract %slice3A_887[0] : f32 from vector<1xf32>
      %eq3A_889 = arith.constant 4 : i32
      %eq3A_890 = vector.broadcast %eq3A_889 : i32 to vector<16xi32>
      %eq3A_891 = arith.cmpi eq, %get3A_826, %eq3A_890 : vector<16xi32>
      %jit3A_892 = arith.constant 0.000000e+00 : f32
      %broadcast_in_dim3A_893 = vector.broadcast %squeeze3A_888 : f32 to vector<16xf32>
      %broadcast_in_dim3A_894 = vector.broadcast %jit3A_892 : f32 to vector<16xf32>
      %select_n3A_895 = arith.select %eq3A_891, %broadcast_in_dim3A_893, %broadcast_in_dim3A_894 : vector<16xi1>, vector<16xf32>
      %swap3A_896 = arith.constant 4 : i32
      %swap3A_897 = arith.index_cast %swap3A_896 : i32 to index
      %swap3A_898 = arith.constant 48 : index
      %swap3A_899 = tpu.vector_load %arg7[%swap3A_897, %swap3A_898] {strides = array<i32>} : memref<18x128xf32, #tpu.memory_space<vmem>>, vector<1x16xf32>,
      %swap3A_900 = vector.shape_cast %swap3A_899 : vector<1x16xf32> to vector<16xf32>
      %swap3A_901 = vector.shape_cast %select_n3A_895 : vector<16xf32> to vector<1x16xf32>
      tpu.vector_store %arg7[%swap3A_897, %swap3A_898], %swap3A_901 {strides = array<i32>} : memref<18x128xf32, #tpu.memory_space<vmem>>, vector<1x16xf32>,
      %slice3A_902 = vector.extract_strided_slice %get3A_8 {offsets = [5], sizes = [1], strides = [1]} : vector<16xf32> to vector<1xf32>
      %squeeze3A_903 = vector.extract %slice3A_902[0] : f32 from vector<1xf32>
      %eq3A_904 = arith.constant 5 : i32
      %eq3A_905 = vector.broadcast %eq3A_904 : i32 to vector<16xi32>
      %eq3A_906 = arith.cmpi eq, %get3A_826, %eq3A_905 : vector<16xi32>
      %jit3A_907 = arith.constant 0.000000e+00 : f32
      %broadcast_in_dim3A_908 = vector.broadcast %squeeze3A_903 : f32 to vector<16xf32>
      %broadcast_in_dim3A_909 = vector.broadcast %jit3A_907 : f32 to vector<16xf32>
      %select_n3A_910 = arith.select %eq3A_906, %broadcast_in_dim3A_908, %broadcast_in_dim3A_909 : vector<16xi1>, vector<16xf32>
      %swap3A_911 = arith.constant 5 : i32
      %swap3A_912 = arith.index_cast %swap3A_911 : i32 to index
      %swap3A_913 = arith.constant 48 : index
      %swap3A_914 = tpu.vector_load %arg7[%swap3A_912, %swap3A_913] {strides = array<i32>} : memref<18x128xf32, #tpu.memory_space<vmem>>, vector<1x16xf32>,
      %swap3A_915 = vector.shape_cast %swap3A_914 : vector<1x16xf32> to vector<16xf32>
      %swap3A_916 = vector.shape_cast %select_n3A_910 : vector<16xf32> to vector<1x16xf32>
      tpu.vector_store %arg7[%swap3A_912, %swap3A_913], %swap3A_916 {strides = array<i32>} : memref<18x128xf32, #tpu.memory_space<vmem>>, vector<1x16xf32>,
      %slice3A_917 = vector.extract_strided_slice %get3A_8 {offsets = [6], sizes = [1], strides = [1]} : vector<16xf32> to vector<1xf32>
      %squeeze3A_918 = vector.extract %slice3A_917[0] : f32 from vector<1xf32>
      %eq3A_919 = arith.constant 6 : i32
      %eq3A_920 = vector.broadcast %eq3A_919 : i32 to vector<16xi32>
      %eq3A_921 = arith.cmpi eq, %get3A_826, %eq3A_920 : vector<16xi32>
      %jit3A_922 = arith.constant 0.000000e+00 : f32
      %broadcast_in_dim3A_923 = vector.broadcast %squeeze3A_918 : f32 to vector<16xf32>
      %broadcast_in_dim3A_924 = vector.broadcast %jit3A_922 : f32 to vector<16xf32>
      %select_n3A_925 = arith.select %eq3A_921, %broadcast_in_dim3A_923, %broadcast_in_dim3A_924 : vector<16xi1>, vector<16xf32>
      %swap3A_926 = arith.constant 6 : i32
      %swap3A_927 = arith.index_cast %swap3A_926 : i32 to index
      %swap3A_928 = arith.constant 48 : index
      %swap3A_929 = tpu.vector_load %arg7[%swap3A_927, %swap3A_928] {strides = array<i32>} : memref<18x128xf32, #tpu.memory_space<vmem>>, vector<1x16xf32>,
      %swap3A_930 = vector.shape_cast %swap3A_929 : vector<1x16xf32> to vector<16xf32>
      %swap3A_931 = vector.shape_cast %select_n3A_925 : vector<16xf32> to vector<1x16xf32>
      tpu.vector_store %arg7[%swap3A_927, %swap3A_928], %swap3A_931 {strides = array<i32>} : memref<18x128xf32, #tpu.memory_space<vmem>>, vector<1x16xf32>,
      %slice3A_932 = vector.extract_strided_slice %get3A_8 {offsets = [7], sizes = [1], strides = [1]} : vector<16xf32> to vector<1xf32>
      %squeeze3A_933 = vector.extract %slice3A_932[0] : f32 from vector<1xf32>
      %eq3A_934 = arith.constant 7 : i32
      %eq3A_935 = vector.broadcast %eq3A_934 : i32 to vector<16xi32>
      %eq3A_936 = arith.cmpi eq, %get3A_826, %eq3A_935 : vector<16xi32>
      %jit3A_937 = arith.constant 0.000000e+00 : f32
      %broadcast_in_dim3A_938 = vector.broadcast %squeeze3A_933 : f32 to vector<16xf32>
      %broadcast_in_dim3A_939 = vector.broadcast %jit3A_937 : f32 to vector<16xf32>
      %select_n3A_940 = arith.select %eq3A_936, %broadcast_in_dim3A_938, %broadcast_in_dim3A_939 : vector<16xi1>, vector<16xf32>
      %swap3A_941 = arith.constant 7 : i32
      %swap3A_942 = arith.index_cast %swap3A_941 : i32 to index
      %swap3A_943 = arith.constant 48 : index
      %swap3A_944 = tpu.vector_load %arg7[%swap3A_942, %swap3A_943] {strides = array<i32>} : memref<18x128xf32, #tpu.memory_space<vmem>>, vector<1x16xf32>,
      %swap3A_945 = vector.shape_cast %swap3A_944 : vector<1x16xf32> to vector<16xf32>
      %swap3A_946 = vector.shape_cast %select_n3A_940 : vector<16xf32> to vector<1x16xf32>
      tpu.vector_store %arg7[%swap3A_942, %swap3A_943], %swap3A_946 {strides = array<i32>} : memref<18x128xf32, #tpu.memory_space<vmem>>, vector<1x16xf32>,
      %slice3A_947 = vector.extract_strided_slice %get3A_8 {offsets = [8], sizes = [1], strides = [1]} : vector<16xf32> to vector<1xf32>
      %squeeze3A_948 = vector.extract %slice3A_947[0] : f32 from vector<1xf32>
      %eq3A_949 = arith.constant 8 : i32
      %eq3A_950 = vector.broadcast %eq3A_949 : i32 to vector<16xi32>
      %eq3A_951 = arith.cmpi eq, %get3A_826, %eq3A_950 : vector<16xi32>
      %jit3A_952 = arith.constant 0.000000e+00 : f32
      %broadcast_in_dim3A_953 = vector.broadcast %squeeze3A_948 : f32 to vector<16xf32>
      %broadcast_in_dim3A_954 = vector.broadcast %jit3A_952 : f32 to vector<16xf32>
      %select_n3A_955 = arith.select %eq3A_951, %broadcast_in_dim3A_953, %broadcast_in_dim3A_954 : vector<16xi1>, vector<16xf32>
      %swap3A_956 = arith.constant 8 : i32
      %swap3A_957 = arith.index_cast %swap3A_956 : i32 to index
      %swap3A_958 = arith.constant 48 : index
      %swap3A_959 = tpu.vector_load %arg7[%swap3A_957, %swap3A_958] {strides = array<i32>} : memref<18x128xf32, #tpu.memory_space<vmem>>, vector<1x16xf32>,
      %swap3A_960 = vector.shape_cast %swap3A_959 : vector<1x16xf32> to vector<16xf32>
      %swap3A_961 = vector.shape_cast %select_n3A_955 : vector<16xf32> to vector<1x16xf32>
      tpu.vector_store %arg7[%swap3A_957, %swap3A_958], %swap3A_961 {strides = array<i32>} : memref<18x128xf32, #tpu.memory_space<vmem>>, vector<1x16xf32>,
      %slice3A_962 = vector.extract_strided_slice %get3A_8 {offsets = [9], sizes = [1], strides = [1]} : vector<16xf32> to vector<1xf32>
      %squeeze3A_963 = vector.extract %slice3A_962[0] : f32 from vector<1xf32>
      %eq3A_964 = arith.constant 9 : i32
      %eq3A_965 = vector.broadcast %eq3A_964 : i32 to vector<16xi32>
      %eq3A_966 = arith.cmpi eq, %get3A_826, %eq3A_965 : vector<16xi32>
      %jit3A_967 = arith.constant 0.000000e+00 : f32
      %broadcast_in_dim3A_968 = vector.broadcast %squeeze3A_963 : f32 to vector<16xf32>
      %broadcast_in_dim3A_969 = vector.broadcast %jit3A_967 : f32 to vector<16xf32>
      %select_n3A_970 = arith.select %eq3A_966, %broadcast_in_dim3A_968, %broadcast_in_dim3A_969 : vector<16xi1>, vector<16xf32>
      %swap3A_971 = arith.constant 9 : i32
      %swap3A_972 = arith.index_cast %swap3A_971 : i32 to index
      %swap3A_973 = arith.constant 48 : index
      %swap3A_974 = tpu.vector_load %arg7[%swap3A_972, %swap3A_973] {strides = array<i32>} : memref<18x128xf32, #tpu.memory_space<vmem>>, vector<1x16xf32>,
      %swap3A_975 = vector.shape_cast %swap3A_974 : vector<1x16xf32> to vector<16xf32>
      %swap3A_976 = vector.shape_cast %select_n3A_970 : vector<16xf32> to vector<1x16xf32>
      tpu.vector_store %arg7[%swap3A_972, %swap3A_973], %swap3A_976 {strides = array<i32>} : memref<18x128xf32, #tpu.memory_space<vmem>>, vector<1x16xf32>,
      %slice3A_977 = vector.extract_strided_slice %get3A_8 {offsets = [10], sizes = [1], strides = [1]} : vector<16xf32> to vector<1xf32>
      %squeeze3A_978 = vector.extract %slice3A_977[0] : f32 from vector<1xf32>
      %eq3A_979 = arith.constant 10 : i32
      %eq3A_980 = vector.broadcast %eq3A_979 : i32 to vector<16xi32>
      %eq3A_981 = arith.cmpi eq, %get3A_826, %eq3A_980 : vector<16xi32>
      %jit3A_982 = arith.constant 0.000000e+00 : f32
      %broadcast_in_dim3A_983 = vector.broadcast %squeeze3A_978 : f32 to vector<16xf32>
      %broadcast_in_dim3A_984 = vector.broadcast %jit3A_982 : f32 to vector<16xf32>
      %select_n3A_985 = arith.select %eq3A_981, %broadcast_in_dim3A_983, %broadcast_in_dim3A_984 : vector<16xi1>, vector<16xf32>
      %swap3A_986 = arith.constant 10 : i32
      %swap3A_987 = arith.index_cast %swap3A_986 : i32 to index
      %swap3A_988 = arith.constant 48 : index
      %swap3A_989 = tpu.vector_load %arg7[%swap3A_987, %swap3A_988] {strides = array<i32>} : memref<18x128xf32, #tpu.memory_space<vmem>>, vector<1x16xf32>,
      %swap3A_990 = vector.shape_cast %swap3A_989 : vector<1x16xf32> to vector<16xf32>
      %swap3A_991 = vector.shape_cast %select_n3A_985 : vector<16xf32> to vector<1x16xf32>
      tpu.vector_store %arg7[%swap3A_987, %swap3A_988], %swap3A_991 {strides = array<i32>} : memref<18x128xf32, #tpu.memory_space<vmem>>, vector<1x16xf32>,
      %slice3A_992 = vector.extract_strided_slice %get3A_8 {offsets = [11], sizes = [1], strides = [1]} : vector<16xf32> to vector<1xf32>
      %squeeze3A_993 = vector.extract %slice3A_992[0] : f32 from vector<1xf32>
      %eq3A_994 = arith.constant 11 : i32
      %eq3A_995 = vector.broadcast %eq3A_994 : i32 to vector<16xi32>
      %eq3A_996 = arith.cmpi eq, %get3A_826, %eq3A_995 : vector<16xi32>
      %jit3A_997 = arith.constant 0.000000e+00 : f32
      %broadcast_in_dim3A_998 = vector.broadcast %squeeze3A_993 : f32 to vector<16xf32>
      %broadcast_in_dim3A_999 = vector.broadcast %jit3A_997 : f32 to vector<16xf32>
      %select_n3A_1000 = arith.select %eq3A_996, %broadcast_in_dim3A_998, %broadcast_in_dim3A_999 : vector<16xi1>, vector<16xf32>
      %swap3A_1001 = arith.constant 11 : i32
      %swap3A_1002 = arith.index_cast %swap3A_1001 : i32 to index
      %swap3A_1003 = arith.constant 48 : index
      %swap3A_1004 = tpu.vector_load %arg7[%swap3A_1002, %swap3A_1003] {strides = array<i32>} : memref<18x128xf32, #tpu.memory_space<vmem>>, vector<1x16xf32>,
      %swap3A_1005 = vector.shape_cast %swap3A_1004 : vector<1x16xf32> to vector<16xf32>
      %swap3A_1006 = vector.shape_cast %select_n3A_1000 : vector<16xf32> to vector<1x16xf32>
      tpu.vector_store %arg7[%swap3A_1002, %swap3A_1003], %swap3A_1006 {strides = array<i32>} : memref<18x128xf32, #tpu.memory_space<vmem>>, vector<1x16xf32>,
      %slice3A_1007 = vector.extract_strided_slice %get3A_8 {offsets = [12], sizes = [1], strides = [1]} : vector<16xf32> to vector<1xf32>
      %squeeze3A_1008 = vector.extract %slice3A_1007[0] : f32 from vector<1xf32>
      %eq3A_1009 = arith.constant 12 : i32
      %eq3A_1010 = vector.broadcast %eq3A_1009 : i32 to vector<16xi32>
      %eq3A_1011 = arith.cmpi eq, %get3A_826, %eq3A_1010 : vector<16xi32>
      %jit3A_1012 = arith.constant 0.000000e+00 : f32
      %broadcast_in_dim3A_1013 = vector.broadcast %squeeze3A_1008 : f32 to vector<16xf32>
      %broadcast_in_dim3A_1014 = vector.broadcast %jit3A_1012 : f32 to vector<16xf32>
      %select_n3A_1015 = arith.select %eq3A_1011, %broadcast_in_dim3A_1013, %broadcast_in_dim3A_1014 : vector<16xi1>, vector<16xf32>
      %swap3A_1016 = arith.constant 12 : i32
      %swap3A_1017 = arith.index_cast %swap3A_1016 : i32 to index
      %swap3A_1018 = arith.constant 48 : index
      %swap3A_1019 = tpu.vector_load %arg7[%swap3A_1017, %swap3A_1018] {strides = array<i32>} : memref<18x128xf32, #tpu.memory_space<vmem>>, vector<1x16xf32>,
      %swap3A_1020 = vector.shape_cast %swap3A_1019 : vector<1x16xf32> to vector<16xf32>
      %swap3A_1021 = vector.shape_cast %select_n3A_1015 : vector<16xf32> to vector<1x16xf32>
      tpu.vector_store %arg7[%swap3A_1017, %swap3A_1018], %swap3A_1021 {strides = array<i32>} : memref<18x128xf32, #tpu.memory_space<vmem>>, vector<1x16xf32>,
      %slice3A_1022 = vector.extract_strided_slice %get3A_8 {offsets = [13], sizes = [1], strides = [1]} : vector<16xf32> to vector<1xf32>
      %squeeze3A_1023 = vector.extract %slice3A_1022[0] : f32 from vector<1xf32>
      %eq3A_1024 = arith.constant 13 : i32
      %eq3A_1025 = vector.broadcast %eq3A_1024 : i32 to vector<16xi32>
      %eq3A_1026 = arith.cmpi eq, %get3A_826, %eq3A_1025 : vector<16xi32>
      %jit3A_1027 = arith.constant 0.000000e+00 : f32
      %broadcast_in_dim3A_1028 = vector.broadcast %squeeze3A_1023 : f32 to vector<16xf32>
      %broadcast_in_dim3A_1029 = vector.broadcast %jit3A_1027 : f32 to vector<16xf32>
      %select_n3A_1030 = arith.select %eq3A_1026, %broadcast_in_dim3A_1028, %broadcast_in_dim3A_1029 : vector<16xi1>, vector<16xf32>
      %swap3A_1031 = arith.constant 13 : i32
      %swap3A_1032 = arith.index_cast %swap3A_1031 : i32 to index
      %swap3A_1033 = arith.constant 48 : index
      %swap3A_1034 = tpu.vector_load %arg7[%swap3A_1032, %swap3A_1033] {strides = array<i32>} : memref<18x128xf32, #tpu.memory_space<vmem>>, vector<1x16xf32>,
      %swap3A_1035 = vector.shape_cast %swap3A_1034 : vector<1x16xf32> to vector<16xf32>
      %swap3A_1036 = vector.shape_cast %select_n3A_1030 : vector<16xf32> to vector<1x16xf32>
      tpu.vector_store %arg7[%swap3A_1032, %swap3A_1033], %swap3A_1036 {strides = array<i32>} : memref<18x128xf32, #tpu.memory_space<vmem>>, vector<1x16xf32>,
      %slice3A_1037 = vector.extract_strided_slice %get3A_8 {offsets = [14], sizes = [1], strides = [1]} : vector<16xf32> to vector<1xf32>
      %squeeze3A_1038 = vector.extract %slice3A_1037[0] : f32 from vector<1xf32>
      %eq3A_1039 = arith.constant 14 : i32
      %eq3A_1040 = vector.broadcast %eq3A_1039 : i32 to vector<16xi32>
      %eq3A_1041 = arith.cmpi eq, %get3A_826, %eq3A_1040 : vector<16xi32>
      %jit3A_1042 = arith.constant 0.000000e+00 : f32
      %broadcast_in_dim3A_1043 = vector.broadcast %squeeze3A_1038 : f32 to vector<16xf32>
      %broadcast_in_dim3A_1044 = vector.broadcast %jit3A_1042 : f32 to vector<16xf32>
      %select_n3A_1045 = arith.select %eq3A_1041, %broadcast_in_dim3A_1043, %broadcast_in_dim3A_1044 : vector<16xi1>, vector<16xf32>
      %swap3A_1046 = arith.constant 14 : i32
      %swap3A_1047 = arith.index_cast %swap3A_1046 : i32 to index
      %swap3A_1048 = arith.constant 48 : index
      %swap3A_1049 = tpu.vector_load %arg7[%swap3A_1047, %swap3A_1048] {strides = array<i32>} : memref<18x128xf32, #tpu.memory_space<vmem>>, vector<1x16xf32>,
      %swap3A_1050 = vector.shape_cast %swap3A_1049 : vector<1x16xf32> to vector<16xf32>
      %swap3A_1051 = vector.shape_cast %select_n3A_1045 : vector<16xf32> to vector<1x16xf32>
      tpu.vector_store %arg7[%swap3A_1047, %swap3A_1048], %swap3A_1051 {strides = array<i32>} : memref<18x128xf32, #tpu.memory_space<vmem>>, vector<1x16xf32>,
      %slice3A_1052 = vector.extract_strided_slice %get3A_8 {offsets = [15], sizes = [1], strides = [1]} : vector<16xf32> to vector<1xf32>
      %squeeze3A_1053 = vector.extract %slice3A_1052[0] : f32 from vector<1xf32>
      %eq3A_1054 = arith.constant 15 : i32
      %eq3A_1055 = vector.broadcast %eq3A_1054 : i32 to vector<16xi32>
      %eq3A_1056 = arith.cmpi eq, %get3A_826, %eq3A_1055 : vector<16xi32>
      %jit3A_1057 = arith.constant 0.000000e+00 : f32
      %broadcast_in_dim3A_1058 = vector.broadcast %squeeze3A_1053 : f32 to vector<16xf32>
      %broadcast_in_dim3A_1059 = vector.broadcast %jit3A_1057 : f32 to vector<16xf32>
      %select_n3A_1060 = arith.select %eq3A_1056, %broadcast_in_dim3A_1058, %broadcast_in_dim3A_1059 : vector<16xi1>, vector<16xf32>
      %swap3A_1061 = arith.constant 15 : i32
      %swap3A_1062 = arith.index_cast %swap3A_1061 : i32 to index
      %swap3A_1063 = arith.constant 48 : index
      %swap3A_1064 = tpu.vector_load %arg7[%swap3A_1062, %swap3A_1063] {strides = array<i32>} : memref<18x128xf32, #tpu.memory_space<vmem>>, vector<1x16xf32>,
      %swap3A_1065 = vector.shape_cast %swap3A_1064 : vector<1x16xf32> to vector<16xf32>
      %swap3A_1066 = vector.shape_cast %select_n3A_1060 : vector<16xf32> to vector<1x16xf32>
      tpu.vector_store %arg7[%swap3A_1062, %swap3A_1063], %swap3A_1066 {strides = array<i32>} : memref<18x128xf32, #tpu.memory_space<vmem>>, vector<1x16xf32>,
      %slice3A_1067 = vector.extract_strided_slice %get3A_11 {offsets = [0], sizes = [1], strides = [1]} : vector<16xf32> to vector<1xf32>
      %squeeze3A_1068 = vector.extract %slice3A_1067[0] : f32 from vector<1xf32>
      %eq3A_1069 = arith.constant 16 : i32
      %eq3A_1070 = vector.broadcast %eq3A_1069 : i32 to vector<16xi32>
      %eq3A_1071 = arith.cmpi eq, %get3A_826, %eq3A_1070 : vector<16xi32>
      %jit3A_1072 = arith.constant 0.000000e+00 : f32
      %broadcast_in_dim3A_1073 = vector.broadcast %squeeze3A_1068 : f32 to vector<16xf32>
      %broadcast_in_dim3A_1074 = vector.broadcast %jit3A_1072 : f32 to vector<16xf32>
      %select_n3A_1075 = arith.select %eq3A_1071, %broadcast_in_dim3A_1073, %broadcast_in_dim3A_1074 : vector<16xi1>, vector<16xf32>
      %swap3A_1076 = arith.constant 16 : i32
      %swap3A_1077 = arith.index_cast %swap3A_1076 : i32 to index
      %swap3A_1078 = arith.constant 48 : index
      %swap3A_1079 = tpu.vector_load %arg7[%swap3A_1077, %swap3A_1078] {strides = array<i32>} : memref<18x128xf32, #tpu.memory_space<vmem>>, vector<1x16xf32>,
      %swap3A_1080 = vector.shape_cast %swap3A_1079 : vector<1x16xf32> to vector<16xf32>
      %swap3A_1081 = vector.shape_cast %select_n3A_1075 : vector<16xf32> to vector<1x16xf32>
      tpu.vector_store %arg7[%swap3A_1077, %swap3A_1078], %swap3A_1081 {strides = array<i32>} : memref<18x128xf32, #tpu.memory_space<vmem>>, vector<1x16xf32>,
      %slice3A_1082 = vector.extract_strided_slice %get3A_11 {offsets = [1], sizes = [1], strides = [1]} : vector<16xf32> to vector<1xf32>
      %squeeze3A_1083 = vector.extract %slice3A_1082[0] : f32 from vector<1xf32>
      %eq3A_1084 = arith.constant 17 : i32
      %eq3A_1085 = vector.broadcast %eq3A_1084 : i32 to vector<16xi32>
      %eq3A_1086 = arith.cmpi eq, %get3A_826, %eq3A_1085 : vector<16xi32>
      %jit3A_1087 = arith.constant 0.000000e+00 : f32
      %broadcast_in_dim3A_1088 = vector.broadcast %squeeze3A_1083 : f32 to vector<16xf32>
      %broadcast_in_dim3A_1089 = vector.broadcast %jit3A_1087 : f32 to vector<16xf32>
      %select_n3A_1090 = arith.select %eq3A_1086, %broadcast_in_dim3A_1088, %broadcast_in_dim3A_1089 : vector<16xi1>, vector<16xf32>
      %swap3A_1091 = arith.constant 17 : i32
      %swap3A_1092 = arith.index_cast %swap3A_1091 : i32 to index
      %swap3A_1093 = arith.constant 48 : index
      %swap3A_1094 = tpu.vector_load %arg7[%swap3A_1092, %swap3A_1093] {strides = array<i32>} : memref<18x128xf32, #tpu.memory_space<vmem>>, vector<1x16xf32>,
      %swap3A_1095 = vector.shape_cast %swap3A_1094 : vector<1x16xf32> to vector<16xf32>
      %swap3A_1096 = vector.shape_cast %select_n3A_1090 : vector<16xf32> to vector<1x16xf32>
      tpu.vector_store %arg7[%swap3A_1092, %swap3A_1093], %swap3A_1096 {strides = array<i32>} : memref<18x128xf32, #tpu.memory_space<vmem>>, vector<1x16xf32>,
      %get3A_1097 = arith.constant 64 : index
      %get3A_1098 = tpu.vector_load %arg6[%get3A_1097] {strides = array<i32>} : memref<128xi32, #tpu.memory_space<vmem>>, vector<16xi32>,
      %get3A_1099 = vector.shape_cast %get3A_1098 : vector<16xi32> to vector<16xi32>
      %slice3A_1100 = vector.extract_strided_slice %get3A_8 {offsets = [0], sizes = [1], strides = [1]} : vector<16xf32> to vector<1xf32>
      %squeeze3A_1101 = vector.extract %slice3A_1100[0] : f32 from vector<1xf32>
      %eq3A_1102 = arith.constant 0 : i32
      %eq3A_1103 = vector.broadcast %eq3A_1102 : i32 to vector<16xi32>
      %eq3A_1104 = arith.cmpi eq, %get3A_1099, %eq3A_1103 : vector<16xi32>
      %jit3A_1105 = arith.constant 0.000000e+00 : f32
      %broadcast_in_dim3A_1106 = vector.broadcast %squeeze3A_1101 : f32 to vector<16xf32>
      %broadcast_in_dim3A_1107 = vector.broadcast %jit3A_1105 : f32 to vector<16xf32>
      %select_n3A_1108 = arith.select %eq3A_1104, %broadcast_in_dim3A_1106, %broadcast_in_dim3A_1107 : vector<16xi1>, vector<16xf32>
      %swap3A_1109 = arith.constant 0 : i32
      %swap3A_1110 = arith.index_cast %swap3A_1109 : i32 to index
      %swap3A_1111 = arith.constant 64 : index
      %swap3A_1112 = tpu.vector_load %arg7[%swap3A_1110, %swap3A_1111] {strides = array<i32>} : memref<18x128xf32, #tpu.memory_space<vmem>>, vector<1x16xf32>,
      %swap3A_1113 = vector.shape_cast %swap3A_1112 : vector<1x16xf32> to vector<16xf32>
      %swap3A_1114 = vector.shape_cast %select_n3A_1108 : vector<16xf32> to vector<1x16xf32>
      tpu.vector_store %arg7[%swap3A_1110, %swap3A_1111], %swap3A_1114 {strides = array<i32>} : memref<18x128xf32, #tpu.memory_space<vmem>>, vector<1x16xf32>,
      %slice3A_1115 = vector.extract_strided_slice %get3A_8 {offsets = [1], sizes = [1], strides = [1]} : vector<16xf32> to vector<1xf32>
      %squeeze3A_1116 = vector.extract %slice3A_1115[0] : f32 from vector<1xf32>
      %eq3A_1117 = arith.constant 1 : i32
      %eq3A_1118 = vector.broadcast %eq3A_1117 : i32 to vector<16xi32>
      %eq3A_1119 = arith.cmpi eq, %get3A_1099, %eq3A_1118 : vector<16xi32>
      %jit3A_1120 = arith.constant 0.000000e+00 : f32
      %broadcast_in_dim3A_1121 = vector.broadcast %squeeze3A_1116 : f32 to vector<16xf32>
      %broadcast_in_dim3A_1122 = vector.broadcast %jit3A_1120 : f32 to vector<16xf32>
      %select_n3A_1123 = arith.select %eq3A_1119, %broadcast_in_dim3A_1121, %broadcast_in_dim3A_1122 : vector<16xi1>, vector<16xf32>
      %swap3A_1124 = arith.constant 1 : i32
      %swap3A_1125 = arith.index_cast %swap3A_1124 : i32 to index
      %swap3A_1126 = arith.constant 64 : index
      %swap3A_1127 = tpu.vector_load %arg7[%swap3A_1125, %swap3A_1126] {strides = array<i32>} : memref<18x128xf32, #tpu.memory_space<vmem>>, vector<1x16xf32>,
      %swap3A_1128 = vector.shape_cast %swap3A_1127 : vector<1x16xf32> to vector<16xf32>
      %swap3A_1129 = vector.shape_cast %select_n3A_1123 : vector<16xf32> to vector<1x16xf32>
      tpu.vector_store %arg7[%swap3A_1125, %swap3A_1126], %swap3A_1129 {strides = array<i32>} : memref<18x128xf32, #tpu.memory_space<vmem>>, vector<1x16xf32>,
      %slice3A_1130 = vector.extract_strided_slice %get3A_8 {offsets = [2], sizes = [1], strides = [1]} : vector<16xf32> to vector<1xf32>
      %squeeze3A_1131 = vector.extract %slice3A_1130[0] : f32 from vector<1xf32>
      %eq3A_1132 = arith.constant 2 : i32
      %eq3A_1133 = vector.broadcast %eq3A_1132 : i32 to vector<16xi32>
      %eq3A_1134 = arith.cmpi eq, %get3A_1099, %eq3A_1133 : vector<16xi32>
      %jit3A_1135 = arith.constant 0.000000e+00 : f32
      %broadcast_in_dim3A_1136 = vector.broadcast %squeeze3A_1131 : f32 to vector<16xf32>
      %broadcast_in_dim3A_1137 = vector.broadcast %jit3A_1135 : f32 to vector<16xf32>
      %select_n3A_1138 = arith.select %eq3A_1134, %broadcast_in_dim3A_1136, %broadcast_in_dim3A_1137 : vector<16xi1>, vector<16xf32>
      %swap3A_1139 = arith.constant 2 : i32
      %swap3A_1140 = arith.index_cast %swap3A_1139 : i32 to index
      %swap3A_1141 = arith.constant 64 : index
      %swap3A_1142 = tpu.vector_load %arg7[%swap3A_1140, %swap3A_1141] {strides = array<i32>} : memref<18x128xf32, #tpu.memory_space<vmem>>, vector<1x16xf32>,
      %swap3A_1143 = vector.shape_cast %swap3A_1142 : vector<1x16xf32> to vector<16xf32>
      %swap3A_1144 = vector.shape_cast %select_n3A_1138 : vector<16xf32> to vector<1x16xf32>
      tpu.vector_store %arg7[%swap3A_1140, %swap3A_1141], %swap3A_1144 {strides = array<i32>} : memref<18x128xf32, #tpu.memory_space<vmem>>, vector<1x16xf32>,
      %slice3A_1145 = vector.extract_strided_slice %get3A_8 {offsets = [3], sizes = [1], strides = [1]} : vector<16xf32> to vector<1xf32>
      %squeeze3A_1146 = vector.extract %slice3A_1145[0] : f32 from vector<1xf32>
      %eq3A_1147 = arith.constant 3 : i32
      %eq3A_1148 = vector.broadcast %eq3A_1147 : i32 to vector<16xi32>
      %eq3A_1149 = arith.cmpi eq, %get3A_1099, %eq3A_1148 : vector<16xi32>
      %jit3A_1150 = arith.constant 0.000000e+00 : f32
      %broadcast_in_dim3A_1151 = vector.broadcast %squeeze3A_1146 : f32 to vector<16xf32>
      %broadcast_in_dim3A_1152 = vector.broadcast %jit3A_1150 : f32 to vector<16xf32>
      %select_n3A_1153 = arith.select %eq3A_1149, %broadcast_in_dim3A_1151, %broadcast_in_dim3A_1152 : vector<16xi1>, vector<16xf32>
      %swap3A_1154 = arith.constant 3 : i32
      %swap3A_1155 = arith.index_cast %swap3A_1154 : i32 to index
      %swap3A_1156 = arith.constant 64 : index
      %swap3A_1157 = tpu.vector_load %arg7[%swap3A_1155, %swap3A_1156] {strides = array<i32>} : memref<18x128xf32, #tpu.memory_space<vmem>>, vector<1x16xf32>,
      %swap3A_1158 = vector.shape_cast %swap3A_1157 : vector<1x16xf32> to vector<16xf32>
      %swap3A_1159 = vector.shape_cast %select_n3A_1153 : vector<16xf32> to vector<1x16xf32>
      tpu.vector_store %arg7[%swap3A_1155, %swap3A_1156], %swap3A_1159 {strides = array<i32>} : memref<18x128xf32, #tpu.memory_space<vmem>>, vector<1x16xf32>,
      %slice3A_1160 = vector.extract_strided_slice %get3A_8 {offsets = [4], sizes = [1], strides = [1]} : vector<16xf32> to vector<1xf32>
      %squeeze3A_1161 = vector.extract %slice3A_1160[0] : f32 from vector<1xf32>
      %eq3A_1162 = arith.constant 4 : i32
      %eq3A_1163 = vector.broadcast %eq3A_1162 : i32 to vector<16xi32>
      %eq3A_1164 = arith.cmpi eq, %get3A_1099, %eq3A_1163 : vector<16xi32>
      %jit3A_1165 = arith.constant 0.000000e+00 : f32
      %broadcast_in_dim3A_1166 = vector.broadcast %squeeze3A_1161 : f32 to vector<16xf32>
      %broadcast_in_dim3A_1167 = vector.broadcast %jit3A_1165 : f32 to vector<16xf32>
      %select_n3A_1168 = arith.select %eq3A_1164, %broadcast_in_dim3A_1166, %broadcast_in_dim3A_1167 : vector<16xi1>, vector<16xf32>
      %swap3A_1169 = arith.constant 4 : i32
      %swap3A_1170 = arith.index_cast %swap3A_1169 : i32 to index
      %swap3A_1171 = arith.constant 64 : index
      %swap3A_1172 = tpu.vector_load %arg7[%swap3A_1170, %swap3A_1171] {strides = array<i32>} : memref<18x128xf32, #tpu.memory_space<vmem>>, vector<1x16xf32>,
      %swap3A_1173 = vector.shape_cast %swap3A_1172 : vector<1x16xf32> to vector<16xf32>
      %swap3A_1174 = vector.shape_cast %select_n3A_1168 : vector<16xf32> to vector<1x16xf32>
      tpu.vector_store %arg7[%swap3A_1170, %swap3A_1171], %swap3A_1174 {strides = array<i32>} : memref<18x128xf32, #tpu.memory_space<vmem>>, vector<1x16xf32>,
      %slice3A_1175 = vector.extract_strided_slice %get3A_8 {offsets = [5], sizes = [1], strides = [1]} : vector<16xf32> to vector<1xf32>
      %squeeze3A_1176 = vector.extract %slice3A_1175[0] : f32 from vector<1xf32>
      %eq3A_1177 = arith.constant 5 : i32
      %eq3A_1178 = vector.broadcast %eq3A_1177 : i32 to vector<16xi32>
      %eq3A_1179 = arith.cmpi eq, %get3A_1099, %eq3A_1178 : vector<16xi32>
      %jit3A_1180 = arith.constant 0.000000e+00 : f32
      %broadcast_in_dim3A_1181 = vector.broadcast %squeeze3A_1176 : f32 to vector<16xf32>
      %broadcast_in_dim3A_1182 = vector.broadcast %jit3A_1180 : f32 to vector<16xf32>
      %select_n3A_1183 = arith.select %eq3A_1179, %broadcast_in_dim3A_1181, %broadcast_in_dim3A_1182 : vector<16xi1>, vector<16xf32>
      %swap3A_1184 = arith.constant 5 : i32
      %swap3A_1185 = arith.index_cast %swap3A_1184 : i32 to index
      %swap3A_1186 = arith.constant 64 : index
      %swap3A_1187 = tpu.vector_load %arg7[%swap3A_1185, %swap3A_1186] {strides = array<i32>} : memref<18x128xf32, #tpu.memory_space<vmem>>, vector<1x16xf32>,
      %swap3A_1188 = vector.shape_cast %swap3A_1187 : vector<1x16xf32> to vector<16xf32>
      %swap3A_1189 = vector.shape_cast %select_n3A_1183 : vector<16xf32> to vector<1x16xf32>
      tpu.vector_store %arg7[%swap3A_1185, %swap3A_1186], %swap3A_1189 {strides = array<i32>} : memref<18x128xf32, #tpu.memory_space<vmem>>, vector<1x16xf32>,
      %slice3A_1190 = vector.extract_strided_slice %get3A_8 {offsets = [6], sizes = [1], strides = [1]} : vector<16xf32> to vector<1xf32>
      %squeeze3A_1191 = vector.extract %slice3A_1190[0] : f32 from vector<1xf32>
      %eq3A_1192 = arith.constant 6 : i32
      %eq3A_1193 = vector.broadcast %eq3A_1192 : i32 to vector<16xi32>
      %eq3A_1194 = arith.cmpi eq, %get3A_1099, %eq3A_1193 : vector<16xi32>
      %jit3A_1195 = arith.constant 0.000000e+00 : f32
      %broadcast_in_dim3A_1196 = vector.broadcast %squeeze3A_1191 : f32 to vector<16xf32>
      %broadcast_in_dim3A_1197 = vector.broadcast %jit3A_1195 : f32 to vector<16xf32>
      %select_n3A_1198 = arith.select %eq3A_1194, %broadcast_in_dim3A_1196, %broadcast_in_dim3A_1197 : vector<16xi1>, vector<16xf32>
      %swap3A_1199 = arith.constant 6 : i32
      %swap3A_1200 = arith.index_cast %swap3A_1199 : i32 to index
      %swap3A_1201 = arith.constant 64 : index
      %swap3A_1202 = tpu.vector_load %arg7[%swap3A_1200, %swap3A_1201] {strides = array<i32>} : memref<18x128xf32, #tpu.memory_space<vmem>>, vector<1x16xf32>,
      %swap3A_1203 = vector.shape_cast %swap3A_1202 : vector<1x16xf32> to vector<16xf32>
      %swap3A_1204 = vector.shape_cast %select_n3A_1198 : vector<16xf32> to vector<1x16xf32>
      tpu.vector_store %arg7[%swap3A_1200, %swap3A_1201], %swap3A_1204 {strides = array<i32>} : memref<18x128xf32, #tpu.memory_space<vmem>>, vector<1x16xf32>,
      %slice3A_1205 = vector.extract_strided_slice %get3A_8 {offsets = [7], sizes = [1], strides = [1]} : vector<16xf32> to vector<1xf32>
      %squeeze3A_1206 = vector.extract %slice3A_1205[0] : f32 from vector<1xf32>
      %eq3A_1207 = arith.constant 7 : i32
      %eq3A_1208 = vector.broadcast %eq3A_1207 : i32 to vector<16xi32>
      %eq3A_1209 = arith.cmpi eq, %get3A_1099, %eq3A_1208 : vector<16xi32>
      %jit3A_1210 = arith.constant 0.000000e+00 : f32
      %broadcast_in_dim3A_1211 = vector.broadcast %squeeze3A_1206 : f32 to vector<16xf32>
      %broadcast_in_dim3A_1212 = vector.broadcast %jit3A_1210 : f32 to vector<16xf32>
      %select_n3A_1213 = arith.select %eq3A_1209, %broadcast_in_dim3A_1211, %broadcast_in_dim3A_1212 : vector<16xi1>, vector<16xf32>
      %swap3A_1214 = arith.constant 7 : i32
      %swap3A_1215 = arith.index_cast %swap3A_1214 : i32 to index
      %swap3A_1216 = arith.constant 64 : index
      %swap3A_1217 = tpu.vector_load %arg7[%swap3A_1215, %swap3A_1216] {strides = array<i32>} : memref<18x128xf32, #tpu.memory_space<vmem>>, vector<1x16xf32>,
      %swap3A_1218 = vector.shape_cast %swap3A_1217 : vector<1x16xf32> to vector<16xf32>
      %swap3A_1219 = vector.shape_cast %select_n3A_1213 : vector<16xf32> to vector<1x16xf32>
      tpu.vector_store %arg7[%swap3A_1215, %swap3A_1216], %swap3A_1219 {strides = array<i32>} : memref<18x128xf32, #tpu.memory_space<vmem>>, vector<1x16xf32>,
      %slice3A_1220 = vector.extract_strided_slice %get3A_8 {offsets = [8], sizes = [1], strides = [1]} : vector<16xf32> to vector<1xf32>
      %squeeze3A_1221 = vector.extract %slice3A_1220[0] : f32 from vector<1xf32>
      %eq3A_1222 = arith.constant 8 : i32
      %eq3A_1223 = vector.broadcast %eq3A_1222 : i32 to vector<16xi32>
      %eq3A_1224 = arith.cmpi eq, %get3A_1099, %eq3A_1223 : vector<16xi32>
      %jit3A_1225 = arith.constant 0.000000e+00 : f32
      %broadcast_in_dim3A_1226 = vector.broadcast %squeeze3A_1221 : f32 to vector<16xf32>
      %broadcast_in_dim3A_1227 = vector.broadcast %jit3A_1225 : f32 to vector<16xf32>
      %select_n3A_1228 = arith.select %eq3A_1224, %broadcast_in_dim3A_1226, %broadcast_in_dim3A_1227 : vector<16xi1>, vector<16xf32>
      %swap3A_1229 = arith.constant 8 : i32
      %swap3A_1230 = arith.index_cast %swap3A_1229 : i32 to index
      %swap3A_1231 = arith.constant 64 : index
      %swap3A_1232 = tpu.vector_load %arg7[%swap3A_1230, %swap3A_1231] {strides = array<i32>} : memref<18x128xf32, #tpu.memory_space<vmem>>, vector<1x16xf32>,
      %swap3A_1233 = vector.shape_cast %swap3A_1232 : vector<1x16xf32> to vector<16xf32>
      %swap3A_1234 = vector.shape_cast %select_n3A_1228 : vector<16xf32> to vector<1x16xf32>
      tpu.vector_store %arg7[%swap3A_1230, %swap3A_1231], %swap3A_1234 {strides = array<i32>} : memref<18x128xf32, #tpu.memory_space<vmem>>, vector<1x16xf32>,
      %slice3A_1235 = vector.extract_strided_slice %get3A_8 {offsets = [9], sizes = [1], strides = [1]} : vector<16xf32> to vector<1xf32>
      %squeeze3A_1236 = vector.extract %slice3A_1235[0] : f32 from vector<1xf32>
      %eq3A_1237 = arith.constant 9 : i32
      %eq3A_1238 = vector.broadcast %eq3A_1237 : i32 to vector<16xi32>
      %eq3A_1239 = arith.cmpi eq, %get3A_1099, %eq3A_1238 : vector<16xi32>
      %jit3A_1240 = arith.constant 0.000000e+00 : f32
      %broadcast_in_dim3A_1241 = vector.broadcast %squeeze3A_1236 : f32 to vector<16xf32>
      %broadcast_in_dim3A_1242 = vector.broadcast %jit3A_1240 : f32 to vector<16xf32>
      %select_n3A_1243 = arith.select %eq3A_1239, %broadcast_in_dim3A_1241, %broadcast_in_dim3A_1242 : vector<16xi1>, vector<16xf32>
      %swap3A_1244 = arith.constant 9 : i32
      %swap3A_1245 = arith.index_cast %swap3A_1244 : i32 to index
      %swap3A_1246 = arith.constant 64 : index
      %swap3A_1247 = tpu.vector_load %arg7[%swap3A_1245, %swap3A_1246] {strides = array<i32>} : memref<18x128xf32, #tpu.memory_space<vmem>>, vector<1x16xf32>,
      %swap3A_1248 = vector.shape_cast %swap3A_1247 : vector<1x16xf32> to vector<16xf32>
      %swap3A_1249 = vector.shape_cast %select_n3A_1243 : vector<16xf32> to vector<1x16xf32>
      tpu.vector_store %arg7[%swap3A_1245, %swap3A_1246], %swap3A_1249 {strides = array<i32>} : memref<18x128xf32, #tpu.memory_space<vmem>>, vector<1x16xf32>,
      %slice3A_1250 = vector.extract_strided_slice %get3A_8 {offsets = [10], sizes = [1], strides = [1]} : vector<16xf32> to vector<1xf32>
      %squeeze3A_1251 = vector.extract %slice3A_1250[0] : f32 from vector<1xf32>
      %eq3A_1252 = arith.constant 10 : i32
      %eq3A_1253 = vector.broadcast %eq3A_1252 : i32 to vector<16xi32>
      %eq3A_1254 = arith.cmpi eq, %get3A_1099, %eq3A_1253 : vector<16xi32>
      %jit3A_1255 = arith.constant 0.000000e+00 : f32
      %broadcast_in_dim3A_1256 = vector.broadcast %squeeze3A_1251 : f32 to vector<16xf32>
      %broadcast_in_dim3A_1257 = vector.broadcast %jit3A_1255 : f32 to vector<16xf32>
      %select_n3A_1258 = arith.select %eq3A_1254, %broadcast_in_dim3A_1256, %broadcast_in_dim3A_1257 : vector<16xi1>, vector<16xf32>
      %swap3A_1259 = arith.constant 10 : i32
      %swap3A_1260 = arith.index_cast %swap3A_1259 : i32 to index
      %swap3A_1261 = arith.constant 64 : index
      %swap3A_1262 = tpu.vector_load %arg7[%swap3A_1260, %swap3A_1261] {strides = array<i32>} : memref<18x128xf32, #tpu.memory_space<vmem>>, vector<1x16xf32>,
      %swap3A_1263 = vector.shape_cast %swap3A_1262 : vector<1x16xf32> to vector<16xf32>
      %swap3A_1264 = vector.shape_cast %select_n3A_1258 : vector<16xf32> to vector<1x16xf32>
      tpu.vector_store %arg7[%swap3A_1260, %swap3A_1261], %swap3A_1264 {strides = array<i32>} : memref<18x128xf32, #tpu.memory_space<vmem>>, vector<1x16xf32>,
      %slice3A_1265 = vector.extract_strided_slice %get3A_8 {offsets = [11], sizes = [1], strides = [1]} : vector<16xf32> to vector<1xf32>
      %squeeze3A_1266 = vector.extract %slice3A_1265[0] : f32 from vector<1xf32>
      %eq3A_1267 = arith.constant 11 : i32
      %eq3A_1268 = vector.broadcast %eq3A_1267 : i32 to vector<16xi32>
      %eq3A_1269 = arith.cmpi eq, %get3A_1099, %eq3A_1268 : vector<16xi32>
      %jit3A_1270 = arith.constant 0.000000e+00 : f32
      %broadcast_in_dim3A_1271 = vector.broadcast %squeeze3A_1266 : f32 to vector<16xf32>
      %broadcast_in_dim3A_1272 = vector.broadcast %jit3A_1270 : f32 to vector<16xf32>
      %select_n3A_1273 = arith.select %eq3A_1269, %broadcast_in_dim3A_1271, %broadcast_in_dim3A_1272 : vector<16xi1>, vector<16xf32>
      %swap3A_1274 = arith.constant 11 : i32
      %swap3A_1275 = arith.index_cast %swap3A_1274 : i32 to index
      %swap3A_1276 = arith.constant 64 : index
      %swap3A_1277 = tpu.vector_load %arg7[%swap3A_1275, %swap3A_1276] {strides = array<i32>} : memref<18x128xf32, #tpu.memory_space<vmem>>, vector<1x16xf32>,
      %swap3A_1278 = vector.shape_cast %swap3A_1277 : vector<1x16xf32> to vector<16xf32>
      %swap3A_1279 = vector.shape_cast %select_n3A_1273 : vector<16xf32> to vector<1x16xf32>
      tpu.vector_store %arg7[%swap3A_1275, %swap3A_1276], %swap3A_1279 {strides = array<i32>} : memref<18x128xf32, #tpu.memory_space<vmem>>, vector<1x16xf32>,
      %slice3A_1280 = vector.extract_strided_slice %get3A_8 {offsets = [12], sizes = [1], strides = [1]} : vector<16xf32> to vector<1xf32>
      %squeeze3A_1281 = vector.extract %slice3A_1280[0] : f32 from vector<1xf32>
      %eq3A_1282 = arith.constant 12 : i32
      %eq3A_1283 = vector.broadcast %eq3A_1282 : i32 to vector<16xi32>
      %eq3A_1284 = arith.cmpi eq, %get3A_1099, %eq3A_1283 : vector<16xi32>
      %jit3A_1285 = arith.constant 0.000000e+00 : f32
      %broadcast_in_dim3A_1286 = vector.broadcast %squeeze3A_1281 : f32 to vector<16xf32>
      %broadcast_in_dim3A_1287 = vector.broadcast %jit3A_1285 : f32 to vector<16xf32>
      %select_n3A_1288 = arith.select %eq3A_1284, %broadcast_in_dim3A_1286, %broadcast_in_dim3A_1287 : vector<16xi1>, vector<16xf32>
      %swap3A_1289 = arith.constant 12 : i32
      %swap3A_1290 = arith.index_cast %swap3A_1289 : i32 to index
      %swap3A_1291 = arith.constant 64 : index
      %swap3A_1292 = tpu.vector_load %arg7[%swap3A_1290, %swap3A_1291] {strides = array<i32>} : memref<18x128xf32, #tpu.memory_space<vmem>>, vector<1x16xf32>,
      %swap3A_1293 = vector.shape_cast %swap3A_1292 : vector<1x16xf32> to vector<16xf32>
      %swap3A_1294 = vector.shape_cast %select_n3A_1288 : vector<16xf32> to vector<1x16xf32>
      tpu.vector_store %arg7[%swap3A_1290, %swap3A_1291], %swap3A_1294 {strides = array<i32>} : memref<18x128xf32, #tpu.memory_space<vmem>>, vector<1x16xf32>,
      %slice3A_1295 = vector.extract_strided_slice %get3A_8 {offsets = [13], sizes = [1], strides = [1]} : vector<16xf32> to vector<1xf32>
      %squeeze3A_1296 = vector.extract %slice3A_1295[0] : f32 from vector<1xf32>
      %eq3A_1297 = arith.constant 13 : i32
      %eq3A_1298 = vector.broadcast %eq3A_1297 : i32 to vector<16xi32>
      %eq3A_1299 = arith.cmpi eq, %get3A_1099, %eq3A_1298 : vector<16xi32>
      %jit3A_1300 = arith.constant 0.000000e+00 : f32
      %broadcast_in_dim3A_1301 = vector.broadcast %squeeze3A_1296 : f32 to vector<16xf32>
      %broadcast_in_dim3A_1302 = vector.broadcast %jit3A_1300 : f32 to vector<16xf32>
      %select_n3A_1303 = arith.select %eq3A_1299, %broadcast_in_dim3A_1301, %broadcast_in_dim3A_1302 : vector<16xi1>, vector<16xf32>
      %swap3A_1304 = arith.constant 13 : i32
      %swap3A_1305 = arith.index_cast %swap3A_1304 : i32 to index
      %swap3A_1306 = arith.constant 64 : index
      %swap3A_1307 = tpu.vector_load %arg7[%swap3A_1305, %swap3A_1306] {strides = array<i32>} : memref<18x128xf32, #tpu.memory_space<vmem>>, vector<1x16xf32>,
      %swap3A_1308 = vector.shape_cast %swap3A_1307 : vector<1x16xf32> to vector<16xf32>
      %swap3A_1309 = vector.shape_cast %select_n3A_1303 : vector<16xf32> to vector<1x16xf32>
      tpu.vector_store %arg7[%swap3A_1305, %swap3A_1306], %swap3A_1309 {strides = array<i32>} : memref<18x128xf32, #tpu.memory_space<vmem>>, vector<1x16xf32>,
      %slice3A_1310 = vector.extract_strided_slice %get3A_8 {offsets = [14], sizes = [1], strides = [1]} : vector<16xf32> to vector<1xf32>
      %squeeze3A_1311 = vector.extract %slice3A_1310[0] : f32 from vector<1xf32>
      %eq3A_1312 = arith.constant 14 : i32
      %eq3A_1313 = vector.broadcast %eq3A_1312 : i32 to vector<16xi32>
      %eq3A_1314 = arith.cmpi eq, %get3A_1099, %eq3A_1313 : vector<16xi32>
      %jit3A_1315 = arith.constant 0.000000e+00 : f32
      %broadcast_in_dim3A_1316 = vector.broadcast %squeeze3A_1311 : f32 to vector<16xf32>
      %broadcast_in_dim3A_1317 = vector.broadcast %jit3A_1315 : f32 to vector<16xf32>
      %select_n3A_1318 = arith.select %eq3A_1314, %broadcast_in_dim3A_1316, %broadcast_in_dim3A_1317 : vector<16xi1>, vector<16xf32>
      %swap3A_1319 = arith.constant 14 : i32
      %swap3A_1320 = arith.index_cast %swap3A_1319 : i32 to index
      %swap3A_1321 = arith.constant 64 : index
      %swap3A_1322 = tpu.vector_load %arg7[%swap3A_1320, %swap3A_1321] {strides = array<i32>} : memref<18x128xf32, #tpu.memory_space<vmem>>, vector<1x16xf32>,
      %swap3A_1323 = vector.shape_cast %swap3A_1322 : vector<1x16xf32> to vector<16xf32>
      %swap3A_1324 = vector.shape_cast %select_n3A_1318 : vector<16xf32> to vector<1x16xf32>
      tpu.vector_store %arg7[%swap3A_1320, %swap3A_1321], %swap3A_1324 {strides = array<i32>} : memref<18x128xf32, #tpu.memory_space<vmem>>, vector<1x16xf32>,
      %slice3A_1325 = vector.extract_strided_slice %get3A_8 {offsets = [15], sizes = [1], strides = [1]} : vector<16xf32> to vector<1xf32>
      %squeeze3A_1326 = vector.extract %slice3A_1325[0] : f32 from vector<1xf32>
      %eq3A_1327 = arith.constant 15 : i32
      %eq3A_1328 = vector.broadcast %eq3A_1327 : i32 to vector<16xi32>
      %eq3A_1329 = arith.cmpi eq, %get3A_1099, %eq3A_1328 : vector<16xi32>
      %jit3A_1330 = arith.constant 0.000000e+00 : f32
      %broadcast_in_dim3A_1331 = vector.broadcast %squeeze3A_1326 : f32 to vector<16xf32>
      %broadcast_in_dim3A_1332 = vector.broadcast %jit3A_1330 : f32 to vector<16xf32>
      %select_n3A_1333 = arith.select %eq3A_1329, %broadcast_in_dim3A_1331, %broadcast_in_dim3A_1332 : vector<16xi1>, vector<16xf32>
      %swap3A_1334 = arith.constant 15 : i32
      %swap3A_1335 = arith.index_cast %swap3A_1334 : i32 to index
      %swap3A_1336 = arith.constant 64 : index
      %swap3A_1337 = tpu.vector_load %arg7[%swap3A_1335, %swap3A_1336] {strides = array<i32>} : memref<18x128xf32, #tpu.memory_space<vmem>>, vector<1x16xf32>,
      %swap3A_1338 = vector.shape_cast %swap3A_1337 : vector<1x16xf32> to vector<16xf32>
      %swap3A_1339 = vector.shape_cast %select_n3A_1333 : vector<16xf32> to vector<1x16xf32>
      tpu.vector_store %arg7[%swap3A_1335, %swap3A_1336], %swap3A_1339 {strides = array<i32>} : memref<18x128xf32, #tpu.memory_space<vmem>>, vector<1x16xf32>,
      %slice3A_1340 = vector.extract_strided_slice %get3A_11 {offsets = [0], sizes = [1], strides = [1]} : vector<16xf32> to vector<1xf32>
      %squeeze3A_1341 = vector.extract %slice3A_1340[0] : f32 from vector<1xf32>
      %eq3A_1342 = arith.constant 16 : i32
      %eq3A_1343 = vector.broadcast %eq3A_1342 : i32 to vector<16xi32>
      %eq3A_1344 = arith.cmpi eq, %get3A_1099, %eq3A_1343 : vector<16xi32>
      %jit3A_1345 = arith.constant 0.000000e+00 : f32
      %broadcast_in_dim3A_1346 = vector.broadcast %squeeze3A_1341 : f32 to vector<16xf32>
      %broadcast_in_dim3A_1347 = vector.broadcast %jit3A_1345 : f32 to vector<16xf32>
      %select_n3A_1348 = arith.select %eq3A_1344, %broadcast_in_dim3A_1346, %broadcast_in_dim3A_1347 : vector<16xi1>, vector<16xf32>
      %swap3A_1349 = arith.constant 16 : i32
      %swap3A_1350 = arith.index_cast %swap3A_1349 : i32 to index
      %swap3A_1351 = arith.constant 64 : index
      %swap3A_1352 = tpu.vector_load %arg7[%swap3A_1350, %swap3A_1351] {strides = array<i32>} : memref<18x128xf32, #tpu.memory_space<vmem>>, vector<1x16xf32>,
      %swap3A_1353 = vector.shape_cast %swap3A_1352 : vector<1x16xf32> to vector<16xf32>
      %swap3A_1354 = vector.shape_cast %select_n3A_1348 : vector<16xf32> to vector<1x16xf32>
      tpu.vector_store %arg7[%swap3A_1350, %swap3A_1351], %swap3A_1354 {strides = array<i32>} : memref<18x128xf32, #tpu.memory_space<vmem>>, vector<1x16xf32>,
      %slice3A_1355 = vector.extract_strided_slice %get3A_11 {offsets = [1], sizes = [1], strides = [1]} : vector<16xf32> to vector<1xf32>
      %squeeze3A_1356 = vector.extract %slice3A_1355[0] : f32 from vector<1xf32>
      %eq3A_1357 = arith.constant 17 : i32
      %eq3A_1358 = vector.broadcast %eq3A_1357 : i32 to vector<16xi32>
      %eq3A_1359 = arith.cmpi eq, %get3A_1099, %eq3A_1358 : vector<16xi32>
      %jit3A_1360 = arith.constant 0.000000e+00 : f32
      %broadcast_in_dim3A_1361 = vector.broadcast %squeeze3A_1356 : f32 to vector<16xf32>
      %broadcast_in_dim3A_1362 = vector.broadcast %jit3A_1360 : f32 to vector<16xf32>
      %select_n3A_1363 = arith.select %eq3A_1359, %broadcast_in_dim3A_1361, %broadcast_in_dim3A_1362 : vector<16xi1>, vector<16xf32>
      %swap3A_1364 = arith.constant 17 : i32
      %swap3A_1365 = arith.index_cast %swap3A_1364 : i32 to index
      %swap3A_1366 = arith.constant 64 : index
      %swap3A_1367 = tpu.vector_load %arg7[%swap3A_1365, %swap3A_1366] {strides = array<i32>} : memref<18x128xf32, #tpu.memory_space<vmem>>, vector<1x16xf32>,
      %swap3A_1368 = vector.shape_cast %swap3A_1367 : vector<1x16xf32> to vector<16xf32>
      %swap3A_1369 = vector.shape_cast %select_n3A_1363 : vector<16xf32> to vector<1x16xf32>
      tpu.vector_store %arg7[%swap3A_1365, %swap3A_1366], %swap3A_1369 {strides = array<i32>} : memref<18x128xf32, #tpu.memory_space<vmem>>, vector<1x16xf32>,
      %get3A_1370 = arith.constant 80 : index
      %get3A_1371 = tpu.vector_load %arg6[%get3A_1370] {strides = array<i32>} : memref<128xi32, #tpu.memory_space<vmem>>, vector<16xi32>,
      %get3A_1372 = vector.shape_cast %get3A_1371 : vector<16xi32> to vector<16xi32>
      %slice3A_1373 = vector.extract_strided_slice %get3A_8 {offsets = [0], sizes = [1], strides = [1]} : vector<16xf32> to vector<1xf32>
      %squeeze3A_1374 = vector.extract %slice3A_1373[0] : f32 from vector<1xf32>
      %eq3A_1375 = arith.constant 0 : i32
      %eq3A_1376 = vector.broadcast %eq3A_1375 : i32 to vector<16xi32>
      %eq3A_1377 = arith.cmpi eq, %get3A_1372, %eq3A_1376 : vector<16xi32>
      %jit3A_1378 = arith.constant 0.000000e+00 : f32
      %broadcast_in_dim3A_1379 = vector.broadcast %squeeze3A_1374 : f32 to vector<16xf32>
      %broadcast_in_dim3A_1380 = vector.broadcast %jit3A_1378 : f32 to vector<16xf32>
      %select_n3A_1381 = arith.select %eq3A_1377, %broadcast_in_dim3A_1379, %broadcast_in_dim3A_1380 : vector<16xi1>, vector<16xf32>
      %swap3A_1382 = arith.constant 0 : i32
      %swap3A_1383 = arith.index_cast %swap3A_1382 : i32 to index
      %swap3A_1384 = arith.constant 80 : index
      %swap3A_1385 = tpu.vector_load %arg7[%swap3A_1383, %swap3A_1384] {strides = array<i32>} : memref<18x128xf32, #tpu.memory_space<vmem>>, vector<1x16xf32>,
      %swap3A_1386 = vector.shape_cast %swap3A_1385 : vector<1x16xf32> to vector<16xf32>
      %swap3A_1387 = vector.shape_cast %select_n3A_1381 : vector<16xf32> to vector<1x16xf32>
      tpu.vector_store %arg7[%swap3A_1383, %swap3A_1384], %swap3A_1387 {strides = array<i32>} : memref<18x128xf32, #tpu.memory_space<vmem>>, vector<1x16xf32>,
      %slice3A_1388 = vector.extract_strided_slice %get3A_8 {offsets = [1], sizes = [1], strides = [1]} : vector<16xf32> to vector<1xf32>
      %squeeze3A_1389 = vector.extract %slice3A_1388[0] : f32 from vector<1xf32>
      %eq3A_1390 = arith.constant 1 : i32
      %eq3A_1391 = vector.broadcast %eq3A_1390 : i32 to vector<16xi32>
      %eq3A_1392 = arith.cmpi eq, %get3A_1372, %eq3A_1391 : vector<16xi32>
      %jit3A_1393 = arith.constant 0.000000e+00 : f32
      %broadcast_in_dim3A_1394 = vector.broadcast %squeeze3A_1389 : f32 to vector<16xf32>
      %broadcast_in_dim3A_1395 = vector.broadcast %jit3A_1393 : f32 to vector<16xf32>
      %select_n3A_1396 = arith.select %eq3A_1392, %broadcast_in_dim3A_1394, %broadcast_in_dim3A_1395 : vector<16xi1>, vector<16xf32>
      %swap3A_1397 = arith.constant 1 : i32
      %swap3A_1398 = arith.index_cast %swap3A_1397 : i32 to index
      %swap3A_1399 = arith.constant 80 : index
      %swap3A_1400 = tpu.vector_load %arg7[%swap3A_1398, %swap3A_1399] {strides = array<i32>} : memref<18x128xf32, #tpu.memory_space<vmem>>, vector<1x16xf32>,
      %swap3A_1401 = vector.shape_cast %swap3A_1400 : vector<1x16xf32> to vector<16xf32>
      %swap3A_1402 = vector.shape_cast %select_n3A_1396 : vector<16xf32> to vector<1x16xf32>
      tpu.vector_store %arg7[%swap3A_1398, %swap3A_1399], %swap3A_1402 {strides = array<i32>} : memref<18x128xf32, #tpu.memory_space<vmem>>, vector<1x16xf32>,
      %slice3A_1403 = vector.extract_strided_slice %get3A_8 {offsets = [2], sizes = [1], strides = [1]} : vector<16xf32> to vector<1xf32>
      %squeeze3A_1404 = vector.extract %slice3A_1403[0] : f32 from vector<1xf32>
      %eq3A_1405 = arith.constant 2 : i32
      %eq3A_1406 = vector.broadcast %eq3A_1405 : i32 to vector<16xi32>
      %eq3A_1407 = arith.cmpi eq, %get3A_1372, %eq3A_1406 : vector<16xi32>
      %jit3A_1408 = arith.constant 0.000000e+00 : f32
      %broadcast_in_dim3A_1409 = vector.broadcast %squeeze3A_1404 : f32 to vector<16xf32>
      %broadcast_in_dim3A_1410 = vector.broadcast %jit3A_1408 : f32 to vector<16xf32>
      %select_n3A_1411 = arith.select %eq3A_1407, %broadcast_in_dim3A_1409, %broadcast_in_dim3A_1410 : vector<16xi1>, vector<16xf32>
      %swap3A_1412 = arith.constant 2 : i32
      %swap3A_1413 = arith.index_cast %swap3A_1412 : i32 to index
      %swap3A_1414 = arith.constant 80 : index
      %swap3A_1415 = tpu.vector_load %arg7[%swap3A_1413, %swap3A_1414] {strides = array<i32>} : memref<18x128xf32, #tpu.memory_space<vmem>>, vector<1x16xf32>,
      %swap3A_1416 = vector.shape_cast %swap3A_1415 : vector<1x16xf32> to vector<16xf32>
      %swap3A_1417 = vector.shape_cast %select_n3A_1411 : vector<16xf32> to vector<1x16xf32>
      tpu.vector_store %arg7[%swap3A_1413, %swap3A_1414], %swap3A_1417 {strides = array<i32>} : memref<18x128xf32, #tpu.memory_space<vmem>>, vector<1x16xf32>,
      %slice3A_1418 = vector.extract_strided_slice %get3A_8 {offsets = [3], sizes = [1], strides = [1]} : vector<16xf32> to vector<1xf32>
      %squeeze3A_1419 = vector.extract %slice3A_1418[0] : f32 from vector<1xf32>
      %eq3A_1420 = arith.constant 3 : i32
      %eq3A_1421 = vector.broadcast %eq3A_1420 : i32 to vector<16xi32>
      %eq3A_1422 = arith.cmpi eq, %get3A_1372, %eq3A_1421 : vector<16xi32>
      %jit3A_1423 = arith.constant 0.000000e+00 : f32
      %broadcast_in_dim3A_1424 = vector.broadcast %squeeze3A_1419 : f32 to vector<16xf32>
      %broadcast_in_dim3A_1425 = vector.broadcast %jit3A_1423 : f32 to vector<16xf32>
      %select_n3A_1426 = arith.select %eq3A_1422, %broadcast_in_dim3A_1424, %broadcast_in_dim3A_1425 : vector<16xi1>, vector<16xf32>
      %swap3A_1427 = arith.constant 3 : i32
      %swap3A_1428 = arith.index_cast %swap3A_1427 : i32 to index
      %swap3A_1429 = arith.constant 80 : index
      %swap3A_1430 = tpu.vector_load %arg7[%swap3A_1428, %swap3A_1429] {strides = array<i32>} : memref<18x128xf32, #tpu.memory_space<vmem>>, vector<1x16xf32>,
      %swap3A_1431 = vector.shape_cast %swap3A_1430 : vector<1x16xf32> to vector<16xf32>
      %swap3A_1432 = vector.shape_cast %select_n3A_1426 : vector<16xf32> to vector<1x16xf32>
      tpu.vector_store %arg7[%swap3A_1428, %swap3A_1429], %swap3A_1432 {strides = array<i32>} : memref<18x128xf32, #tpu.memory_space<vmem>>, vector<1x16xf32>,
      %slice3A_1433 = vector.extract_strided_slice %get3A_8 {offsets = [4], sizes = [1], strides = [1]} : vector<16xf32> to vector<1xf32>
      %squeeze3A_1434 = vector.extract %slice3A_1433[0] : f32 from vector<1xf32>
      %eq3A_1435 = arith.constant 4 : i32
      %eq3A_1436 = vector.broadcast %eq3A_1435 : i32 to vector<16xi32>
      %eq3A_1437 = arith.cmpi eq, %get3A_1372, %eq3A_1436 : vector<16xi32>
      %jit3A_1438 = arith.constant 0.000000e+00 : f32
      %broadcast_in_dim3A_1439 = vector.broadcast %squeeze3A_1434 : f32 to vector<16xf32>
      %broadcast_in_dim3A_1440 = vector.broadcast %jit3A_1438 : f32 to vector<16xf32>
      %select_n3A_1441 = arith.select %eq3A_1437, %broadcast_in_dim3A_1439, %broadcast_in_dim3A_1440 : vector<16xi1>, vector<16xf32>
      %swap3A_1442 = arith.constant 4 : i32
      %swap3A_1443 = arith.index_cast %swap3A_1442 : i32 to index
      %swap3A_1444 = arith.constant 80 : index
      %swap3A_1445 = tpu.vector_load %arg7[%swap3A_1443, %swap3A_1444] {strides = array<i32>} : memref<18x128xf32, #tpu.memory_space<vmem>>, vector<1x16xf32>,
      %swap3A_1446 = vector.shape_cast %swap3A_1445 : vector<1x16xf32> to vector<16xf32>
      %swap3A_1447 = vector.shape_cast %select_n3A_1441 : vector<16xf32> to vector<1x16xf32>
      tpu.vector_store %arg7[%swap3A_1443, %swap3A_1444], %swap3A_1447 {strides = array<i32>} : memref<18x128xf32, #tpu.memory_space<vmem>>, vector<1x16xf32>,
      %slice3A_1448 = vector.extract_strided_slice %get3A_8 {offsets = [5], sizes = [1], strides = [1]} : vector<16xf32> to vector<1xf32>
      %squeeze3A_1449 = vector.extract %slice3A_1448[0] : f32 from vector<1xf32>
      %eq3A_1450 = arith.constant 5 : i32
      %eq3A_1451 = vector.broadcast %eq3A_1450 : i32 to vector<16xi32>
      %eq3A_1452 = arith.cmpi eq, %get3A_1372, %eq3A_1451 : vector<16xi32>
      %jit3A_1453 = arith.constant 0.000000e+00 : f32
      %broadcast_in_dim3A_1454 = vector.broadcast %squeeze3A_1449 : f32 to vector<16xf32>
      %broadcast_in_dim3A_1455 = vector.broadcast %jit3A_1453 : f32 to vector<16xf32>
      %select_n3A_1456 = arith.select %eq3A_1452, %broadcast_in_dim3A_1454, %broadcast_in_dim3A_1455 : vector<16xi1>, vector<16xf32>
      %swap3A_1457 = arith.constant 5 : i32
      %swap3A_1458 = arith.index_cast %swap3A_1457 : i32 to index
      %swap3A_1459 = arith.constant 80 : index
      %swap3A_1460 = tpu.vector_load %arg7[%swap3A_1458, %swap3A_1459] {strides = array<i32>} : memref<18x128xf32, #tpu.memory_space<vmem>>, vector<1x16xf32>,
      %swap3A_1461 = vector.shape_cast %swap3A_1460 : vector<1x16xf32> to vector<16xf32>
      %swap3A_1462 = vector.shape_cast %select_n3A_1456 : vector<16xf32> to vector<1x16xf32>
      tpu.vector_store %arg7[%swap3A_1458, %swap3A_1459], %swap3A_1462 {strides = array<i32>} : memref<18x128xf32, #tpu.memory_space<vmem>>, vector<1x16xf32>,
      %slice3A_1463 = vector.extract_strided_slice %get3A_8 {offsets = [6], sizes = [1], strides = [1]} : vector<16xf32> to vector<1xf32>
      %squeeze3A_1464 = vector.extract %slice3A_1463[0] : f32 from vector<1xf32>
      %eq3A_1465 = arith.constant 6 : i32
      %eq3A_1466 = vector.broadcast %eq3A_1465 : i32 to vector<16xi32>
      %eq3A_1467 = arith.cmpi eq, %get3A_1372, %eq3A_1466 : vector<16xi32>
      %jit3A_1468 = arith.constant 0.000000e+00 : f32
      %broadcast_in_dim3A_1469 = vector.broadcast %squeeze3A_1464 : f32 to vector<16xf32>
      %broadcast_in_dim3A_1470 = vector.broadcast %jit3A_1468 : f32 to vector<16xf32>
      %select_n3A_1471 = arith.select %eq3A_1467, %broadcast_in_dim3A_1469, %broadcast_in_dim3A_1470 : vector<16xi1>, vector<16xf32>
      %swap3A_1472 = arith.constant 6 : i32
      %swap3A_1473 = arith.index_cast %swap3A_1472 : i32 to index
      %swap3A_1474 = arith.constant 80 : index
      %swap3A_1475 = tpu.vector_load %arg7[%swap3A_1473, %swap3A_1474] {strides = array<i32>} : memref<18x128xf32, #tpu.memory_space<vmem>>, vector<1x16xf32>,
      %swap3A_1476 = vector.shape_cast %swap3A_1475 : vector<1x16xf32> to vector<16xf32>
      %swap3A_1477 = vector.shape_cast %select_n3A_1471 : vector<16xf32> to vector<1x16xf32>
      tpu.vector_store %arg7[%swap3A_1473, %swap3A_1474], %swap3A_1477 {strides = array<i32>} : memref<18x128xf32, #tpu.memory_space<vmem>>, vector<1x16xf32>,
      %slice3A_1478 = vector.extract_strided_slice %get3A_8 {offsets = [7], sizes = [1], strides = [1]} : vector<16xf32> to vector<1xf32>
      %squeeze3A_1479 = vector.extract %slice3A_1478[0] : f32 from vector<1xf32>
      %eq3A_1480 = arith.constant 7 : i32
      %eq3A_1481 = vector.broadcast %eq3A_1480 : i32 to vector<16xi32>
      %eq3A_1482 = arith.cmpi eq, %get3A_1372, %eq3A_1481 : vector<16xi32>
      %jit3A_1483 = arith.constant 0.000000e+00 : f32
      %broadcast_in_dim3A_1484 = vector.broadcast %squeeze3A_1479 : f32 to vector<16xf32>
      %broadcast_in_dim3A_1485 = vector.broadcast %jit3A_1483 : f32 to vector<16xf32>
      %select_n3A_1486 = arith.select %eq3A_1482, %broadcast_in_dim3A_1484, %broadcast_in_dim3A_1485 : vector<16xi1>, vector<16xf32>
      %swap3A_1487 = arith.constant 7 : i32
      %swap3A_1488 = arith.index_cast %swap3A_1487 : i32 to index
      %swap3A_1489 = arith.constant 80 : index
      %swap3A_1490 = tpu.vector_load %arg7[%swap3A_1488, %swap3A_1489] {strides = array<i32>} : memref<18x128xf32, #tpu.memory_space<vmem>>, vector<1x16xf32>,
      %swap3A_1491 = vector.shape_cast %swap3A_1490 : vector<1x16xf32> to vector<16xf32>
      %swap3A_1492 = vector.shape_cast %select_n3A_1486 : vector<16xf32> to vector<1x16xf32>
      tpu.vector_store %arg7[%swap3A_1488, %swap3A_1489], %swap3A_1492 {strides = array<i32>} : memref<18x128xf32, #tpu.memory_space<vmem>>, vector<1x16xf32>,
      %slice3A_1493 = vector.extract_strided_slice %get3A_8 {offsets = [8], sizes = [1], strides = [1]} : vector<16xf32> to vector<1xf32>
      %squeeze3A_1494 = vector.extract %slice3A_1493[0] : f32 from vector<1xf32>
      %eq3A_1495 = arith.constant 8 : i32
      %eq3A_1496 = vector.broadcast %eq3A_1495 : i32 to vector<16xi32>
      %eq3A_1497 = arith.cmpi eq, %get3A_1372, %eq3A_1496 : vector<16xi32>
      %jit3A_1498 = arith.constant 0.000000e+00 : f32
      %broadcast_in_dim3A_1499 = vector.broadcast %squeeze3A_1494 : f32 to vector<16xf32>
      %broadcast_in_dim3A_1500 = vector.broadcast %jit3A_1498 : f32 to vector<16xf32>
      %select_n3A_1501 = arith.select %eq3A_1497, %broadcast_in_dim3A_1499, %broadcast_in_dim3A_1500 : vector<16xi1>, vector<16xf32>
      %swap3A_1502 = arith.constant 8 : i32
      %swap3A_1503 = arith.index_cast %swap3A_1502 : i32 to index
      %swap3A_1504 = arith.constant 80 : index
      %swap3A_1505 = tpu.vector_load %arg7[%swap3A_1503, %swap3A_1504] {strides = array<i32>} : memref<18x128xf32, #tpu.memory_space<vmem>>, vector<1x16xf32>,
      %swap3A_1506 = vector.shape_cast %swap3A_1505 : vector<1x16xf32> to vector<16xf32>
      %swap3A_1507 = vector.shape_cast %select_n3A_1501 : vector<16xf32> to vector<1x16xf32>
      tpu.vector_store %arg7[%swap3A_1503, %swap3A_1504], %swap3A_1507 {strides = array<i32>} : memref<18x128xf32, #tpu.memory_space<vmem>>, vector<1x16xf32>,
      %slice3A_1508 = vector.extract_strided_slice %get3A_8 {offsets = [9], sizes = [1], strides = [1]} : vector<16xf32> to vector<1xf32>
      %squeeze3A_1509 = vector.extract %slice3A_1508[0] : f32 from vector<1xf32>
      %eq3A_1510 = arith.constant 9 : i32
      %eq3A_1511 = vector.broadcast %eq3A_1510 : i32 to vector<16xi32>
      %eq3A_1512 = arith.cmpi eq, %get3A_1372, %eq3A_1511 : vector<16xi32>
      %jit3A_1513 = arith.constant 0.000000e+00 : f32
      %broadcast_in_dim3A_1514 = vector.broadcast %squeeze3A_1509 : f32 to vector<16xf32>
      %broadcast_in_dim3A_1515 = vector.broadcast %jit3A_1513 : f32 to vector<16xf32>
      %select_n3A_1516 = arith.select %eq3A_1512, %broadcast_in_dim3A_1514, %broadcast_in_dim3A_1515 : vector<16xi1>, vector<16xf32>
      %swap3A_1517 = arith.constant 9 : i32
      %swap3A_1518 = arith.index_cast %swap3A_1517 : i32 to index
      %swap3A_1519 = arith.constant 80 : index
      %swap3A_1520 = tpu.vector_load %arg7[%swap3A_1518, %swap3A_1519] {strides = array<i32>} : memref<18x128xf32, #tpu.memory_space<vmem>>, vector<1x16xf32>,
      %swap3A_1521 = vector.shape_cast %swap3A_1520 : vector<1x16xf32> to vector<16xf32>
      %swap3A_1522 = vector.shape_cast %select_n3A_1516 : vector<16xf32> to vector<1x16xf32>
      tpu.vector_store %arg7[%swap3A_1518, %swap3A_1519], %swap3A_1522 {strides = array<i32>} : memref<18x128xf32, #tpu.memory_space<vmem>>, vector<1x16xf32>,
      %slice3A_1523 = vector.extract_strided_slice %get3A_8 {offsets = [10], sizes = [1], strides = [1]} : vector<16xf32> to vector<1xf32>
      %squeeze3A_1524 = vector.extract %slice3A_1523[0] : f32 from vector<1xf32>
      %eq3A_1525 = arith.constant 10 : i32
      %eq3A_1526 = vector.broadcast %eq3A_1525 : i32 to vector<16xi32>
      %eq3A_1527 = arith.cmpi eq, %get3A_1372, %eq3A_1526 : vector<16xi32>
      %jit3A_1528 = arith.constant 0.000000e+00 : f32
      %broadcast_in_dim3A_1529 = vector.broadcast %squeeze3A_1524 : f32 to vector<16xf32>
      %broadcast_in_dim3A_1530 = vector.broadcast %jit3A_1528 : f32 to vector<16xf32>
      %select_n3A_1531 = arith.select %eq3A_1527, %broadcast_in_dim3A_1529, %broadcast_in_dim3A_1530 : vector<16xi1>, vector<16xf32>
      %swap3A_1532 = arith.constant 10 : i32
      %swap3A_1533 = arith.index_cast %swap3A_1532 : i32 to index
      %swap3A_1534 = arith.constant 80 : index
      %swap3A_1535 = tpu.vector_load %arg7[%swap3A_1533, %swap3A_1534] {strides = array<i32>} : memref<18x128xf32, #tpu.memory_space<vmem>>, vector<1x16xf32>,
      %swap3A_1536 = vector.shape_cast %swap3A_1535 : vector<1x16xf32> to vector<16xf32>
      %swap3A_1537 = vector.shape_cast %select_n3A_1531 : vector<16xf32> to vector<1x16xf32>
      tpu.vector_store %arg7[%swap3A_1533, %swap3A_1534], %swap3A_1537 {strides = array<i32>} : memref<18x128xf32, #tpu.memory_space<vmem>>, vector<1x16xf32>,
      %slice3A_1538 = vector.extract_strided_slice %get3A_8 {offsets = [11], sizes = [1], strides = [1]} : vector<16xf32> to vector<1xf32>
      %squeeze3A_1539 = vector.extract %slice3A_1538[0] : f32 from vector<1xf32>
      %eq3A_1540 = arith.constant 11 : i32
      %eq3A_1541 = vector.broadcast %eq3A_1540 : i32 to vector<16xi32>
      %eq3A_1542 = arith.cmpi eq, %get3A_1372, %eq3A_1541 : vector<16xi32>
      %jit3A_1543 = arith.constant 0.000000e+00 : f32
      %broadcast_in_dim3A_1544 = vector.broadcast %squeeze3A_1539 : f32 to vector<16xf32>
      %broadcast_in_dim3A_1545 = vector.broadcast %jit3A_1543 : f32 to vector<16xf32>
      %select_n3A_1546 = arith.select %eq3A_1542, %broadcast_in_dim3A_1544, %broadcast_in_dim3A_1545 : vector<16xi1>, vector<16xf32>
      %swap3A_1547 = arith.constant 11 : i32
      %swap3A_1548 = arith.index_cast %swap3A_1547 : i32 to index
      %swap3A_1549 = arith.constant 80 : index
      %swap3A_1550 = tpu.vector_load %arg7[%swap3A_1548, %swap3A_1549] {strides = array<i32>} : memref<18x128xf32, #tpu.memory_space<vmem>>, vector<1x16xf32>,
      %swap3A_1551 = vector.shape_cast %swap3A_1550 : vector<1x16xf32> to vector<16xf32>
      %swap3A_1552 = vector.shape_cast %select_n3A_1546 : vector<16xf32> to vector<1x16xf32>
      tpu.vector_store %arg7[%swap3A_1548, %swap3A_1549], %swap3A_1552 {strides = array<i32>} : memref<18x128xf32, #tpu.memory_space<vmem>>, vector<1x16xf32>,
      %slice3A_1553 = vector.extract_strided_slice %get3A_8 {offsets = [12], sizes = [1], strides = [1]} : vector<16xf32> to vector<1xf32>
      %squeeze3A_1554 = vector.extract %slice3A_1553[0] : f32 from vector<1xf32>
      %eq3A_1555 = arith.constant 12 : i32
      %eq3A_1556 = vector.broadcast %eq3A_1555 : i32 to vector<16xi32>
      %eq3A_1557 = arith.cmpi eq, %get3A_1372, %eq3A_1556 : vector<16xi32>
      %jit3A_1558 = arith.constant 0.000000e+00 : f32
      %broadcast_in_dim3A_1559 = vector.broadcast %squeeze3A_1554 : f32 to vector<16xf32>
      %broadcast_in_dim3A_1560 = vector.broadcast %jit3A_1558 : f32 to vector<16xf32>
      %select_n3A_1561 = arith.select %eq3A_1557, %broadcast_in_dim3A_1559, %broadcast_in_dim3A_1560 : vector<16xi1>, vector<16xf32>
      %swap3A_1562 = arith.constant 12 : i32
      %swap3A_1563 = arith.index_cast %swap3A_1562 : i32 to index
      %swap3A_1564 = arith.constant 80 : index
      %swap3A_1565 = tpu.vector_load %arg7[%swap3A_1563, %swap3A_1564] {strides = array<i32>} : memref<18x128xf32, #tpu.memory_space<vmem>>, vector<1x16xf32>,
      %swap3A_1566 = vector.shape_cast %swap3A_1565 : vector<1x16xf32> to vector<16xf32>
      %swap3A_1567 = vector.shape_cast %select_n3A_1561 : vector<16xf32> to vector<1x16xf32>
      tpu.vector_store %arg7[%swap3A_1563, %swap3A_1564], %swap3A_1567 {strides = array<i32>} : memref<18x128xf32, #tpu.memory_space<vmem>>, vector<1x16xf32>,
      %slice3A_1568 = vector.extract_strided_slice %get3A_8 {offsets = [13], sizes = [1], strides = [1]} : vector<16xf32> to vector<1xf32>
      %squeeze3A_1569 = vector.extract %slice3A_1568[0] : f32 from vector<1xf32>
      %eq3A_1570 = arith.constant 13 : i32
      %eq3A_1571 = vector.broadcast %eq3A_1570 : i32 to vector<16xi32>
      %eq3A_1572 = arith.cmpi eq, %get3A_1372, %eq3A_1571 : vector<16xi32>
      %jit3A_1573 = arith.constant 0.000000e+00 : f32
      %broadcast_in_dim3A_1574 = vector.broadcast %squeeze3A_1569 : f32 to vector<16xf32>
      %broadcast_in_dim3A_1575 = vector.broadcast %jit3A_1573 : f32 to vector<16xf32>
      %select_n3A_1576 = arith.select %eq3A_1572, %broadcast_in_dim3A_1574, %broadcast_in_dim3A_1575 : vector<16xi1>, vector<16xf32>
      %swap3A_1577 = arith.constant 13 : i32
      %swap3A_1578 = arith.index_cast %swap3A_1577 : i32 to index
      %swap3A_1579 = arith.constant 80 : index
      %swap3A_1580 = tpu.vector_load %arg7[%swap3A_1578, %swap3A_1579] {strides = array<i32>} : memref<18x128xf32, #tpu.memory_space<vmem>>, vector<1x16xf32>,
      %swap3A_1581 = vector.shape_cast %swap3A_1580 : vector<1x16xf32> to vector<16xf32>
      %swap3A_1582 = vector.shape_cast %select_n3A_1576 : vector<16xf32> to vector<1x16xf32>
      tpu.vector_store %arg7[%swap3A_1578, %swap3A_1579], %swap3A_1582 {strides = array<i32>} : memref<18x128xf32, #tpu.memory_space<vmem>>, vector<1x16xf32>,
      %slice3A_1583 = vector.extract_strided_slice %get3A_8 {offsets = [14], sizes = [1], strides = [1]} : vector<16xf32> to vector<1xf32>
      %squeeze3A_1584 = vector.extract %slice3A_1583[0] : f32 from vector<1xf32>
      %eq3A_1585 = arith.constant 14 : i32
      %eq3A_1586 = vector.broadcast %eq3A_1585 : i32 to vector<16xi32>
      %eq3A_1587 = arith.cmpi eq, %get3A_1372, %eq3A_1586 : vector<16xi32>
      %jit3A_1588 = arith.constant 0.000000e+00 : f32
      %broadcast_in_dim3A_1589 = vector.broadcast %squeeze3A_1584 : f32 to vector<16xf32>
      %broadcast_in_dim3A_1590 = vector.broadcast %jit3A_1588 : f32 to vector<16xf32>
      %select_n3A_1591 = arith.select %eq3A_1587, %broadcast_in_dim3A_1589, %broadcast_in_dim3A_1590 : vector<16xi1>, vector<16xf32>
      %swap3A_1592 = arith.constant 14 : i32
      %swap3A_1593 = arith.index_cast %swap3A_1592 : i32 to index
      %swap3A_1594 = arith.constant 80 : index
      %swap3A_1595 = tpu.vector_load %arg7[%swap3A_1593, %swap3A_1594] {strides = array<i32>} : memref<18x128xf32, #tpu.memory_space<vmem>>, vector<1x16xf32>,
      %swap3A_1596 = vector.shape_cast %swap3A_1595 : vector<1x16xf32> to vector<16xf32>
      %swap3A_1597 = vector.shape_cast %select_n3A_1591 : vector<16xf32> to vector<1x16xf32>
      tpu.vector_store %arg7[%swap3A_1593, %swap3A_1594], %swap3A_1597 {strides = array<i32>} : memref<18x128xf32, #tpu.memory_space<vmem>>, vector<1x16xf32>,
      %slice3A_1598 = vector.extract_strided_slice %get3A_8 {offsets = [15], sizes = [1], strides = [1]} : vector<16xf32> to vector<1xf32>
      %squeeze3A_1599 = vector.extract %slice3A_1598[0] : f32 from vector<1xf32>
      %eq3A_1600 = arith.constant 15 : i32
      %eq3A_1601 = vector.broadcast %eq3A_1600 : i32 to vector<16xi32>
      %eq3A_1602 = arith.cmpi eq, %get3A_1372, %eq3A_1601 : vector<16xi32>
      %jit3A_1603 = arith.constant 0.000000e+00 : f32
      %broadcast_in_dim3A_1604 = vector.broadcast %squeeze3A_1599 : f32 to vector<16xf32>
      %broadcast_in_dim3A_1605 = vector.broadcast %jit3A_1603 : f32 to vector<16xf32>
      %select_n3A_1606 = arith.select %eq3A_1602, %broadcast_in_dim3A_1604, %broadcast_in_dim3A_1605 : vector<16xi1>, vector<16xf32>
      %swap3A_1607 = arith.constant 15 : i32
      %swap3A_1608 = arith.index_cast %swap3A_1607 : i32 to index
      %swap3A_1609 = arith.constant 80 : index
      %swap3A_1610 = tpu.vector_load %arg7[%swap3A_1608, %swap3A_1609] {strides = array<i32>} : memref<18x128xf32, #tpu.memory_space<vmem>>, vector<1x16xf32>,
      %swap3A_1611 = vector.shape_cast %swap3A_1610 : vector<1x16xf32> to vector<16xf32>
      %swap3A_1612 = vector.shape_cast %select_n3A_1606 : vector<16xf32> to vector<1x16xf32>
      tpu.vector_store %arg7[%swap3A_1608, %swap3A_1609], %swap3A_1612 {strides = array<i32>} : memref<18x128xf32, #tpu.memory_space<vmem>>, vector<1x16xf32>,
      %slice3A_1613 = vector.extract_strided_slice %get3A_11 {offsets = [0], sizes = [1], strides = [1]} : vector<16xf32> to vector<1xf32>
      %squeeze3A_1614 = vector.extract %slice3A_1613[0] : f32 from vector<1xf32>
      %eq3A_1615 = arith.constant 16 : i32
      %eq3A_1616 = vector.broadcast %eq3A_1615 : i32 to vector<16xi32>
      %eq3A_1617 = arith.cmpi eq, %get3A_1372, %eq3A_1616 : vector<16xi32>
      %jit3A_1618 = arith.constant 0.000000e+00 : f32
      %broadcast_in_dim3A_1619 = vector.broadcast %squeeze3A_1614 : f32 to vector<16xf32>
      %broadcast_in_dim3A_1620 = vector.broadcast %jit3A_1618 : f32 to vector<16xf32>
      %select_n3A_1621 = arith.select %eq3A_1617, %broadcast_in_dim3A_1619, %broadcast_in_dim3A_1620 : vector<16xi1>, vector<16xf32>
      %swap3A_1622 = arith.constant 16 : i32
      %swap3A_1623 = arith.index_cast %swap3A_1622 : i32 to index
      %swap3A_1624 = arith.constant 80 : index
      %swap3A_1625 = tpu.vector_load %arg7[%swap3A_1623, %swap3A_1624] {strides = array<i32>} : memref<18x128xf32, #tpu.memory_space<vmem>>, vector<1x16xf32>,
      %swap3A_1626 = vector.shape_cast %swap3A_1625 : vector<1x16xf32> to vector<16xf32>
      %swap3A_1627 = vector.shape_cast %select_n3A_1621 : vector<16xf32> to vector<1x16xf32>
      tpu.vector_store %arg7[%swap3A_1623, %swap3A_1624], %swap3A_1627 {strides = array<i32>} : memref<18x128xf32, #tpu.memory_space<vmem>>, vector<1x16xf32>,
      %slice3A_1628 = vector.extract_strided_slice %get3A_11 {offsets = [1], sizes = [1], strides = [1]} : vector<16xf32> to vector<1xf32>
      %squeeze3A_1629 = vector.extract %slice3A_1628[0] : f32 from vector<1xf32>
      %eq3A_1630 = arith.constant 17 : i32
      %eq3A_1631 = vector.broadcast %eq3A_1630 : i32 to vector<16xi32>
      %eq3A_1632 = arith.cmpi eq, %get3A_1372, %eq3A_1631 : vector<16xi32>
      %jit3A_1633 = arith.constant 0.000000e+00 : f32
      %broadcast_in_dim3A_1634 = vector.broadcast %squeeze3A_1629 : f32 to vector<16xf32>
      %broadcast_in_dim3A_1635 = vector.broadcast %jit3A_1633 : f32 to vector<16xf32>
      %select_n3A_1636 = arith.select %eq3A_1632, %broadcast_in_dim3A_1634, %broadcast_in_dim3A_1635 : vector<16xi1>, vector<16xf32>
      %swap3A_1637 = arith.constant 17 : i32
      %swap3A_1638 = arith.index_cast %swap3A_1637 : i32 to index
      %swap3A_1639 = arith.constant 80 : index
      %swap3A_1640 = tpu.vector_load %arg7[%swap3A_1638, %swap3A_1639] {strides = array<i32>} : memref<18x128xf32, #tpu.memory_space<vmem>>, vector<1x16xf32>,
      %swap3A_1641 = vector.shape_cast %swap3A_1640 : vector<1x16xf32> to vector<16xf32>
      %swap3A_1642 = vector.shape_cast %select_n3A_1636 : vector<16xf32> to vector<1x16xf32>
      tpu.vector_store %arg7[%swap3A_1638, %swap3A_1639], %swap3A_1642 {strides = array<i32>} : memref<18x128xf32, #tpu.memory_space<vmem>>, vector<1x16xf32>,
      %get3A_1643 = arith.constant 96 : index
      %get3A_1644 = tpu.vector_load %arg6[%get3A_1643] {strides = array<i32>} : memref<128xi32, #tpu.memory_space<vmem>>, vector<16xi32>,
      %get3A_1645 = vector.shape_cast %get3A_1644 : vector<16xi32> to vector<16xi32>
      %slice3A_1646 = vector.extract_strided_slice %get3A_8 {offsets = [0], sizes = [1], strides = [1]} : vector<16xf32> to vector<1xf32>
      %squeeze3A_1647 = vector.extract %slice3A_1646[0] : f32 from vector<1xf32>
      %eq3A_1648 = arith.constant 0 : i32
      %eq3A_1649 = vector.broadcast %eq3A_1648 : i32 to vector<16xi32>
      %eq3A_1650 = arith.cmpi eq, %get3A_1645, %eq3A_1649 : vector<16xi32>
      %jit3A_1651 = arith.constant 0.000000e+00 : f32
      %broadcast_in_dim3A_1652 = vector.broadcast %squeeze3A_1647 : f32 to vector<16xf32>
      %broadcast_in_dim3A_1653 = vector.broadcast %jit3A_1651 : f32 to vector<16xf32>
      %select_n3A_1654 = arith.select %eq3A_1650, %broadcast_in_dim3A_1652, %broadcast_in_dim3A_1653 : vector<16xi1>, vector<16xf32>
      %swap3A_1655 = arith.constant 0 : i32
      %swap3A_1656 = arith.index_cast %swap3A_1655 : i32 to index
      %swap3A_1657 = arith.constant 96 : index
      %swap3A_1658 = tpu.vector_load %arg7[%swap3A_1656, %swap3A_1657] {strides = array<i32>} : memref<18x128xf32, #tpu.memory_space<vmem>>, vector<1x16xf32>,
      %swap3A_1659 = vector.shape_cast %swap3A_1658 : vector<1x16xf32> to vector<16xf32>
      %swap3A_1660 = vector.shape_cast %select_n3A_1654 : vector<16xf32> to vector<1x16xf32>
      tpu.vector_store %arg7[%swap3A_1656, %swap3A_1657], %swap3A_1660 {strides = array<i32>} : memref<18x128xf32, #tpu.memory_space<vmem>>, vector<1x16xf32>,
      %slice3A_1661 = vector.extract_strided_slice %get3A_8 {offsets = [1], sizes = [1], strides = [1]} : vector<16xf32> to vector<1xf32>
      %squeeze3A_1662 = vector.extract %slice3A_1661[0] : f32 from vector<1xf32>
      %eq3A_1663 = arith.constant 1 : i32
      %eq3A_1664 = vector.broadcast %eq3A_1663 : i32 to vector<16xi32>
      %eq3A_1665 = arith.cmpi eq, %get3A_1645, %eq3A_1664 : vector<16xi32>
      %jit3A_1666 = arith.constant 0.000000e+00 : f32
      %broadcast_in_dim3A_1667 = vector.broadcast %squeeze3A_1662 : f32 to vector<16xf32>
      %broadcast_in_dim3A_1668 = vector.broadcast %jit3A_1666 : f32 to vector<16xf32>
      %select_n3A_1669 = arith.select %eq3A_1665, %broadcast_in_dim3A_1667, %broadcast_in_dim3A_1668 : vector<16xi1>, vector<16xf32>
      %swap3A_1670 = arith.constant 1 : i32
      %swap3A_1671 = arith.index_cast %swap3A_1670 : i32 to index
      %swap3A_1672 = arith.constant 96 : index
      %swap3A_1673 = tpu.vector_load %arg7[%swap3A_1671, %swap3A_1672] {strides = array<i32>} : memref<18x128xf32, #tpu.memory_space<vmem>>, vector<1x16xf32>,
      %swap3A_1674 = vector.shape_cast %swap3A_1673 : vector<1x16xf32> to vector<16xf32>
      %swap3A_1675 = vector.shape_cast %select_n3A_1669 : vector<16xf32> to vector<1x16xf32>
      tpu.vector_store %arg7[%swap3A_1671, %swap3A_1672], %swap3A_1675 {strides = array<i32>} : memref<18x128xf32, #tpu.memory_space<vmem>>, vector<1x16xf32>,
      %slice3A_1676 = vector.extract_strided_slice %get3A_8 {offsets = [2], sizes = [1], strides = [1]} : vector<16xf32> to vector<1xf32>
      %squeeze3A_1677 = vector.extract %slice3A_1676[0] : f32 from vector<1xf32>
      %eq3A_1678 = arith.constant 2 : i32
      %eq3A_1679 = vector.broadcast %eq3A_1678 : i32 to vector<16xi32>
      %eq3A_1680 = arith.cmpi eq, %get3A_1645, %eq3A_1679 : vector<16xi32>
      %jit3A_1681 = arith.constant 0.000000e+00 : f32
      %broadcast_in_dim3A_1682 = vector.broadcast %squeeze3A_1677 : f32 to vector<16xf32>
      %broadcast_in_dim3A_1683 = vector.broadcast %jit3A_1681 : f32 to vector<16xf32>
      %select_n3A_1684 = arith.select %eq3A_1680, %broadcast_in_dim3A_1682, %broadcast_in_dim3A_1683 : vector<16xi1>, vector<16xf32>
      %swap3A_1685 = arith.constant 2 : i32
      %swap3A_1686 = arith.index_cast %swap3A_1685 : i32 to index
      %swap3A_1687 = arith.constant 96 : index
      %swap3A_1688 = tpu.vector_load %arg7[%swap3A_1686, %swap3A_1687] {strides = array<i32>} : memref<18x128xf32, #tpu.memory_space<vmem>>, vector<1x16xf32>,
      %swap3A_1689 = vector.shape_cast %swap3A_1688 : vector<1x16xf32> to vector<16xf32>
      %swap3A_1690 = vector.shape_cast %select_n3A_1684 : vector<16xf32> to vector<1x16xf32>
      tpu.vector_store %arg7[%swap3A_1686, %swap3A_1687], %swap3A_1690 {strides = array<i32>} : memref<18x128xf32, #tpu.memory_space<vmem>>, vector<1x16xf32>,
      %slice3A_1691 = vector.extract_strided_slice %get3A_8 {offsets = [3], sizes = [1], strides = [1]} : vector<16xf32> to vector<1xf32>
      %squeeze3A_1692 = vector.extract %slice3A_1691[0] : f32 from vector<1xf32>
      %eq3A_1693 = arith.constant 3 : i32
      %eq3A_1694 = vector.broadcast %eq3A_1693 : i32 to vector<16xi32>
      %eq3A_1695 = arith.cmpi eq, %get3A_1645, %eq3A_1694 : vector<16xi32>
      %jit3A_1696 = arith.constant 0.000000e+00 : f32
      %broadcast_in_dim3A_1697 = vector.broadcast %squeeze3A_1692 : f32 to vector<16xf32>
      %broadcast_in_dim3A_1698 = vector.broadcast %jit3A_1696 : f32 to vector<16xf32>
      %select_n3A_1699 = arith.select %eq3A_1695, %broadcast_in_dim3A_1697, %broadcast_in_dim3A_1698 : vector<16xi1>, vector<16xf32>
      %swap3A_1700 = arith.constant 3 : i32
      %swap3A_1701 = arith.index_cast %swap3A_1700 : i32 to index
      %swap3A_1702 = arith.constant 96 : index
      %swap3A_1703 = tpu.vector_load %arg7[%swap3A_1701, %swap3A_1702] {strides = array<i32>} : memref<18x128xf32, #tpu.memory_space<vmem>>, vector<1x16xf32>,
      %swap3A_1704 = vector.shape_cast %swap3A_1703 : vector<1x16xf32> to vector<16xf32>
      %swap3A_1705 = vector.shape_cast %select_n3A_1699 : vector<16xf32> to vector<1x16xf32>
      tpu.vector_store %arg7[%swap3A_1701, %swap3A_1702], %swap3A_1705 {strides = array<i32>} : memref<18x128xf32, #tpu.memory_space<vmem>>, vector<1x16xf32>,
      %slice3A_1706 = vector.extract_strided_slice %get3A_8 {offsets = [4], sizes = [1], strides = [1]} : vector<16xf32> to vector<1xf32>
      %squeeze3A_1707 = vector.extract %slice3A_1706[0] : f32 from vector<1xf32>
      %eq3A_1708 = arith.constant 4 : i32
      %eq3A_1709 = vector.broadcast %eq3A_1708 : i32 to vector<16xi32>
      %eq3A_1710 = arith.cmpi eq, %get3A_1645, %eq3A_1709 : vector<16xi32>
      %jit3A_1711 = arith.constant 0.000000e+00 : f32
      %broadcast_in_dim3A_1712 = vector.broadcast %squeeze3A_1707 : f32 to vector<16xf32>
      %broadcast_in_dim3A_1713 = vector.broadcast %jit3A_1711 : f32 to vector<16xf32>
      %select_n3A_1714 = arith.select %eq3A_1710, %broadcast_in_dim3A_1712, %broadcast_in_dim3A_1713 : vector<16xi1>, vector<16xf32>
      %swap3A_1715 = arith.constant 4 : i32
      %swap3A_1716 = arith.index_cast %swap3A_1715 : i32 to index
      %swap3A_1717 = arith.constant 96 : index
      %swap3A_1718 = tpu.vector_load %arg7[%swap3A_1716, %swap3A_1717] {strides = array<i32>} : memref<18x128xf32, #tpu.memory_space<vmem>>, vector<1x16xf32>,
      %swap3A_1719 = vector.shape_cast %swap3A_1718 : vector<1x16xf32> to vector<16xf32>
      %swap3A_1720 = vector.shape_cast %select_n3A_1714 : vector<16xf32> to vector<1x16xf32>
      tpu.vector_store %arg7[%swap3A_1716, %swap3A_1717], %swap3A_1720 {strides = array<i32>} : memref<18x128xf32, #tpu.memory_space<vmem>>, vector<1x16xf32>,
      %slice3A_1721 = vector.extract_strided_slice %get3A_8 {offsets = [5], sizes = [1], strides = [1]} : vector<16xf32> to vector<1xf32>
      %squeeze3A_1722 = vector.extract %slice3A_1721[0] : f32 from vector<1xf32>
      %eq3A_1723 = arith.constant 5 : i32
      %eq3A_1724 = vector.broadcast %eq3A_1723 : i32 to vector<16xi32>
      %eq3A_1725 = arith.cmpi eq, %get3A_1645, %eq3A_1724 : vector<16xi32>
      %jit3A_1726 = arith.constant 0.000000e+00 : f32
      %broadcast_in_dim3A_1727 = vector.broadcast %squeeze3A_1722 : f32 to vector<16xf32>
      %broadcast_in_dim3A_1728 = vector.broadcast %jit3A_1726 : f32 to vector<16xf32>
      %select_n3A_1729 = arith.select %eq3A_1725, %broadcast_in_dim3A_1727, %broadcast_in_dim3A_1728 : vector<16xi1>, vector<16xf32>
      %swap3A_1730 = arith.constant 5 : i32
      %swap3A_1731 = arith.index_cast %swap3A_1730 : i32 to index
      %swap3A_1732 = arith.constant 96 : index
      %swap3A_1733 = tpu.vector_load %arg7[%swap3A_1731, %swap3A_1732] {strides = array<i32>} : memref<18x128xf32, #tpu.memory_space<vmem>>, vector<1x16xf32>,
      %swap3A_1734 = vector.shape_cast %swap3A_1733 : vector<1x16xf32> to vector<16xf32>
      %swap3A_1735 = vector.shape_cast %select_n3A_1729 : vector<16xf32> to vector<1x16xf32>
      tpu.vector_store %arg7[%swap3A_1731, %swap3A_1732], %swap3A_1735 {strides = array<i32>} : memref<18x128xf32, #tpu.memory_space<vmem>>, vector<1x16xf32>,
      %slice3A_1736 = vector.extract_strided_slice %get3A_8 {offsets = [6], sizes = [1], strides = [1]} : vector<16xf32> to vector<1xf32>
      %squeeze3A_1737 = vector.extract %slice3A_1736[0] : f32 from vector<1xf32>
      %eq3A_1738 = arith.constant 6 : i32
      %eq3A_1739 = vector.broadcast %eq3A_1738 : i32 to vector<16xi32>
      %eq3A_1740 = arith.cmpi eq, %get3A_1645, %eq3A_1739 : vector<16xi32>
      %jit3A_1741 = arith.constant 0.000000e+00 : f32
      %broadcast_in_dim3A_1742 = vector.broadcast %squeeze3A_1737 : f32 to vector<16xf32>
      %broadcast_in_dim3A_1743 = vector.broadcast %jit3A_1741 : f32 to vector<16xf32>
      %select_n3A_1744 = arith.select %eq3A_1740, %broadcast_in_dim3A_1742, %broadcast_in_dim3A_1743 : vector<16xi1>, vector<16xf32>
      %swap3A_1745 = arith.constant 6 : i32
      %swap3A_1746 = arith.index_cast %swap3A_1745 : i32 to index
      %swap3A_1747 = arith.constant 96 : index
      %swap3A_1748 = tpu.vector_load %arg7[%swap3A_1746, %swap3A_1747] {strides = array<i32>} : memref<18x128xf32, #tpu.memory_space<vmem>>, vector<1x16xf32>,
      %swap3A_1749 = vector.shape_cast %swap3A_1748 : vector<1x16xf32> to vector<16xf32>
      %swap3A_1750 = vector.shape_cast %select_n3A_1744 : vector<16xf32> to vector<1x16xf32>
      tpu.vector_store %arg7[%swap3A_1746, %swap3A_1747], %swap3A_1750 {strides = array<i32>} : memref<18x128xf32, #tpu.memory_space<vmem>>, vector<1x16xf32>,
      %slice3A_1751 = vector.extract_strided_slice %get3A_8 {offsets = [7], sizes = [1], strides = [1]} : vector<16xf32> to vector<1xf32>
      %squeeze3A_1752 = vector.extract %slice3A_1751[0] : f32 from vector<1xf32>
      %eq3A_1753 = arith.constant 7 : i32
      %eq3A_1754 = vector.broadcast %eq3A_1753 : i32 to vector<16xi32>
      %eq3A_1755 = arith.cmpi eq, %get3A_1645, %eq3A_1754 : vector<16xi32>
      %jit3A_1756 = arith.constant 0.000000e+00 : f32
      %broadcast_in_dim3A_1757 = vector.broadcast %squeeze3A_1752 : f32 to vector<16xf32>
      %broadcast_in_dim3A_1758 = vector.broadcast %jit3A_1756 : f32 to vector<16xf32>
      %select_n3A_1759 = arith.select %eq3A_1755, %broadcast_in_dim3A_1757, %broadcast_in_dim3A_1758 : vector<16xi1>, vector<16xf32>
      %swap3A_1760 = arith.constant 7 : i32
      %swap3A_1761 = arith.index_cast %swap3A_1760 : i32 to index
      %swap3A_1762 = arith.constant 96 : index
      %swap3A_1763 = tpu.vector_load %arg7[%swap3A_1761, %swap3A_1762] {strides = array<i32>} : memref<18x128xf32, #tpu.memory_space<vmem>>, vector<1x16xf32>,
      %swap3A_1764 = vector.shape_cast %swap3A_1763 : vector<1x16xf32> to vector<16xf32>
      %swap3A_1765 = vector.shape_cast %select_n3A_1759 : vector<16xf32> to vector<1x16xf32>
      tpu.vector_store %arg7[%swap3A_1761, %swap3A_1762], %swap3A_1765 {strides = array<i32>} : memref<18x128xf32, #tpu.memory_space<vmem>>, vector<1x16xf32>,
      %slice3A_1766 = vector.extract_strided_slice %get3A_8 {offsets = [8], sizes = [1], strides = [1]} : vector<16xf32> to vector<1xf32>
      %squeeze3A_1767 = vector.extract %slice3A_1766[0] : f32 from vector<1xf32>
      %eq3A_1768 = arith.constant 8 : i32
      %eq3A_1769 = vector.broadcast %eq3A_1768 : i32 to vector<16xi32>
      %eq3A_1770 = arith.cmpi eq, %get3A_1645, %eq3A_1769 : vector<16xi32>
      %jit3A_1771 = arith.constant 0.000000e+00 : f32
      %broadcast_in_dim3A_1772 = vector.broadcast %squeeze3A_1767 : f32 to vector<16xf32>
      %broadcast_in_dim3A_1773 = vector.broadcast %jit3A_1771 : f32 to vector<16xf32>
      %select_n3A_1774 = arith.select %eq3A_1770, %broadcast_in_dim3A_1772, %broadcast_in_dim3A_1773 : vector<16xi1>, vector<16xf32>
      %swap3A_1775 = arith.constant 8 : i32
      %swap3A_1776 = arith.index_cast %swap3A_1775 : i32 to index
      %swap3A_1777 = arith.constant 96 : index
      %swap3A_1778 = tpu.vector_load %arg7[%swap3A_1776, %swap3A_1777] {strides = array<i32>} : memref<18x128xf32, #tpu.memory_space<vmem>>, vector<1x16xf32>,
      %swap3A_1779 = vector.shape_cast %swap3A_1778 : vector<1x16xf32> to vector<16xf32>
      %swap3A_1780 = vector.shape_cast %select_n3A_1774 : vector<16xf32> to vector<1x16xf32>
      tpu.vector_store %arg7[%swap3A_1776, %swap3A_1777], %swap3A_1780 {strides = array<i32>} : memref<18x128xf32, #tpu.memory_space<vmem>>, vector<1x16xf32>,
      %slice3A_1781 = vector.extract_strided_slice %get3A_8 {offsets = [9], sizes = [1], strides = [1]} : vector<16xf32> to vector<1xf32>
      %squeeze3A_1782 = vector.extract %slice3A_1781[0] : f32 from vector<1xf32>
      %eq3A_1783 = arith.constant 9 : i32
      %eq3A_1784 = vector.broadcast %eq3A_1783 : i32 to vector<16xi32>
      %eq3A_1785 = arith.cmpi eq, %get3A_1645, %eq3A_1784 : vector<16xi32>
      %jit3A_1786 = arith.constant 0.000000e+00 : f32
      %broadcast_in_dim3A_1787 = vector.broadcast %squeeze3A_1782 : f32 to vector<16xf32>
      %broadcast_in_dim3A_1788 = vector.broadcast %jit3A_1786 : f32 to vector<16xf32>
      %select_n3A_1789 = arith.select %eq3A_1785, %broadcast_in_dim3A_1787, %broadcast_in_dim3A_1788 : vector<16xi1>, vector<16xf32>
      %swap3A_1790 = arith.constant 9 : i32
      %swap3A_1791 = arith.index_cast %swap3A_1790 : i32 to index
      %swap3A_1792 = arith.constant 96 : index
      %swap3A_1793 = tpu.vector_load %arg7[%swap3A_1791, %swap3A_1792] {strides = array<i32>} : memref<18x128xf32, #tpu.memory_space<vmem>>, vector<1x16xf32>,
      %swap3A_1794 = vector.shape_cast %swap3A_1793 : vector<1x16xf32> to vector<16xf32>
      %swap3A_1795 = vector.shape_cast %select_n3A_1789 : vector<16xf32> to vector<1x16xf32>
      tpu.vector_store %arg7[%swap3A_1791, %swap3A_1792], %swap3A_1795 {strides = array<i32>} : memref<18x128xf32, #tpu.memory_space<vmem>>, vector<1x16xf32>,
      %slice3A_1796 = vector.extract_strided_slice %get3A_8 {offsets = [10], sizes = [1], strides = [1]} : vector<16xf32> to vector<1xf32>
      %squeeze3A_1797 = vector.extract %slice3A_1796[0] : f32 from vector<1xf32>
      %eq3A_1798 = arith.constant 10 : i32
      %eq3A_1799 = vector.broadcast %eq3A_1798 : i32 to vector<16xi32>
      %eq3A_1800 = arith.cmpi eq, %get3A_1645, %eq3A_1799 : vector<16xi32>
      %jit3A_1801 = arith.constant 0.000000e+00 : f32
      %broadcast_in_dim3A_1802 = vector.broadcast %squeeze3A_1797 : f32 to vector<16xf32>
      %broadcast_in_dim3A_1803 = vector.broadcast %jit3A_1801 : f32 to vector<16xf32>
      %select_n3A_1804 = arith.select %eq3A_1800, %broadcast_in_dim3A_1802, %broadcast_in_dim3A_1803 : vector<16xi1>, vector<16xf32>
      %swap3A_1805 = arith.constant 10 : i32
      %swap3A_1806 = arith.index_cast %swap3A_1805 : i32 to index
      %swap3A_1807 = arith.constant 96 : index
      %swap3A_1808 = tpu.vector_load %arg7[%swap3A_1806, %swap3A_1807] {strides = array<i32>} : memref<18x128xf32, #tpu.memory_space<vmem>>, vector<1x16xf32>,
      %swap3A_1809 = vector.shape_cast %swap3A_1808 : vector<1x16xf32> to vector<16xf32>
      %swap3A_1810 = vector.shape_cast %select_n3A_1804 : vector<16xf32> to vector<1x16xf32>
      tpu.vector_store %arg7[%swap3A_1806, %swap3A_1807], %swap3A_1810 {strides = array<i32>} : memref<18x128xf32, #tpu.memory_space<vmem>>, vector<1x16xf32>,
      %slice3A_1811 = vector.extract_strided_slice %get3A_8 {offsets = [11], sizes = [1], strides = [1]} : vector<16xf32> to vector<1xf32>
      %squeeze3A_1812 = vector.extract %slice3A_1811[0] : f32 from vector<1xf32>
      %eq3A_1813 = arith.constant 11 : i32
      %eq3A_1814 = vector.broadcast %eq3A_1813 : i32 to vector<16xi32>
      %eq3A_1815 = arith.cmpi eq, %get3A_1645, %eq3A_1814 : vector<16xi32>
      %jit3A_1816 = arith.constant 0.000000e+00 : f32
      %broadcast_in_dim3A_1817 = vector.broadcast %squeeze3A_1812 : f32 to vector<16xf32>
      %broadcast_in_dim3A_1818 = vector.broadcast %jit3A_1816 : f32 to vector<16xf32>
      %select_n3A_1819 = arith.select %eq3A_1815, %broadcast_in_dim3A_1817, %broadcast_in_dim3A_1818 : vector<16xi1>, vector<16xf32>
      %swap3A_1820 = arith.constant 11 : i32
      %swap3A_1821 = arith.index_cast %swap3A_1820 : i32 to index
      %swap3A_1822 = arith.constant 96 : index
      %swap3A_1823 = tpu.vector_load %arg7[%swap3A_1821, %swap3A_1822] {strides = array<i32>} : memref<18x128xf32, #tpu.memory_space<vmem>>, vector<1x16xf32>,
      %swap3A_1824 = vector.shape_cast %swap3A_1823 : vector<1x16xf32> to vector<16xf32>
      %swap3A_1825 = vector.shape_cast %select_n3A_1819 : vector<16xf32> to vector<1x16xf32>
      tpu.vector_store %arg7[%swap3A_1821, %swap3A_1822], %swap3A_1825 {strides = array<i32>} : memref<18x128xf32, #tpu.memory_space<vmem>>, vector<1x16xf32>,
      %slice3A_1826 = vector.extract_strided_slice %get3A_8 {offsets = [12], sizes = [1], strides = [1]} : vector<16xf32> to vector<1xf32>
      %squeeze3A_1827 = vector.extract %slice3A_1826[0] : f32 from vector<1xf32>
      %eq3A_1828 = arith.constant 12 : i32
      %eq3A_1829 = vector.broadcast %eq3A_1828 : i32 to vector<16xi32>
      %eq3A_1830 = arith.cmpi eq, %get3A_1645, %eq3A_1829 : vector<16xi32>
      %jit3A_1831 = arith.constant 0.000000e+00 : f32
      %broadcast_in_dim3A_1832 = vector.broadcast %squeeze3A_1827 : f32 to vector<16xf32>
      %broadcast_in_dim3A_1833 = vector.broadcast %jit3A_1831 : f32 to vector<16xf32>
      %select_n3A_1834 = arith.select %eq3A_1830, %broadcast_in_dim3A_1832, %broadcast_in_dim3A_1833 : vector<16xi1>, vector<16xf32>
      %swap3A_1835 = arith.constant 12 : i32
      %swap3A_1836 = arith.index_cast %swap3A_1835 : i32 to index
      %swap3A_1837 = arith.constant 96 : index
      %swap3A_1838 = tpu.vector_load %arg7[%swap3A_1836, %swap3A_1837] {strides = array<i32>} : memref<18x128xf32, #tpu.memory_space<vmem>>, vector<1x16xf32>,
      %swap3A_1839 = vector.shape_cast %swap3A_1838 : vector<1x16xf32> to vector<16xf32>
      %swap3A_1840 = vector.shape_cast %select_n3A_1834 : vector<16xf32> to vector<1x16xf32>
      tpu.vector_store %arg7[%swap3A_1836, %swap3A_1837], %swap3A_1840 {strides = array<i32>} : memref<18x128xf32, #tpu.memory_space<vmem>>, vector<1x16xf32>,
      %slice3A_1841 = vector.extract_strided_slice %get3A_8 {offsets = [13], sizes = [1], strides = [1]} : vector<16xf32> to vector<1xf32>
      %squeeze3A_1842 = vector.extract %slice3A_1841[0] : f32 from vector<1xf32>
      %eq3A_1843 = arith.constant 13 : i32
      %eq3A_1844 = vector.broadcast %eq3A_1843 : i32 to vector<16xi32>
      %eq3A_1845 = arith.cmpi eq, %get3A_1645, %eq3A_1844 : vector<16xi32>
      %jit3A_1846 = arith.constant 0.000000e+00 : f32
      %broadcast_in_dim3A_1847 = vector.broadcast %squeeze3A_1842 : f32 to vector<16xf32>
      %broadcast_in_dim3A_1848 = vector.broadcast %jit3A_1846 : f32 to vector<16xf32>
      %select_n3A_1849 = arith.select %eq3A_1845, %broadcast_in_dim3A_1847, %broadcast_in_dim3A_1848 : vector<16xi1>, vector<16xf32>
      %swap3A_1850 = arith.constant 13 : i32
      %swap3A_1851 = arith.index_cast %swap3A_1850 : i32 to index
      %swap3A_1852 = arith.constant 96 : index
      %swap3A_1853 = tpu.vector_load %arg7[%swap3A_1851, %swap3A_1852] {strides = array<i32>} : memref<18x128xf32, #tpu.memory_space<vmem>>, vector<1x16xf32>,
      %swap3A_1854 = vector.shape_cast %swap3A_1853 : vector<1x16xf32> to vector<16xf32>
      %swap3A_1855 = vector.shape_cast %select_n3A_1849 : vector<16xf32> to vector<1x16xf32>
      tpu.vector_store %arg7[%swap3A_1851, %swap3A_1852], %swap3A_1855 {strides = array<i32>} : memref<18x128xf32, #tpu.memory_space<vmem>>, vector<1x16xf32>,
      %slice3A_1856 = vector.extract_strided_slice %get3A_8 {offsets = [14], sizes = [1], strides = [1]} : vector<16xf32> to vector<1xf32>
      %squeeze3A_1857 = vector.extract %slice3A_1856[0] : f32 from vector<1xf32>
      %eq3A_1858 = arith.constant 14 : i32
      %eq3A_1859 = vector.broadcast %eq3A_1858 : i32 to vector<16xi32>
      %eq3A_1860 = arith.cmpi eq, %get3A_1645, %eq3A_1859 : vector<16xi32>
      %jit3A_1861 = arith.constant 0.000000e+00 : f32
      %broadcast_in_dim3A_1862 = vector.broadcast %squeeze3A_1857 : f32 to vector<16xf32>
      %broadcast_in_dim3A_1863 = vector.broadcast %jit3A_1861 : f32 to vector<16xf32>
      %select_n3A_1864 = arith.select %eq3A_1860, %broadcast_in_dim3A_1862, %broadcast_in_dim3A_1863 : vector<16xi1>, vector<16xf32>
      %swap3A_1865 = arith.constant 14 : i32
      %swap3A_1866 = arith.index_cast %swap3A_1865 : i32 to index
      %swap3A_1867 = arith.constant 96 : index
      %swap3A_1868 = tpu.vector_load %arg7[%swap3A_1866, %swap3A_1867] {strides = array<i32>} : memref<18x128xf32, #tpu.memory_space<vmem>>, vector<1x16xf32>,
      %swap3A_1869 = vector.shape_cast %swap3A_1868 : vector<1x16xf32> to vector<16xf32>
      %swap3A_1870 = vector.shape_cast %select_n3A_1864 : vector<16xf32> to vector<1x16xf32>
      tpu.vector_store %arg7[%swap3A_1866, %swap3A_1867], %swap3A_1870 {strides = array<i32>} : memref<18x128xf32, #tpu.memory_space<vmem>>, vector<1x16xf32>,
      %slice3A_1871 = vector.extract_strided_slice %get3A_8 {offsets = [15], sizes = [1], strides = [1]} : vector<16xf32> to vector<1xf32>
      %squeeze3A_1872 = vector.extract %slice3A_1871[0] : f32 from vector<1xf32>
      %eq3A_1873 = arith.constant 15 : i32
      %eq3A_1874 = vector.broadcast %eq3A_1873 : i32 to vector<16xi32>
      %eq3A_1875 = arith.cmpi eq, %get3A_1645, %eq3A_1874 : vector<16xi32>
      %jit3A_1876 = arith.constant 0.000000e+00 : f32
      %broadcast_in_dim3A_1877 = vector.broadcast %squeeze3A_1872 : f32 to vector<16xf32>
      %broadcast_in_dim3A_1878 = vector.broadcast %jit3A_1876 : f32 to vector<16xf32>
      %select_n3A_1879 = arith.select %eq3A_1875, %broadcast_in_dim3A_1877, %broadcast_in_dim3A_1878 : vector<16xi1>, vector<16xf32>
      %swap3A_1880 = arith.constant 15 : i32
      %swap3A_1881 = arith.index_cast %swap3A_1880 : i32 to index
      %swap3A_1882 = arith.constant 96 : index
      %swap3A_1883 = tpu.vector_load %arg7[%swap3A_1881, %swap3A_1882] {strides = array<i32>} : memref<18x128xf32, #tpu.memory_space<vmem>>, vector<1x16xf32>,
      %swap3A_1884 = vector.shape_cast %swap3A_1883 : vector<1x16xf32> to vector<16xf32>
      %swap3A_1885 = vector.shape_cast %select_n3A_1879 : vector<16xf32> to vector<1x16xf32>
      tpu.vector_store %arg7[%swap3A_1881, %swap3A_1882], %swap3A_1885 {strides = array<i32>} : memref<18x128xf32, #tpu.memory_space<vmem>>, vector<1x16xf32>,
      %slice3A_1886 = vector.extract_strided_slice %get3A_11 {offsets = [0], sizes = [1], strides = [1]} : vector<16xf32> to vector<1xf32>
      %squeeze3A_1887 = vector.extract %slice3A_1886[0] : f32 from vector<1xf32>
      %eq3A_1888 = arith.constant 16 : i32
      %eq3A_1889 = vector.broadcast %eq3A_1888 : i32 to vector<16xi32>
      %eq3A_1890 = arith.cmpi eq, %get3A_1645, %eq3A_1889 : vector<16xi32>
      %jit3A_1891 = arith.constant 0.000000e+00 : f32
      %broadcast_in_dim3A_1892 = vector.broadcast %squeeze3A_1887 : f32 to vector<16xf32>
      %broadcast_in_dim3A_1893 = vector.broadcast %jit3A_1891 : f32 to vector<16xf32>
      %select_n3A_1894 = arith.select %eq3A_1890, %broadcast_in_dim3A_1892, %broadcast_in_dim3A_1893 : vector<16xi1>, vector<16xf32>
      %swap3A_1895 = arith.constant 16 : i32
      %swap3A_1896 = arith.index_cast %swap3A_1895 : i32 to index
      %swap3A_1897 = arith.constant 96 : index
      %swap3A_1898 = tpu.vector_load %arg7[%swap3A_1896, %swap3A_1897] {strides = array<i32>} : memref<18x128xf32, #tpu.memory_space<vmem>>, vector<1x16xf32>,
      %swap3A_1899 = vector.shape_cast %swap3A_1898 : vector<1x16xf32> to vector<16xf32>
      %swap3A_1900 = vector.shape_cast %select_n3A_1894 : vector<16xf32> to vector<1x16xf32>
      tpu.vector_store %arg7[%swap3A_1896, %swap3A_1897], %swap3A_1900 {strides = array<i32>} : memref<18x128xf32, #tpu.memory_space<vmem>>, vector<1x16xf32>,
      %slice3A_1901 = vector.extract_strided_slice %get3A_11 {offsets = [1], sizes = [1], strides = [1]} : vector<16xf32> to vector<1xf32>
      %squeeze3A_1902 = vector.extract %slice3A_1901[0] : f32 from vector<1xf32>
      %eq3A_1903 = arith.constant 17 : i32
      %eq3A_1904 = vector.broadcast %eq3A_1903 : i32 to vector<16xi32>
      %eq3A_1905 = arith.cmpi eq, %get3A_1645, %eq3A_1904 : vector<16xi32>
      %jit3A_1906 = arith.constant 0.000000e+00 : f32
      %broadcast_in_dim3A_1907 = vector.broadcast %squeeze3A_1902 : f32 to vector<16xf32>
      %broadcast_in_dim3A_1908 = vector.broadcast %jit3A_1906 : f32 to vector<16xf32>
      %select_n3A_1909 = arith.select %eq3A_1905, %broadcast_in_dim3A_1907, %broadcast_in_dim3A_1908 : vector<16xi1>, vector<16xf32>
      %swap3A_1910 = arith.constant 17 : i32
      %swap3A_1911 = arith.index_cast %swap3A_1910 : i32 to index
      %swap3A_1912 = arith.constant 96 : index
      %swap3A_1913 = tpu.vector_load %arg7[%swap3A_1911, %swap3A_1912] {strides = array<i32>} : memref<18x128xf32, #tpu.memory_space<vmem>>, vector<1x16xf32>,
      %swap3A_1914 = vector.shape_cast %swap3A_1913 : vector<1x16xf32> to vector<16xf32>
      %swap3A_1915 = vector.shape_cast %select_n3A_1909 : vector<16xf32> to vector<1x16xf32>
      tpu.vector_store %arg7[%swap3A_1911, %swap3A_1912], %swap3A_1915 {strides = array<i32>} : memref<18x128xf32, #tpu.memory_space<vmem>>, vector<1x16xf32>,
      %get3A_1916 = arith.constant 112 : index
      %get3A_1917 = tpu.vector_load %arg6[%get3A_1916] {strides = array<i32>} : memref<128xi32, #tpu.memory_space<vmem>>, vector<16xi32>,
      %get3A_1918 = vector.shape_cast %get3A_1917 : vector<16xi32> to vector<16xi32>
      %slice3A_1919 = vector.extract_strided_slice %get3A_8 {offsets = [0], sizes = [1], strides = [1]} : vector<16xf32> to vector<1xf32>
      %squeeze3A_1920 = vector.extract %slice3A_1919[0] : f32 from vector<1xf32>
      %eq3A_1921 = arith.constant 0 : i32
      %eq3A_1922 = vector.broadcast %eq3A_1921 : i32 to vector<16xi32>
      %eq3A_1923 = arith.cmpi eq, %get3A_1918, %eq3A_1922 : vector<16xi32>
      %jit3A_1924 = arith.constant 0.000000e+00 : f32
      %broadcast_in_dim3A_1925 = vector.broadcast %squeeze3A_1920 : f32 to vector<16xf32>
      %broadcast_in_dim3A_1926 = vector.broadcast %jit3A_1924 : f32 to vector<16xf32>
      %select_n3A_1927 = arith.select %eq3A_1923, %broadcast_in_dim3A_1925, %broadcast_in_dim3A_1926 : vector<16xi1>, vector<16xf32>
      %swap3A_1928 = arith.constant 0 : i32
      %swap3A_1929 = arith.index_cast %swap3A_1928 : i32 to index
      %swap3A_1930 = arith.constant 112 : index
      %swap3A_1931 = tpu.vector_load %arg7[%swap3A_1929, %swap3A_1930] {strides = array<i32>} : memref<18x128xf32, #tpu.memory_space<vmem>>, vector<1x16xf32>,
      %swap3A_1932 = vector.shape_cast %swap3A_1931 : vector<1x16xf32> to vector<16xf32>
      %swap3A_1933 = vector.shape_cast %select_n3A_1927 : vector<16xf32> to vector<1x16xf32>
      tpu.vector_store %arg7[%swap3A_1929, %swap3A_1930], %swap3A_1933 {strides = array<i32>} : memref<18x128xf32, #tpu.memory_space<vmem>>, vector<1x16xf32>,
      %slice3A_1934 = vector.extract_strided_slice %get3A_8 {offsets = [1], sizes = [1], strides = [1]} : vector<16xf32> to vector<1xf32>
      %squeeze3A_1935 = vector.extract %slice3A_1934[0] : f32 from vector<1xf32>
      %eq3A_1936 = arith.constant 1 : i32
      %eq3A_1937 = vector.broadcast %eq3A_1936 : i32 to vector<16xi32>
      %eq3A_1938 = arith.cmpi eq, %get3A_1918, %eq3A_1937 : vector<16xi32>
      %jit3A_1939 = arith.constant 0.000000e+00 : f32
      %broadcast_in_dim3A_1940 = vector.broadcast %squeeze3A_1935 : f32 to vector<16xf32>
      %broadcast_in_dim3A_1941 = vector.broadcast %jit3A_1939 : f32 to vector<16xf32>
      %select_n3A_1942 = arith.select %eq3A_1938, %broadcast_in_dim3A_1940, %broadcast_in_dim3A_1941 : vector<16xi1>, vector<16xf32>
      %swap3A_1943 = arith.constant 1 : i32
      %swap3A_1944 = arith.index_cast %swap3A_1943 : i32 to index
      %swap3A_1945 = arith.constant 112 : index
      %swap3A_1946 = tpu.vector_load %arg7[%swap3A_1944, %swap3A_1945] {strides = array<i32>} : memref<18x128xf32, #tpu.memory_space<vmem>>, vector<1x16xf32>,
      %swap3A_1947 = vector.shape_cast %swap3A_1946 : vector<1x16xf32> to vector<16xf32>
      %swap3A_1948 = vector.shape_cast %select_n3A_1942 : vector<16xf32> to vector<1x16xf32>
      tpu.vector_store %arg7[%swap3A_1944, %swap3A_1945], %swap3A_1948 {strides = array<i32>} : memref<18x128xf32, #tpu.memory_space<vmem>>, vector<1x16xf32>,
      %slice3A_1949 = vector.extract_strided_slice %get3A_8 {offsets = [2], sizes = [1], strides = [1]} : vector<16xf32> to vector<1xf32>
      %squeeze3A_1950 = vector.extract %slice3A_1949[0] : f32 from vector<1xf32>
      %eq3A_1951 = arith.constant 2 : i32
      %eq3A_1952 = vector.broadcast %eq3A_1951 : i32 to vector<16xi32>
      %eq3A_1953 = arith.cmpi eq, %get3A_1918, %eq3A_1952 : vector<16xi32>
      %jit3A_1954 = arith.constant 0.000000e+00 : f32
      %broadcast_in_dim3A_1955 = vector.broadcast %squeeze3A_1950 : f32 to vector<16xf32>
      %broadcast_in_dim3A_1956 = vector.broadcast %jit3A_1954 : f32 to vector<16xf32>
      %select_n3A_1957 = arith.select %eq3A_1953, %broadcast_in_dim3A_1955, %broadcast_in_dim3A_1956 : vector<16xi1>, vector<16xf32>
      %swap3A_1958 = arith.constant 2 : i32
      %swap3A_1959 = arith.index_cast %swap3A_1958 : i32 to index
      %swap3A_1960 = arith.constant 112 : index
      %swap3A_1961 = tpu.vector_load %arg7[%swap3A_1959, %swap3A_1960] {strides = array<i32>} : memref<18x128xf32, #tpu.memory_space<vmem>>, vector<1x16xf32>,
      %swap3A_1962 = vector.shape_cast %swap3A_1961 : vector<1x16xf32> to vector<16xf32>
      %swap3A_1963 = vector.shape_cast %select_n3A_1957 : vector<16xf32> to vector<1x16xf32>
      tpu.vector_store %arg7[%swap3A_1959, %swap3A_1960], %swap3A_1963 {strides = array<i32>} : memref<18x128xf32, #tpu.memory_space<vmem>>, vector<1x16xf32>,
      %slice3A_1964 = vector.extract_strided_slice %get3A_8 {offsets = [3], sizes = [1], strides = [1]} : vector<16xf32> to vector<1xf32>
      %squeeze3A_1965 = vector.extract %slice3A_1964[0] : f32 from vector<1xf32>
      %eq3A_1966 = arith.constant 3 : i32
      %eq3A_1967 = vector.broadcast %eq3A_1966 : i32 to vector<16xi32>
      %eq3A_1968 = arith.cmpi eq, %get3A_1918, %eq3A_1967 : vector<16xi32>
      %jit3A_1969 = arith.constant 0.000000e+00 : f32
      %broadcast_in_dim3A_1970 = vector.broadcast %squeeze3A_1965 : f32 to vector<16xf32>
      %broadcast_in_dim3A_1971 = vector.broadcast %jit3A_1969 : f32 to vector<16xf32>
      %select_n3A_1972 = arith.select %eq3A_1968, %broadcast_in_dim3A_1970, %broadcast_in_dim3A_1971 : vector<16xi1>, vector<16xf32>
      %swap3A_1973 = arith.constant 3 : i32
      %swap3A_1974 = arith.index_cast %swap3A_1973 : i32 to index
      %swap3A_1975 = arith.constant 112 : index
      %swap3A_1976 = tpu.vector_load %arg7[%swap3A_1974, %swap3A_1975] {strides = array<i32>} : memref<18x128xf32, #tpu.memory_space<vmem>>, vector<1x16xf32>,
      %swap3A_1977 = vector.shape_cast %swap3A_1976 : vector<1x16xf32> to vector<16xf32>
      %swap3A_1978 = vector.shape_cast %select_n3A_1972 : vector<16xf32> to vector<1x16xf32>
      tpu.vector_store %arg7[%swap3A_1974, %swap3A_1975], %swap3A_1978 {strides = array<i32>} : memref<18x128xf32, #tpu.memory_space<vmem>>, vector<1x16xf32>,
      %slice3A_1979 = vector.extract_strided_slice %get3A_8 {offsets = [4], sizes = [1], strides = [1]} : vector<16xf32> to vector<1xf32>
      %squeeze3A_1980 = vector.extract %slice3A_1979[0] : f32 from vector<1xf32>
      %eq3A_1981 = arith.constant 4 : i32
      %eq3A_1982 = vector.broadcast %eq3A_1981 : i32 to vector<16xi32>
      %eq3A_1983 = arith.cmpi eq, %get3A_1918, %eq3A_1982 : vector<16xi32>
      %jit3A_1984 = arith.constant 0.000000e+00 : f32
      %broadcast_in_dim3A_1985 = vector.broadcast %squeeze3A_1980 : f32 to vector<16xf32>
      %broadcast_in_dim3A_1986 = vector.broadcast %jit3A_1984 : f32 to vector<16xf32>
      %select_n3A_1987 = arith.select %eq3A_1983, %broadcast_in_dim3A_1985, %broadcast_in_dim3A_1986 : vector<16xi1>, vector<16xf32>
      %swap3A_1988 = arith.constant 4 : i32
      %swap3A_1989 = arith.index_cast %swap3A_1988 : i32 to index
      %swap3A_1990 = arith.constant 112 : index
      %swap3A_1991 = tpu.vector_load %arg7[%swap3A_1989, %swap3A_1990] {strides = array<i32>} : memref<18x128xf32, #tpu.memory_space<vmem>>, vector<1x16xf32>,
      %swap3A_1992 = vector.shape_cast %swap3A_1991 : vector<1x16xf32> to vector<16xf32>
      %swap3A_1993 = vector.shape_cast %select_n3A_1987 : vector<16xf32> to vector<1x16xf32>
      tpu.vector_store %arg7[%swap3A_1989, %swap3A_1990], %swap3A_1993 {strides = array<i32>} : memref<18x128xf32, #tpu.memory_space<vmem>>, vector<1x16xf32>,
      %slice3A_1994 = vector.extract_strided_slice %get3A_8 {offsets = [5], sizes = [1], strides = [1]} : vector<16xf32> to vector<1xf32>
      %squeeze3A_1995 = vector.extract %slice3A_1994[0] : f32 from vector<1xf32>
      %eq3A_1996 = arith.constant 5 : i32
      %eq3A_1997 = vector.broadcast %eq3A_1996 : i32 to vector<16xi32>
      %eq3A_1998 = arith.cmpi eq, %get3A_1918, %eq3A_1997 : vector<16xi32>
      %jit3A_1999 = arith.constant 0.000000e+00 : f32
      %broadcast_in_dim3A_2000 = vector.broadcast %squeeze3A_1995 : f32 to vector<16xf32>
      %broadcast_in_dim3A_2001 = vector.broadcast %jit3A_1999 : f32 to vector<16xf32>
      %select_n3A_2002 = arith.select %eq3A_1998, %broadcast_in_dim3A_2000, %broadcast_in_dim3A_2001 : vector<16xi1>, vector<16xf32>
      %swap3A_2003 = arith.constant 5 : i32
      %swap3A_2004 = arith.index_cast %swap3A_2003 : i32 to index
      %swap3A_2005 = arith.constant 112 : index
      %swap3A_2006 = tpu.vector_load %arg7[%swap3A_2004, %swap3A_2005] {strides = array<i32>} : memref<18x128xf32, #tpu.memory_space<vmem>>, vector<1x16xf32>,
      %swap3A_2007 = vector.shape_cast %swap3A_2006 : vector<1x16xf32> to vector<16xf32>
      %swap3A_2008 = vector.shape_cast %select_n3A_2002 : vector<16xf32> to vector<1x16xf32>
      tpu.vector_store %arg7[%swap3A_2004, %swap3A_2005], %swap3A_2008 {strides = array<i32>} : memref<18x128xf32, #tpu.memory_space<vmem>>, vector<1x16xf32>,
      %slice3A_2009 = vector.extract_strided_slice %get3A_8 {offsets = [6], sizes = [1], strides = [1]} : vector<16xf32> to vector<1xf32>
      %squeeze3A_2010 = vector.extract %slice3A_2009[0] : f32 from vector<1xf32>
      %eq3A_2011 = arith.constant 6 : i32
      %eq3A_2012 = vector.broadcast %eq3A_2011 : i32 to vector<16xi32>
      %eq3A_2013 = arith.cmpi eq, %get3A_1918, %eq3A_2012 : vector<16xi32>
      %jit3A_2014 = arith.constant 0.000000e+00 : f32
      %broadcast_in_dim3A_2015 = vector.broadcast %squeeze3A_2010 : f32 to vector<16xf32>
      %broadcast_in_dim3A_2016 = vector.broadcast %jit3A_2014 : f32 to vector<16xf32>
      %select_n3A_2017 = arith.select %eq3A_2013, %broadcast_in_dim3A_2015, %broadcast_in_dim3A_2016 : vector<16xi1>, vector<16xf32>
      %swap3A_2018 = arith.constant 6 : i32
      %swap3A_2019 = arith.index_cast %swap3A_2018 : i32 to index
      %swap3A_2020 = arith.constant 112 : index
      %swap3A_2021 = tpu.vector_load %arg7[%swap3A_2019, %swap3A_2020] {strides = array<i32>} : memref<18x128xf32, #tpu.memory_space<vmem>>, vector<1x16xf32>,
      %swap3A_2022 = vector.shape_cast %swap3A_2021 : vector<1x16xf32> to vector<16xf32>
      %swap3A_2023 = vector.shape_cast %select_n3A_2017 : vector<16xf32> to vector<1x16xf32>
      tpu.vector_store %arg7[%swap3A_2019, %swap3A_2020], %swap3A_2023 {strides = array<i32>} : memref<18x128xf32, #tpu.memory_space<vmem>>, vector<1x16xf32>,
      %slice3A_2024 = vector.extract_strided_slice %get3A_8 {offsets = [7], sizes = [1], strides = [1]} : vector<16xf32> to vector<1xf32>
      %squeeze3A_2025 = vector.extract %slice3A_2024[0] : f32 from vector<1xf32>
      %eq3A_2026 = arith.constant 7 : i32
      %eq3A_2027 = vector.broadcast %eq3A_2026 : i32 to vector<16xi32>
      %eq3A_2028 = arith.cmpi eq, %get3A_1918, %eq3A_2027 : vector<16xi32>
      %jit3A_2029 = arith.constant 0.000000e+00 : f32
      %broadcast_in_dim3A_2030 = vector.broadcast %squeeze3A_2025 : f32 to vector<16xf32>
      %broadcast_in_dim3A_2031 = vector.broadcast %jit3A_2029 : f32 to vector<16xf32>
      %select_n3A_2032 = arith.select %eq3A_2028, %broadcast_in_dim3A_2030, %broadcast_in_dim3A_2031 : vector<16xi1>, vector<16xf32>
      %swap3A_2033 = arith.constant 7 : i32
      %swap3A_2034 = arith.index_cast %swap3A_2033 : i32 to index
      %swap3A_2035 = arith.constant 112 : index
      %swap3A_2036 = tpu.vector_load %arg7[%swap3A_2034, %swap3A_2035] {strides = array<i32>} : memref<18x128xf32, #tpu.memory_space<vmem>>, vector<1x16xf32>,
      %swap3A_2037 = vector.shape_cast %swap3A_2036 : vector<1x16xf32> to vector<16xf32>
      %swap3A_2038 = vector.shape_cast %select_n3A_2032 : vector<16xf32> to vector<1x16xf32>
      tpu.vector_store %arg7[%swap3A_2034, %swap3A_2035], %swap3A_2038 {strides = array<i32>} : memref<18x128xf32, #tpu.memory_space<vmem>>, vector<1x16xf32>,
      %slice3A_2039 = vector.extract_strided_slice %get3A_8 {offsets = [8], sizes = [1], strides = [1]} : vector<16xf32> to vector<1xf32>
      %squeeze3A_2040 = vector.extract %slice3A_2039[0] : f32 from vector<1xf32>
      %eq3A_2041 = arith.constant 8 : i32
      %eq3A_2042 = vector.broadcast %eq3A_2041 : i32 to vector<16xi32>
      %eq3A_2043 = arith.cmpi eq, %get3A_1918, %eq3A_2042 : vector<16xi32>
      %jit3A_2044 = arith.constant 0.000000e+00 : f32
      %broadcast_in_dim3A_2045 = vector.broadcast %squeeze3A_2040 : f32 to vector<16xf32>
      %broadcast_in_dim3A_2046 = vector.broadcast %jit3A_2044 : f32 to vector<16xf32>
      %select_n3A_2047 = arith.select %eq3A_2043, %broadcast_in_dim3A_2045, %broadcast_in_dim3A_2046 : vector<16xi1>, vector<16xf32>
      %swap3A_2048 = arith.constant 8 : i32
      %swap3A_2049 = arith.index_cast %swap3A_2048 : i32 to index
      %swap3A_2050 = arith.constant 112 : index
      %swap3A_2051 = tpu.vector_load %arg7[%swap3A_2049, %swap3A_2050] {strides = array<i32>} : memref<18x128xf32, #tpu.memory_space<vmem>>, vector<1x16xf32>,
      %swap3A_2052 = vector.shape_cast %swap3A_2051 : vector<1x16xf32> to vector<16xf32>
      %swap3A_2053 = vector.shape_cast %select_n3A_2047 : vector<16xf32> to vector<1x16xf32>
      tpu.vector_store %arg7[%swap3A_2049, %swap3A_2050], %swap3A_2053 {strides = array<i32>} : memref<18x128xf32, #tpu.memory_space<vmem>>, vector<1x16xf32>,
      %slice3A_2054 = vector.extract_strided_slice %get3A_8 {offsets = [9], sizes = [1], strides = [1]} : vector<16xf32> to vector<1xf32>
      %squeeze3A_2055 = vector.extract %slice3A_2054[0] : f32 from vector<1xf32>
      %eq3A_2056 = arith.constant 9 : i32
      %eq3A_2057 = vector.broadcast %eq3A_2056 : i32 to vector<16xi32>
      %eq3A_2058 = arith.cmpi eq, %get3A_1918, %eq3A_2057 : vector<16xi32>
      %jit3A_2059 = arith.constant 0.000000e+00 : f32
      %broadcast_in_dim3A_2060 = vector.broadcast %squeeze3A_2055 : f32 to vector<16xf32>
      %broadcast_in_dim3A_2061 = vector.broadcast %jit3A_2059 : f32 to vector<16xf32>
      %select_n3A_2062 = arith.select %eq3A_2058, %broadcast_in_dim3A_2060, %broadcast_in_dim3A_2061 : vector<16xi1>, vector<16xf32>
      %swap3A_2063 = arith.constant 9 : i32
      %swap3A_2064 = arith.index_cast %swap3A_2063 : i32 to index
      %swap3A_2065 = arith.constant 112 : index
      %swap3A_2066 = tpu.vector_load %arg7[%swap3A_2064, %swap3A_2065] {strides = array<i32>} : memref<18x128xf32, #tpu.memory_space<vmem>>, vector<1x16xf32>,
      %swap3A_2067 = vector.shape_cast %swap3A_2066 : vector<1x16xf32> to vector<16xf32>
      %swap3A_2068 = vector.shape_cast %select_n3A_2062 : vector<16xf32> to vector<1x16xf32>
      tpu.vector_store %arg7[%swap3A_2064, %swap3A_2065], %swap3A_2068 {strides = array<i32>} : memref<18x128xf32, #tpu.memory_space<vmem>>, vector<1x16xf32>,
      %slice3A_2069 = vector.extract_strided_slice %get3A_8 {offsets = [10], sizes = [1], strides = [1]} : vector<16xf32> to vector<1xf32>
      %squeeze3A_2070 = vector.extract %slice3A_2069[0] : f32 from vector<1xf32>
      %eq3A_2071 = arith.constant 10 : i32
      %eq3A_2072 = vector.broadcast %eq3A_2071 : i32 to vector<16xi32>
      %eq3A_2073 = arith.cmpi eq, %get3A_1918, %eq3A_2072 : vector<16xi32>
      %jit3A_2074 = arith.constant 0.000000e+00 : f32
      %broadcast_in_dim3A_2075 = vector.broadcast %squeeze3A_2070 : f32 to vector<16xf32>
      %broadcast_in_dim3A_2076 = vector.broadcast %jit3A_2074 : f32 to vector<16xf32>
      %select_n3A_2077 = arith.select %eq3A_2073, %broadcast_in_dim3A_2075, %broadcast_in_dim3A_2076 : vector<16xi1>, vector<16xf32>
      %swap3A_2078 = arith.constant 10 : i32
      %swap3A_2079 = arith.index_cast %swap3A_2078 : i32 to index
      %swap3A_2080 = arith.constant 112 : index
      %swap3A_2081 = tpu.vector_load %arg7[%swap3A_2079, %swap3A_2080] {strides = array<i32>} : memref<18x128xf32, #tpu.memory_space<vmem>>, vector<1x16xf32>,
      %swap3A_2082 = vector.shape_cast %swap3A_2081 : vector<1x16xf32> to vector<16xf32>
      %swap3A_2083 = vector.shape_cast %select_n3A_2077 : vector<16xf32> to vector<1x16xf32>
      tpu.vector_store %arg7[%swap3A_2079, %swap3A_2080], %swap3A_2083 {strides = array<i32>} : memref<18x128xf32, #tpu.memory_space<vmem>>, vector<1x16xf32>,
      %slice3A_2084 = vector.extract_strided_slice %get3A_8 {offsets = [11], sizes = [1], strides = [1]} : vector<16xf32> to vector<1xf32>
      %squeeze3A_2085 = vector.extract %slice3A_2084[0] : f32 from vector<1xf32>
      %eq3A_2086 = arith.constant 11 : i32
      %eq3A_2087 = vector.broadcast %eq3A_2086 : i32 to vector<16xi32>
      %eq3A_2088 = arith.cmpi eq, %get3A_1918, %eq3A_2087 : vector<16xi32>
      %jit3A_2089 = arith.constant 0.000000e+00 : f32
      %broadcast_in_dim3A_2090 = vector.broadcast %squeeze3A_2085 : f32 to vector<16xf32>
      %broadcast_in_dim3A_2091 = vector.broadcast %jit3A_2089 : f32 to vector<16xf32>
      %select_n3A_2092 = arith.select %eq3A_2088, %broadcast_in_dim3A_2090, %broadcast_in_dim3A_2091 : vector<16xi1>, vector<16xf32>
      %swap3A_2093 = arith.constant 11 : i32
      %swap3A_2094 = arith.index_cast %swap3A_2093 : i32 to index
      %swap3A_2095 = arith.constant 112 : index
      %swap3A_2096 = tpu.vector_load %arg7[%swap3A_2094, %swap3A_2095] {strides = array<i32>} : memref<18x128xf32, #tpu.memory_space<vmem>>, vector<1x16xf32>,
      %swap3A_2097 = vector.shape_cast %swap3A_2096 : vector<1x16xf32> to vector<16xf32>
      %swap3A_2098 = vector.shape_cast %select_n3A_2092 : vector<16xf32> to vector<1x16xf32>
      tpu.vector_store %arg7[%swap3A_2094, %swap3A_2095], %swap3A_2098 {strides = array<i32>} : memref<18x128xf32, #tpu.memory_space<vmem>>, vector<1x16xf32>,
      %slice3A_2099 = vector.extract_strided_slice %get3A_8 {offsets = [12], sizes = [1], strides = [1]} : vector<16xf32> to vector<1xf32>
      %squeeze3A_2100 = vector.extract %slice3A_2099[0] : f32 from vector<1xf32>
      %eq3A_2101 = arith.constant 12 : i32
      %eq3A_2102 = vector.broadcast %eq3A_2101 : i32 to vector<16xi32>
      %eq3A_2103 = arith.cmpi eq, %get3A_1918, %eq3A_2102 : vector<16xi32>
      %jit3A_2104 = arith.constant 0.000000e+00 : f32
      %broadcast_in_dim3A_2105 = vector.broadcast %squeeze3A_2100 : f32 to vector<16xf32>
      %broadcast_in_dim3A_2106 = vector.broadcast %jit3A_2104 : f32 to vector<16xf32>
      %select_n3A_2107 = arith.select %eq3A_2103, %broadcast_in_dim3A_2105, %broadcast_in_dim3A_2106 : vector<16xi1>, vector<16xf32>
      %swap3A_2108 = arith.constant 12 : i32
      %swap3A_2109 = arith.index_cast %swap3A_2108 : i32 to index
      %swap3A_2110 = arith.constant 112 : index
      %swap3A_2111 = tpu.vector_load %arg7[%swap3A_2109, %swap3A_2110] {strides = array<i32>} : memref<18x128xf32, #tpu.memory_space<vmem>>, vector<1x16xf32>,
      %swap3A_2112 = vector.shape_cast %swap3A_2111 : vector<1x16xf32> to vector<16xf32>
      %swap3A_2113 = vector.shape_cast %select_n3A_2107 : vector<16xf32> to vector<1x16xf32>
      tpu.vector_store %arg7[%swap3A_2109, %swap3A_2110], %swap3A_2113 {strides = array<i32>} : memref<18x128xf32, #tpu.memory_space<vmem>>, vector<1x16xf32>,
      %slice3A_2114 = vector.extract_strided_slice %get3A_8 {offsets = [13], sizes = [1], strides = [1]} : vector<16xf32> to vector<1xf32>
      %squeeze3A_2115 = vector.extract %slice3A_2114[0] : f32 from vector<1xf32>
      %eq3A_2116 = arith.constant 13 : i32
      %eq3A_2117 = vector.broadcast %eq3A_2116 : i32 to vector<16xi32>
      %eq3A_2118 = arith.cmpi eq, %get3A_1918, %eq3A_2117 : vector<16xi32>
      %jit3A_2119 = arith.constant 0.000000e+00 : f32
      %broadcast_in_dim3A_2120 = vector.broadcast %squeeze3A_2115 : f32 to vector<16xf32>
      %broadcast_in_dim3A_2121 = vector.broadcast %jit3A_2119 : f32 to vector<16xf32>
      %select_n3A_2122 = arith.select %eq3A_2118, %broadcast_in_dim3A_2120, %broadcast_in_dim3A_2121 : vector<16xi1>, vector<16xf32>
      %swap3A_2123 = arith.constant 13 : i32
      %swap3A_2124 = arith.index_cast %swap3A_2123 : i32 to index
      %swap3A_2125 = arith.constant 112 : index
      %swap3A_2126 = tpu.vector_load %arg7[%swap3A_2124, %swap3A_2125] {strides = array<i32>} : memref<18x128xf32, #tpu.memory_space<vmem>>, vector<1x16xf32>,
      %swap3A_2127 = vector.shape_cast %swap3A_2126 : vector<1x16xf32> to vector<16xf32>
      %swap3A_2128 = vector.shape_cast %select_n3A_2122 : vector<16xf32> to vector<1x16xf32>
      tpu.vector_store %arg7[%swap3A_2124, %swap3A_2125], %swap3A_2128 {strides = array<i32>} : memref<18x128xf32, #tpu.memory_space<vmem>>, vector<1x16xf32>,
      %slice3A_2129 = vector.extract_strided_slice %get3A_8 {offsets = [14], sizes = [1], strides = [1]} : vector<16xf32> to vector<1xf32>
      %squeeze3A_2130 = vector.extract %slice3A_2129[0] : f32 from vector<1xf32>
      %eq3A_2131 = arith.constant 14 : i32
      %eq3A_2132 = vector.broadcast %eq3A_2131 : i32 to vector<16xi32>
      %eq3A_2133 = arith.cmpi eq, %get3A_1918, %eq3A_2132 : vector<16xi32>
      %jit3A_2134 = arith.constant 0.000000e+00 : f32
      %broadcast_in_dim3A_2135 = vector.broadcast %squeeze3A_2130 : f32 to vector<16xf32>
      %broadcast_in_dim3A_2136 = vector.broadcast %jit3A_2134 : f32 to vector<16xf32>
      %select_n3A_2137 = arith.select %eq3A_2133, %broadcast_in_dim3A_2135, %broadcast_in_dim3A_2136 : vector<16xi1>, vector<16xf32>
      %swap3A_2138 = arith.constant 14 : i32
      %swap3A_2139 = arith.index_cast %swap3A_2138 : i32 to index
      %swap3A_2140 = arith.constant 112 : index
      %swap3A_2141 = tpu.vector_load %arg7[%swap3A_2139, %swap3A_2140] {strides = array<i32>} : memref<18x128xf32, #tpu.memory_space<vmem>>, vector<1x16xf32>,
      %swap3A_2142 = vector.shape_cast %swap3A_2141 : vector<1x16xf32> to vector<16xf32>
      %swap3A_2143 = vector.shape_cast %select_n3A_2137 : vector<16xf32> to vector<1x16xf32>
      tpu.vector_store %arg7[%swap3A_2139, %swap3A_2140], %swap3A_2143 {strides = array<i32>} : memref<18x128xf32, #tpu.memory_space<vmem>>, vector<1x16xf32>,
      %slice3A_2144 = vector.extract_strided_slice %get3A_8 {offsets = [15], sizes = [1], strides = [1]} : vector<16xf32> to vector<1xf32>
      %squeeze3A_2145 = vector.extract %slice3A_2144[0] : f32 from vector<1xf32>
      %eq3A_2146 = arith.constant 15 : i32
      %eq3A_2147 = vector.broadcast %eq3A_2146 : i32 to vector<16xi32>
      %eq3A_2148 = arith.cmpi eq, %get3A_1918, %eq3A_2147 : vector<16xi32>
      %jit3A_2149 = arith.constant 0.000000e+00 : f32
      %broadcast_in_dim3A_2150 = vector.broadcast %squeeze3A_2145 : f32 to vector<16xf32>
      %broadcast_in_dim3A_2151 = vector.broadcast %jit3A_2149 : f32 to vector<16xf32>
      %select_n3A_2152 = arith.select %eq3A_2148, %broadcast_in_dim3A_2150, %broadcast_in_dim3A_2151 : vector<16xi1>, vector<16xf32>
      %swap3A_2153 = arith.constant 15 : i32
      %swap3A_2154 = arith.index_cast %swap3A_2153 : i32 to index
      %swap3A_2155 = arith.constant 112 : index
      %swap3A_2156 = tpu.vector_load %arg7[%swap3A_2154, %swap3A_2155] {strides = array<i32>} : memref<18x128xf32, #tpu.memory_space<vmem>>, vector<1x16xf32>,
      %swap3A_2157 = vector.shape_cast %swap3A_2156 : vector<1x16xf32> to vector<16xf32>
      %swap3A_2158 = vector.shape_cast %select_n3A_2152 : vector<16xf32> to vector<1x16xf32>
      tpu.vector_store %arg7[%swap3A_2154, %swap3A_2155], %swap3A_2158 {strides = array<i32>} : memref<18x128xf32, #tpu.memory_space<vmem>>, vector<1x16xf32>,
      %slice3A_2159 = vector.extract_strided_slice %get3A_11 {offsets = [0], sizes = [1], strides = [1]} : vector<16xf32> to vector<1xf32>
      %squeeze3A_2160 = vector.extract %slice3A_2159[0] : f32 from vector<1xf32>
      %eq3A_2161 = arith.constant 16 : i32
      %eq3A_2162 = vector.broadcast %eq3A_2161 : i32 to vector<16xi32>
      %eq3A_2163 = arith.cmpi eq, %get3A_1918, %eq3A_2162 : vector<16xi32>
      %jit3A_2164 = arith.constant 0.000000e+00 : f32
      %broadcast_in_dim3A_2165 = vector.broadcast %squeeze3A_2160 : f32 to vector<16xf32>
      %broadcast_in_dim3A_2166 = vector.broadcast %jit3A_2164 : f32 to vector<16xf32>
      %select_n3A_2167 = arith.select %eq3A_2163, %broadcast_in_dim3A_2165, %broadcast_in_dim3A_2166 : vector<16xi1>, vector<16xf32>
      %swap3A_2168 = arith.constant 16 : i32
      %swap3A_2169 = arith.index_cast %swap3A_2168 : i32 to index
      %swap3A_2170 = arith.constant 112 : index
      %swap3A_2171 = tpu.vector_load %arg7[%swap3A_2169, %swap3A_2170] {strides = array<i32>} : memref<18x128xf32, #tpu.memory_space<vmem>>, vector<1x16xf32>,
      %swap3A_2172 = vector.shape_cast %swap3A_2171 : vector<1x16xf32> to vector<16xf32>
      %swap3A_2173 = vector.shape_cast %select_n3A_2167 : vector<16xf32> to vector<1x16xf32>
      tpu.vector_store %arg7[%swap3A_2169, %swap3A_2170], %swap3A_2173 {strides = array<i32>} : memref<18x128xf32, #tpu.memory_space<vmem>>, vector<1x16xf32>,
      %slice3A_2174 = vector.extract_strided_slice %get3A_11 {offsets = [1], sizes = [1], strides = [1]} : vector<16xf32> to vector<1xf32>
      %squeeze3A_2175 = vector.extract %slice3A_2174[0] : f32 from vector<1xf32>
      %eq3A_2176 = arith.constant 17 : i32
      %eq3A_2177 = vector.broadcast %eq3A_2176 : i32 to vector<16xi32>
      %eq3A_2178 = arith.cmpi eq, %get3A_1918, %eq3A_2177 : vector<16xi32>
      %jit3A_2179 = arith.constant 0.000000e+00 : f32
      %broadcast_in_dim3A_2180 = vector.broadcast %squeeze3A_2175 : f32 to vector<16xf32>
      %broadcast_in_dim3A_2181 = vector.broadcast %jit3A_2179 : f32 to vector<16xf32>
      %select_n3A_2182 = arith.select %eq3A_2178, %broadcast_in_dim3A_2180, %broadcast_in_dim3A_2181 : vector<16xi1>, vector<16xf32>
      %swap3A_2183 = arith.constant 17 : i32
      %swap3A_2184 = arith.index_cast %swap3A_2183 : i32 to index
      %swap3A_2185 = arith.constant 112 : index
      %swap3A_2186 = tpu.vector_load %arg7[%swap3A_2184, %swap3A_2185] {strides = array<i32>} : memref<18x128xf32, #tpu.memory_space<vmem>>, vector<1x16xf32>,
      %swap3A_2187 = vector.shape_cast %swap3A_2186 : vector<1x16xf32> to vector<16xf32>
      %swap3A_2188 = vector.shape_cast %select_n3A_2182 : vector<16xf32> to vector<1x16xf32>
      tpu.vector_store %arg7[%swap3A_2184, %swap3A_2185], %swap3A_2188 {strides = array<i32>} : memref<18x128xf32, #tpu.memory_space<vmem>>, vector<1x16xf32>,
      "tpu.region"() ({
        %run_scoped3A = tpu.sem_alloc : memref<!tpu.dma_semaphore, #tpu.memory_space<semaphore_mem>>
        %dma_start3A_2189 = arith.constant 0 : i32
        %dma_start3A_2190 = tpu.memref_slice %arg4[%dma_start3A_2189, %mul3A_4] : memref<18x1024xf32, #tpu.memory_space<hbm>> -> memref<18x128xf32, #tpu.memory_space<hbm>>
        %dma_start3A_2191 = arith.constant 0 : i32
        %dma_start3A_2192 = tpu.memref_slice %arg4[%dma_start3A_2191, %mul3A_4] : memref<18x1024xf32, #tpu.memory_space<hbm>> -> memref<18x128xf32, #tpu.memory_space<hbm>>
        tpu.enqueue_dma source(%arg7 : memref<18x128xf32, #tpu.memory_space<vmem>>) target(%dma_start3A_2192 : memref<18x128xf32, #tpu.memory_space<hbm>>) target_semaphore(%run_scoped3A : memref<!tpu.dma_semaphore, #tpu.memory_space<semaphore_mem>>)
        %dma_wait3A_2193 = arith.constant 0 : i32
        %dma_wait3A_2194 = tpu.memref_slice %arg4[%dma_wait3A_2193, %mul3A_4] : memref<18x1024xf32, #tpu.memory_space<hbm>> -> memref<18x128xf32, #tpu.memory_space<hbm>>
        %dma_wait3A_2195 = arith.constant 0 : i32
        %dma_wait3A_2196 = tpu.memref_slice %arg4[%dma_wait3A_2195, %mul3A_4] : memref<18x1024xf32, #tpu.memory_space<hbm>> -> memref<18x128xf32, #tpu.memory_space<hbm>>
        tpu.wait_dma2 semaphore(%run_scoped3A : memref<!tpu.dma_semaphore, #tpu.memory_space<semaphore_mem>>) src(%arg7 : memref<18x128xf32, #tpu.memory_space<vmem>>) dst(%dma_wait3A_2196 : memref<18x128xf32, #tpu.memory_space<hbm>>)
        tpu.yield
      }) : () -> ()
    } else {
    }
    return
  }
}

module attributes {stable_mosaic.version = 14 : i64} {
  func.func @_tc_broadcast_body(%arg0: i32, %arg1: memref<18x1024xf32, #tpu.memory_space<vmem>>, %arg2: memref<1x18x64x1024xf32, #tpu.memory_space<vmem>>) attributes {dimension_semantics = [#tpu.dimension_semantics<parallel>], iteration_bounds = array<i64: 64>, scalar_prefetch = 0 : i64, scratch_operands = 0 : i64, tpu.core_type = #tpu.core_type<tc>, window_params = [{pipeline_mode = #tpu.pipeline_mode<synchronous>, transform_indices = @transform_0, window_bounds = array<i64: 18, 1024>}, {transform_indices = @transform_1, window_bounds = array<i64: 1, 18, 64, 1024>}]} {
    %get3A = arith.constant 0 : index
    %get3A_0 = arith.constant 0 : index
    %get3A_1 = vector.load %arg1[%get3A, %get3A_0] : memref<18x1024xf32, #tpu.memory_space<vmem>>, vector<18x1024xf32>
    %broadcast_in_dim3A = vector.shape_cast %get3A_1 : vector<18x1024xf32> to vector<1x18x1x1024xf32>
    %broadcast_in_dim3A_2 = vector.shape_cast %broadcast_in_dim3A : vector<1x18x1x1024xf32> to vector<1x18x1x1024xf32>
    %broadcast_in_dim3A_3 = vector.broadcast %broadcast_in_dim3A_2 : vector<1x18x1x1024xf32> to vector<1x18x64x1024xf32>
    %swap3A = arith.constant 0 : index
    %swap3A_4 = arith.constant 0 : index
    %swap3A_5 = arith.constant 0 : index
    %swap3A_6 = arith.constant 0 : index
    %swap3A_7 = vector.load %arg2[%swap3A, %swap3A_4, %swap3A_5, %swap3A_6] : memref<1x18x64x1024xf32, #tpu.memory_space<vmem>>, vector<1x18x64x1024xf32>
    tpu.vector_store %arg2[%swap3A, %swap3A_4, %swap3A_5, %swap3A_6], %broadcast_in_dim3A_3 {strides = array<i32>} : memref<1x18x64x1024xf32, #tpu.memory_space<vmem>>, vector<1x18x64x1024xf32>,
    return
  }
  func.func @transform_0(%arg0: i32) -> (i32, i32) {
    %c0_i32 = arith.constant 0 : i32
    %c0_i32_0 = arith.constant 0 : i32
    %c0_i32_1 = arith.constant 0 : i32
    return %c0_i32, %c0_i32_0 : i32, i32
  }
  func.func @transform_1(%arg0: i32) -> (i32, i32, i32, i32) {
    %jit3A = arith.constant 1 : i32
    %div3A = arith.divsi %arg0, %jit3A : i32
    %sign3A = arith.constant 0 : i32
    %sign3A_0 = arith.cmpi sgt, %arg0, %sign3A : i32
    %sign3A_1 = arith.extui %sign3A_0 : i1 to i32
    %sign3A_2 = arith.constant 0 : i32
    %sign3A_3 = arith.cmpi slt, %arg0, %sign3A_2 : i32
    %sign3A_4 = arith.extui %sign3A_3 : i1 to i32
    %sign3A_5 = arith.subi %sign3A_1, %sign3A_4 : i32
    %sign3A_6 = arith.constant 0 : i32
    %sign3A_7 = arith.cmpi sgt, %jit3A, %sign3A_6 : i32
    %sign3A_8 = arith.extui %sign3A_7 : i1 to i32
    %sign3A_9 = arith.constant 0 : i32
    %sign3A_10 = arith.cmpi slt, %jit3A, %sign3A_9 : i32
    %sign3A_11 = arith.extui %sign3A_10 : i1 to i32
    %sign3A_12 = arith.subi %sign3A_8, %sign3A_11 : i32
    %ne3A = arith.cmpi ne, %sign3A_5, %sign3A_12 : i32
    %rem3A = arith.remsi %arg0, %jit3A : i32
    %ne3A_13 = arith.constant 0 : i32
    %ne3A_14 = arith.cmpi ne, %rem3A, %ne3A_13 : i32
    %and3A = arith.andi %ne3A, %ne3A_14 : i1
    %sub3A = arith.constant 1 : i32
    %sub3A_15 = arith.subi %div3A, %sub3A : i32
    %select_n3A = arith.select %and3A, %sub3A_15, %div3A : i32
    %jit3A_16 = arith.constant 1 : i32
    %eq3A = arith.constant 0 : i32
    %eq3A_17 = arith.cmpi eq, %jit3A_16, %eq3A : i32
    %jit3A_18 = arith.constant 1 : i32
    %select_n3A_19 = arith.select %eq3A_17, %jit3A_18, %jit3A_16 : i32
    %rem3A_20 = arith.remsi %arg0, %select_n3A_19 : i32
    %ne3A_21 = arith.constant 0 : i32
    %ne3A_22 = arith.cmpi ne, %rem3A_20, %ne3A_21 : i32
    %lt3A = arith.constant 0 : i32
    %lt3A_23 = arith.cmpi slt, %rem3A_20, %lt3A : i32
    %lt3A_24 = arith.constant 0 : i32
    %lt3A_25 = arith.cmpi slt, %select_n3A_19, %lt3A_24 : i32
    %ne3A_26 = arith.xori %lt3A_23, %lt3A_25 : i1
    %and3A_27 = arith.andi %ne3A_26, %ne3A_22 : i1
    %add3A = arith.addi %rem3A_20, %select_n3A_19 : i32
    %select_n3A_28 = arith.select %and3A_27, %add3A, %rem3A_20 : i32
    %c0_i32 = arith.constant 0 : i32
    %c0_i32_29 = arith.constant 0 : i32
    %c0_i32_30 = arith.constant 0 : i32
    return %select_n3A, %c0_i32, %select_n3A_28, %c0_i32_29 : i32, i32, i32, i32
  }
}

</mosaic_0001>

<sc_bundles>
// kernel: kernel.4.cloned.1.call-start
scs
__scs_entry_jumppad:
0x0: {  	(pc) =	sbr.rel $0x88, $3  }
0x1: {  	(tag) =	ssettag $0x0;
	lr =	simm.s32 $0x1  }
0x2: {  	[smem:$0x3F9F] =	sst lr;
	_ =	strace $0xD0000000  }
0x3: {  	_ = 	snop  }
0x4: {  	_ = 	snop  }
0x5: {  	_ = 	snop  }
0x6: {  	_ = 	snop  }
0x7: {  	_ = 	snop  }
__scs_overlays_trampoline_lowered:
0x8: {  	[smem:$0x3FAE] =	sst s0  }
0x9: {  	[smem:$0x3FAF] =	sst s1  }
0xa: {  	[smem:$0x3FB0] =	sst s2  }
0xb: {  	[smem:$0x3FB1] =	sst s3  }
0xc: {  	[smem:$0x3FB2] =	sst s4  }
0xd: {  	[smem:$0x3FB3] =	sst s5  }
0xe: {  	[smem:$0x3FB4] =	sst s6  }
0xf: {  	[smem:$0x3FB5] =	sst s7  }
0x10: {  	[smem:$0x3FB6] =	sst s8  }
0x11: {  	[smem:$0x3FB7] =	sst s9;
	s0 =	simm.s32 @!p0 $0x0  }
0x12: {  	s1 =	sld [smem:$0x3F9D];
	s0 =	simm.s32 @p0 $0x1  }
0x13: {  	[smem:$0x3FB8] =	sst s0;
	s0 =	simm.s32 @!p1 $0x0  }
0x14: {  	s2 =	sld [smem:$0x3F9C];
	s0 =	simm.s32 @p1 $0x1  }
0x15: {  	[smem:$0x3FB9] =	sst s0;
	s0 =	simm.s32 @!p2 $0x0  }
0x16: {  	s3 =	sld [smem:$0x3FDB];
	s0 =	simm.s32 @p2 $0x1  }
0x17: {  	s4 =	simm.s32 $0x1BF5;
	[smem:$0x3FBB] =	sst s0  }
0x18: {  	s0 =	sld [smem:$0x3F9E];
	_ =	swait.ge [sflag:s4], $0x0  }
0x19: {  	s7 =	sld [smem:$0x3F9F]  }
0x1a: {  	s8 =	sadd.s32 $0xFFFFE003, lr  }
0x1b: {  	s9 =	sadd.s32 $0xFFFFFEF7, lr;
	s5 =	simm.s32 $0xFFFFFFFF;
	p2 =	slt.u32 s8, $0xFFFFF086  }
0x1c: {  	p1 =	slt.u32 s9, $0xF7A;
	s5 =	simm.s32 @!p2 $0x0  }
0x1d: {  	s5 =	simm.s32 @p1 $0x1;
	p0 =	seq.s32 s7, s2  }
0x1e: {  	s7 =	smul.u32 @!p0 $0xF7A, s2;
	p2 =	seq.s32 @!p0 s5, $0x0  }
0x1f: {  	s9 =	smul.u32 $0xF7A, s1;
	s8 =	simm.s32 @!p0 $0x1BF5;
	p2 =	por !p2, p0  }
0x20: {  	[sflag:s8] =	ssyncset.s32 @!p0 $0xFFFFF086;
	s6 =	sadd.s32 @!p0 s3, s7;
	s7 =	simm.s32 @!p0 $0x108  }
0x21: {  	s3 =	sadd.s32 s3, s9;
	s6 =	sadd.s32 @!p0 $0x88, s6;
	s7 =	simm.s32 @p2 $0x1082  }
0x22: {  	[simem:s7], [sflag:s8] =	dma.local @!p0 [hbm:s6], $0xF7A  }
0x23: {  	s9 =	sor.u32 $0xD0000000, s2;
	s6 =	simm.s32 $0x108;
	_ =	swait.ge @!p0 [sflag:s8], $0x0  }
0x24: {  	s3 =	sadd.s32 $0x88, s3;
	s6 =	simm.s32 @!p1 $0x1082;
	[sflag:s4] =	ssyncset.s32 $0xFFFFF086  }
0x25: {  	[simem:s6], [sflag:s4] =	dma.local [hbm:s3], $0xF7A  }
0x26: {  	[smem:$0x3F9F] =	sst s1;
	(tag) =	ssettag s2;
	_ =	strace s9  }
0x27: {  	s1 =	sld [smem:$0x3FAF]  }
0x28: {  	s2 =	sld [smem:$0x3FB0]  }
0x29: {  	s4 =	sld [smem:$0x3FB2]  }
0x2a: {  	p0 =	seq.s32 s5, $0x0;
	s5 =	sld [smem:$0x3FB3]  }
0x2b: {  	s6 =	sld [smem:$0x3FB4]  }
0x2c: {  	s7 =	sld [smem:$0x3FB5]  }
0x2d: {  	s3 =	simm.s32 $0x108;
	s8 =	sld [smem:$0x3FB6]  }
0x2e: {  	s3 =	simm.s32 @!p0 $0x1082;
	s9 =	sld [smem:$0x3FB7]  }
0x2f: {  	lr =	sadd.s32 s0, s3;
	s0 =	sld [smem:$0x3FAE]  }
0x30: {  	s3 =	sld [smem:$0x3FB1]  }
0x31: {  	[smem:$0x3FBA] =	sst s10  }
0x32: {  	s10 =	sld [smem:$0x3FB8];
	_ =	sdelay $0x3  }
0x33: {  	p0 =	seq.s32 s10, $0x1;
	s10 =	sld [smem:$0x3FBA];
	_ =	sdelay $0x3  }
0x34: {  	[smem:$0x3FBA] =	sst s10  }
0x35: {  	s10 =	sld [smem:$0x3FB9];
	_ =	sdelay $0x3  }
0x36: {  	p1 =	seq.s32 s10, $0x1;
	s10 =	sld [smem:$0x3FBA];
	_ =	sdelay $0x3  }
0x37: {  	[smem:$0x3FBA] =	sst s10  }
0x38: {  	s10 =	sld [smem:$0x3FBB]  }
0x39: {  	_ = 	snop;
	(pc) =	sbr.ind lr, $3  }
0x3a: {  	_ = 	snop  }
0x3b: {  	_ = 	snop  }
0x3c: {  	p2 =	seq.s32 s10, $0x1;
	s10 =	sld [smem:$0x3FBA]  }
0x3d: {  	_ =	shalt  }
0x3e: {  	_ =	shalt  }
0x3f: {  	_ =	shalt  }
0x40: {  	_ =	shalt  }
0x41: {  	_ =	shalt  }
0x42: {  	_ =	shalt  }
0x43: {  	_ =	shalt  }
0x44: {  	_ =	shalt  }
0x45: {  	_ =	shalt  }
0x46: {  	_ =	shalt  }
0x47: {  	_ =	shalt  }
0x48: {  	_ =	shalt  }
0x49: {  	_ =	shalt  }
0x4a: {  	_ =	shalt  }
0x4b: {  	_ =	shalt  }
0x4c: {  	_ =	shalt  }
0x4d: {  	_ =	shalt  }
0x4e: {  	_ =	shalt  }
0x4f: {  	_ =	shalt  }
0x50: {  	_ =	shalt  }
0x51: {  	_ =	shalt  }
0x52: {  	_ =	shalt  }
0x53: {  	_ =	shalt  }
0x54: {  	_ =	shalt  }
0x55: {  	_ =	shalt  }
0x56: {  	_ =	shalt  }
0x57: {  	_ =	shalt  }
0x58: {  	_ =	shalt  }
0x59: {  	_ =	shalt  }
0x5a: {  	_ =	shalt  }
0x5b: {  	_ =	shalt  }
0x5c: {  	_ =	shalt  }
0x5d: {  	_ =	shalt  }
0x5e: {  	_ =	shalt  }
0x5f: {  	_ =	shalt  }
0x60: {  	_ =	shalt  }
0x61: {  	_ =	shalt  }
0x62: {  	_ =	shalt  }
0x63: {  	_ =	shalt  }
0x64: {  	_ =	shalt  }
0x65: {  	_ =	shalt  }
0x66: {  	_ =	shalt  }
0x67: {  	_ =	shalt  }
0x68: {  	_ =	shalt  }
0x69: {  	_ =	shalt  }
0x6a: {  	_ =	shalt  }
0x6b: {  	_ =	shalt  }
0x6c: {  	_ =	shalt  }
0x6d: {  	_ =	shalt  }
0x6e: {  	_ =	shalt  }
0x6f: {  	_ =	shalt  }
0x70: {  	_ =	shalt  }
0x71: {  	_ =	shalt  }
0x72: {  	_ =	shalt  }
0x73: {  	_ =	shalt  }
0x74: {  	_ =	shalt  }
0x75: {  	_ =	shalt  }
0x76: {  	_ =	shalt  }
0x77: {  	_ =	shalt  }
0x78: {  	_ =	shalt  }
0x79: {  	_ =	shalt  }
0x7a: {  	_ =	shalt  }
0x7b: {  	_ =	shalt  }
0x7c: {  	_ =	shalt  }
0x7d: {  	_ =	shalt  }
0x7e: {  	_ =	shalt  }
0x7f: {  	_ =	shalt  }
0x80: {  	_ =	shalt  }
0x81: {  	_ =	shalt  }
0x82: {  	_ =	shalt  }
0x83: {  	_ =	shalt  }
0x84: {  	_ =	shalt  }
0x85: {  	_ =	shalt  }
0x86: {  	_ =	shalt  }
0x87: {  	_ =	shalt  }
.Lfunc_end0:
.L_simem_size_0:
called_computation_lowered:
.L_overlay_start_0:
0x88: {  	s2 =	sld [smem:$0x3FD9]  }
0x89: {  	s3 =	sld [smem:$0x3FFE];
	_ =	sdelay $0x1  }
0x8a: {  	s1 =	srdreg.scid  }
0x8b: {  	s0 =	sand.u32 $0x1, s1  }
0x8c: {  	s17 =	sshll.u32 s0, $0xA;
	s2 =	sadd.s32 s3, s2  }
0x8d: {  	s2 =	sadd.s32 s2, s17  }
0x8e: {  	[smem:$0x3FC6] =	sst s2  }
0x8f: {  	_ = 	snop  }
0x90: {  	s2 =	sld [smem:$0x3FC9]  }
0x91: {  	s18 =	sld [smem:$0x3FD0];
	(tm) =	ssettm $0x1  }
0x92: {  	s4 =	sld [smem:$0x3FFB];
	_ =	sdelay $0x3  }
0x93: {  	_ =	strace s4  }
0x94: {  	s4 =	sld [smem:$0x3FFC];
	_ =	sdelay $0x3  }
0x95: {  	_ =	strace s4  }
0x96: {  	s4 =	sld [smem:$0x3FFD];
	_ =	sdelay $0x3  }
0x97: {  	_ =	strace s4  }
0x98: {  	_ =	strace $0x8FFFFFFF  }
0x99: {  	s19 =	sld [smem:$0x3FDB];
	_ =	sdelay $0x1  }
0x9a: {  	s5 =	simm.s32 $_scs_section_size  }
0x9b: {  	s6 =	simm.s32 $_size__tile_overlayer_lowered;
	s7 =	simm.s32 $_tile_overlayer_lowered  }
0x9c: {  	s22 =	simm.s32 $0x1BFF;
	s21 =	sshll.u32 s7, $0x1;
	s4 =	sadd.s32 s5, s19  }
0x9d: {  	s8 =	simm.s32 $0x0;
	s20 =	sshll.u32 s6, $0x1;
	s6 =	sadd.s32 s21, s4  }
0x9e: {  	[timem:s8], [sflag:s22] =	dma.local [hbm:s6], s20  }
0x9f: {  	_ =	swait.ge [sflag:s22], s20  }
0xa0: {  	s5 =	ssub.s32 $0x0, s20;
	[sflag:s22] =	ssyncset.done $0x0  }
0xa1: {  	[sflag:s22] =	ssyncadd.s32 s5;
	_ =	sdelay $0x1  }
0xa2: {  	s23 =	simm.s32 $0x1B8B  }
0xa3: {  	_ =	swait.ge [sflag:s23], $0x1  }
0xa4: {  	[sflag:s23] =	ssyncset.done $0x0  }
0xa5: {  	s25 =	simm.s32 $0x1B8E;
	s24 =	sld [smem:$0x3FFE];
	[sflag:s23] =	ssyncadd.s32 $0xFFFFFFFF  }
0xa6: {  	s26 =	simm.s32 $execute0_lowered;
	[smem:$0x3FD2] =	sst s25  }
0xa7: {  	s6 =	sshll.u32 s26, $0x1;
	_ =	strace $0x80000046;
	[dreg:$0x1] =	wrdreg $0xFFFFFFFF  }
0xa8: {  	s28 =	simm.s32 $_size_execute0_lowered;
	s4 =	sadd.s32 s4, s6;
	[dreg:$0x0] =	wrdreg $0x0  }
0xa9: {  	s6 =	sshll.u32 s28, $0x1;
	[dreg:$0x2] =	wrdreg s4  }
0xaa: {  	[dreg:$0x3] =	wrdreg s6  }
0xab: {  	[dreg:$0x4] =	wrdreg $0xC0  }
0xac: {  	_ =	task [dreg:s8], $0x5FFFF  }
0xad: {  	[dreg:$0x1] =	wrdreg $0xFFFFFFFF  }
0xae: {  	[dreg:$0x0] =	wrdreg $0x60  }
0xaf: {  	[dreg:$0x2] =	wrdreg s24  }
0xb0: {  	[dreg:$0x3] =	wrdreg s2  }
0xb1: {  	[dreg:$0x4] =	wrdreg s18  }
0xb2: {  	[dreg:$0x5] =	wrdreg $0x9  }
0xb3: {  	_ =	task.clear_ibuf [dreg:s8], $0x6FFFF;
	_ =	strace $0x90000046  }
0xb4: {  	s29 =	simm.s32 $0x9;
	_ =	strace $0x80000048  }
0xb5: {  	_ =	swait.ge [sflag:s29], $0x1  }
0xb6: {  	[sflag:s29] =	ssyncadd.s32 $0xFFFFFFFF  }
0xb7: {  	_ =	strace $0x90000048  }
0xb8: {  	_ =	sfence  }
0xb9: {  	s30 =	sld [smem:$0x0];
	_ =	sdelay $0x2  }
0xba: {  	s31 =	sshll.u32 s1, $0xD;
	s1 =	sshrl.u32 s1, $0x2  }
0xbb: {  	s3 =	sand.u32 $0x4000, s31;
	s1 =	sadd.s32 s1, s30  }
0xbc: {  	s0 =	sor.u32 s3, s0;
	s1 =	sshll.u32 s1, $0x11  }
0xbd: {  	s0 =	sor.u32 s1, s0  }
0xbe: {  	s0 =	sadd.s32 $0x8F2B, s0  }
0xbf: {  	[sflag:s0] =	ssyncadd.remote.s32 $0x1  }
0xc0: {  	_ =	sfence.sel $0xFFFF  }
0xc1: {  	[dreg:$0x0] =	wrdreg $0xFFFFFFFF;
	(pc) =	sbr.abs _section_cstart, $3  }
0xc2: {  	[dreg:$0x1] =	wrdreg $0xFFFFFFFF  }
0xc3: {  	_ =	task.clear_ibuf [dreg:s8], $0x2FFFF;
	_ =	strace $0x9FFFFFFF  }
0xc4: {  	(tm) =	ssettm $0x7FFFFFFF  }
0xc5: {  	_ =	shalt  }
tec
execute0_lowered:
.L_overlay_start_1:
0x0: {  	(tag) =	ssettag $0x1  }
0x1: {  	s1 =	stileid.u32  }
0x2: {  	p0 =	sgt.u32 s1, $0x3  }
.Ltmp0:
0x3: {  	s3 =	rddreg [dreg:$0x0];
	(pc) =	sbr.rel @p0 .LBB2_3-.Ltmp0, $4  }
0x4: {  	s5 =	rddreg [dreg:$0x1]  }
0x5: {  	s4 =	rddreg [dreg:$0x2];
	s2 =	simm.s32 $0x0  }
0x6: {  	[smem:$0x7FF] =	sst s2  }
0x7: {  	s0 =	rddreg [dreg:$0x3];
	_ =	strace $0x80000047  }
0x8: {  	s6 =	srdreg.scid;
	s7 =	sshll.u32 s1, $0x1;
	s3 =	sadd.s32 $0x600, s3  }
0x9: {  	s10 =	simm.s32 $0x2000;
	s11 =	simm.s32 $0x100;
	s6 =	sand.u32 $0x1, s6  }
0xa: {  	s13 =	simm.s32 $0x900;
	s7 =	sor.u32 s6, s7;
	s6 =	ssub.s32 $0x2, s6  }
0xb: {  	s14 =	simm.s32 $0x2;
	s8 =	sshll.u32 s7, $0x7;
	s9 =	sshrl.u32 s6, $0x1  }
0xc: {  	s7 =	sshll.u32 s7, $0x4;
	s4 =	sadd.s32 s4, s8;
	s6 =	ssub.s32 s6, s9  }
0xd: {  	s5 =	sadd.s32 s5, s7;
	s7 =	simm.s32 $0x80;
	s8 =	simm.s32 $0x1  }
0xe: {  	s9 =	simm.s32 $0x400;
	s6 =	smax.u32 s6, $0x1;
	s12 =	sadd.s32 $0x800, s4  }
.LBB2_2:
0xf: {  	[tilespmem:s2], [sflag:$0x1] =	stream.linear.gather [hbm4b:s3+s2], $0x80, $0x38;
	[tilespmem:$0xD00] =	vst v63  }
0x10: {  	_ = 	snop  }
0x11: {  	[tilespmem:s7], [sflag:$0x1] =	stream.linear.gather [hbm4b:s5+s2], $0x80, $0x38;
	[tilespmem:$0xD00] =	vst v63  }
0x12: {  	_ =	swait.ge [sflag:s8], $0x80  }
0x13: {  	[sflag:s8] =	ssyncset.done $0x0  }
0x14: {  	[sflag:s8] =	ssyncadd.s32 $0xFFFFFF80  }
0x15: {  	_ =	swait.ge [sflag:s8], $0x80  }
0x16: {  	[sflag:s8] =	ssyncset.done $0x0  }
0x17: {  	[sflag:s8] =	ssyncadd.s32 $0xFFFFFF80  }
0x18: {  	v15 =	vld [tilespmem:$0x0]  }
0x19: {  	v18 =	vld [tilespmem:$0x80];
	_ =	sdelay $0x3  }
0x1a: {  	v2 =	vbroadcast v15, $0x0  }
0x1b: {  	vm0 =	veq.s32 v18, $0x0;
	v0 =	vbroadcast v15, $0x1  }
0x1c: {  	vm5 =	veq.s32 v18, $0x1;
	v1 =	vbroadcast v15, $0x2;
	v3 =	vnsel vm0, $0x0, v2  }
0x1d: {  	vm6 =	veq.s32 v18, $0x2;
	v4 =	vnsel vm5, $0x0, v0;
	[tilespmem:$0x100] =	vst v3;
	v3 =	vbroadcast v15, $0x3  }
0x1e: {  	vm7 =	veq.s32 v18, $0x3;
	v5 =	vnsel vm6, $0x0, v1;
	[tilespmem:$0x180] =	vst v4;
	v4 =	vbroadcast v15, $0x4  }
0x1f: {  	v19 =	vld [tilespmem:$0x90];
	vm8 =	veq.s32 v18, $0x4;
	[tilespmem:$0x200] =	vst v5;
	v5 =	vbroadcast v15, $0x5;
	v6 =	vnsel vm7, $0x0, v3  }
0x20: {  	vm9 =	veq.s32 v18, $0x5;
	v7 =	vnsel vm8, $0x0, v4;
	[tilespmem:$0x280] =	vst v6;
	v6 =	vbroadcast v15, $0x6  }
0x21: {  	vm10 =	veq.s32 v18, $0x6;
	v8 =	vnsel vm9, $0x0, v5;
	[tilespmem:$0x300] =	vst v7;
	v7 =	vbroadcast v15, $0x7  }
0x22: {  	vm11 =	veq.s32 v18, $0x7;
	[tilespmem:$0x380] =	vst v8;
	v8 =	vbroadcast v15, $0x8;
	v9 =	vnsel vm10, $0x0, v6  }
0x23: {  	vm12 =	veq.s32 v18, $0x8;
	v10 =	vnsel vm11, $0x0, v7;
	[tilespmem:$0x400] =	vst v9  }
0x24: {  	v11 =	vnsel vm12, $0x0, v8;
	vm10 =	veq.s32 v19, $0x0;
	[tilespmem:$0x480] =	vst v10  }
0x25: {  	vm11 =	veq.s32 v19, $0x1;
	[tilespmem:$0x500] =	vst v11;
	v60 =	vnsel vm10, $0x0, v2  }
0x26: {  	vm12 =	veq.s32 v19, $0x2;
	v9 =	vbroadcast v15, $0x9;
	v61 =	vnsel vm11, $0x0, v0;
	[tilespmem:$0x110] =	vst v60  }
0x27: {  	vm13 =	veq.s32 v18, $0x9;
	v10 =	vbroadcast v15, $0xA;
	v62 =	vnsel vm12, $0x0, v1;
	[tilespmem:$0x190] =	vst v61  }
0x28: {  	vm14 =	veq.s32 v18, $0xA;
	v11 =	vbroadcast v15, $0xB;
	[tilespmem:$0x210] =	vst v62;
	v12 =	vnsel vm13, $0x0, v9  }
0x29: {  	vm15 =	veq.s32 v18, $0xB;
	v13 =	vnsel vm14, $0x0, v10;
	[tilespmem:$0x580] =	vst v12  }
0x2a: {  	v14 =	vnsel vm15, $0x0, v11;
	vm13 =	veq.s32 v19, $0x3;
	[tilespmem:$0x600] =	vst v13  }
0x2b: {  	vm14 =	veq.s32 v19, $0x4;
	[tilespmem:$0x680] =	vst v14;
	v63 =	vnsel vm13, $0x0, v3  }
0x2c: {  	vm15 =	veq.s32 v19, $0x5;
	v12 =	vbroadcast v15, $0xC;
	v21 =	vnsel vm14, $0x0, v4;
	[tilespmem:$0x290] =	vst v63  }
0x2d: {  	vm4 =	veq.s32 v18, $0xC;
	v13 =	vbroadcast v15, $0xD;
	v22 =	vnsel vm15, $0x0, v5;
	[tilespmem:$0x310] =	vst v21  }
0x2e: {  	vm5 =	veq.s32 v18, $0xD;
	v14 =	vbroadcast v15, $0xE;
	[tilespmem:$0x390] =	vst v22;
	v16 =	vnsel vm4, $0x0, v12  }
0x2f: {  	vm6 =	veq.s32 v18, $0xE;
	v15 =	vbroadcast v15, $0xF;
	v57 =	vnsel vm5, $0x0, v13;
	[tilespmem:$0x700] =	vst v16  }
0x30: {  	vm7 =	veq.s32 v18, $0xF;
	v20 =	vnsel vm6, $0x0, v14;
	[tilespmem:$0x780] =	vst v57  }
0x31: {  	vm10 =	veq.s32 v19, $0xC;
	v58 =	vnsel vm7, $0x0, v15;
	[tilespmem:$0x800] =	vst v20  }
0x32: {  	vm11 =	veq.s32 v19, $0xD;
	v29 =	vnsel vm10, $0x0, v12;
	[tilespmem:$0x880] =	vst v58  }
0x33: {  	vm12 =	veq.s32 v19, $0xE;
	v31 =	vnsel vm11, $0x0, v13;
	[tilespmem:$0x710] =	vst v29  }
0x34: {  	v30 =	vld [tilespmem:$0xA0];
	vm13 =	veq.s32 v19, $0xF;
	v32 =	vnsel vm12, $0x0, v14;
	[tilespmem:$0x790] =	vst v31  }
0x35: {  	vm4 =	veq.s32 v19, $0x6;
	v33 =	vnsel vm13, $0x0, v15;
	[tilespmem:$0x810] =	vst v32  }
0x36: {  	vm5 =	veq.s32 v19, $0x7;
	v23 =	vnsel vm4, $0x0, v6;
	[tilespmem:$0x890] =	vst v33  }
0x37: {  	vm6 =	veq.s32 v19, $0x8;
	v24 =	vnsel vm5, $0x0, v7;
	[tilespmem:$0x410] =	vst v23  }
0x38: {  	vm7 =	veq.s32 v19, $0x9;
	v25 =	vnsel vm6, $0x0, v8;
	[tilespmem:$0x490] =	vst v24  }
0x39: {  	vm10 =	veq.s32 v30, $0x6;
	v26 =	vnsel vm7, $0x0, v9;
	[tilespmem:$0x510] =	vst v25  }
0x3a: {  	vm11 =	veq.s32 v30, $0x7;
	v42 =	vnsel vm10, $0x0, v6;
	[tilespmem:$0x590] =	vst v26  }
0x3b: {  	vm12 =	veq.s32 v30, $0x8;
	v43 =	vnsel vm11, $0x0, v7;
	[tilespmem:$0x420] =	vst v42  }
0x3c: {  	v49 =	vld [tilespmem:$0xB0];
	vm13 =	veq.s32 v30, $0x9;
	v44 =	vnsel vm12, $0x0, v8;
	[tilespmem:$0x4A0] =	vst v43  }
0x3d: {  	vm4 =	veq.s32 v30, $0x0;
	v45 =	vnsel vm13, $0x0, v9;
	[tilespmem:$0x520] =	vst v44  }
0x3e: {  	vm5 =	veq.s32 v30, $0x1;
	v36 =	vnsel vm4, $0x0, v2;
	[tilespmem:$0x5A0] =	vst v45  }
0x3f: {  	v17 =	vld [tilespmem:$0x10];
	vm6 =	veq.s32 v30, $0x2;
	v37 =	vnsel vm5, $0x0, v0;
	[tilespmem:$0x120] =	vst v36  }
0x40: {  	vm7 =	veq.s32 v30, $0x3;
	v38 =	vnsel vm6, $0x0, v1;
	[tilespmem:$0x1A0] =	vst v37  }
0x41: {  	vm10 =	veq.s32 v49, $0x0;
	v39 =	vnsel vm7, $0x0, v3;
	[tilespmem:$0x220] =	vst v38  }
0x42: {  	vm11 =	veq.s32 v49, $0x1;
	v55 =	vnsel vm10, $0x0, v2;
	[tilespmem:$0x2A0] =	vst v39  }
0x43: {  	vm12 =	veq.s32 v49, $0x2;
	v56 =	vnsel vm11, $0x0, v0;
	[tilespmem:$0x130] =	vst v55  }
0x44: {  	v16 =	vbroadcast v17, $0x0;
	vm13 =	veq.s32 v49, $0x3;
	v57 =	vnsel vm12, $0x0, v1;
	[tilespmem:$0x1B0] =	vst v56  }
0x45: {  	vm8 =	veq.s32 v18, $0x10;
	v17 =	vbroadcast v17, $0x1;
	v58 =	vnsel vm13, $0x0, v3;
	[tilespmem:$0x230] =	vst v57  }
0x46: {  	vm9 =	veq.s32 v18, $0x11;
	v59 =	vnsel vm8, $0x0, v16;
	[tilespmem:$0x2B0] =	vst v58  }
0x47: {  	vm14 =	veq.s32 v19, $0x10;
	v18 =	vnsel vm9, $0x0, v17;
	[tilespmem:$0x900] =	vst v59  }
0x48: {  	vm15 =	veq.s32 v19, $0x11;
	v34 =	vnsel vm14, $0x0, v16;
	[tilespmem:$0x980] =	vst v18  }
0x49: {  	vm4 =	veq.s32 v30, $0xC;
	v35 =	vnsel vm15, $0x0, v17;
	[tilespmem:$0x910] =	vst v34  }
0x4a: {  	vm5 =	veq.s32 v30, $0xD;
	v48 =	vnsel vm4, $0x0, v12;
	[tilespmem:$0x990] =	vst v35  }
0x4b: {  	vm6 =	veq.s32 v30, $0xE;
	v50 =	vnsel vm5, $0x0, v13;
	[tilespmem:$0x720] =	vst v48  }
0x4c: {  	vm7 =	veq.s32 v30, $0xF;
	v51 =	vnsel vm6, $0x0, v14;
	[tilespmem:$0x7A0] =	vst v50  }
0x4d: {  	vm10 =	veq.s32 v49, $0xC;
	v52 =	vnsel vm7, $0x0, v15;
	[tilespmem:$0x820] =	vst v51  }
0x4e: {  	vm11 =	veq.s32 v49, $0xD;
	v24 =	vnsel vm10, $0x0, v12;
	[tilespmem:$0x8A0] =	vst v52  }
0x4f: {  	vm8 =	veq.s32 v19, $0xA;
	v26 =	vnsel vm11, $0x0, v13;
	[tilespmem:$0x730] =	vst v24  }
0x50: {  	vm9 =	veq.s32 v19, $0xB;
	v27 =	vnsel vm8, $0x0, v10;
	[tilespmem:$0x7B0] =	vst v26  }
0x51: {  	vm14 =	veq.s32 v30, $0xA;
	v28 =	vnsel vm9, $0x0, v11;
	[tilespmem:$0x610] =	vst v27  }
0x52: {  	vm15 =	veq.s32 v30, $0xB;
	v46 =	vnsel vm14, $0x0, v10;
	[tilespmem:$0x690] =	vst v28  }
0x53: {  	vm4 =	veq.s32 v49, $0x6;
	v47 =	vnsel vm15, $0x0, v11;
	[tilespmem:$0x620] =	vst v46  }
0x54: {  	vm5 =	veq.s32 v49, $0x7;
	v61 =	vnsel vm4, $0x0, v6;
	[tilespmem:$0x6A0] =	vst v47  }
0x55: {  	vm6 =	veq.s32 v49, $0x8;
	v62 =	vnsel vm5, $0x0, v7;
	[tilespmem:$0x430] =	vst v61  }
0x56: {  	vm7 =	veq.s32 v49, $0x9;
	v63 =	vnsel vm6, $0x0, v8;
	[tilespmem:$0x4B0] =	vst v62  }
0x57: {  	vm8 =	veq.s32 v30, $0x4;
	v21 =	vnsel vm7, $0x0, v9;
	[tilespmem:$0x530] =	vst v63  }
0x58: {  	vm9 =	veq.s32 v30, $0x5;
	v40 =	vnsel vm8, $0x0, v4;
	[tilespmem:$0x5B0] =	vst v21  }
0x59: {  	vm14 =	veq.s32 v49, $0x4;
	v41 =	vnsel vm9, $0x0, v5;
	[tilespmem:$0x320] =	vst v40  }
0x5a: {  	vm15 =	veq.s32 v49, $0x5;
	v59 =	vnsel vm14, $0x0, v4;
	[tilespmem:$0x3A0] =	vst v41  }
0x5b: {  	vm12 =	veq.s32 v49, $0xE;
	v60 =	vnsel vm15, $0x0, v5;
	[tilespmem:$0x330] =	vst v59  }
0x5c: {  	vm13 =	veq.s32 v49, $0xF;
	v27 =	vnsel vm12, $0x0, v14;
	[tilespmem:$0x3B0] =	vst v60  }
0x5d: {  	vm8 =	veq.s32 v30, $0x10;
	v28 =	vnsel vm13, $0x0, v15;
	[tilespmem:$0x830] =	vst v27  }
0x5e: {  	v25 =	vld [tilespmem:$0xC0];
	vm9 =	veq.s32 v30, $0x11;
	v53 =	vnsel vm8, $0x0, v16;
	[tilespmem:$0x8B0] =	vst v28  }
0x5f: {  	vm14 =	veq.s32 v49, $0x10;
	v54 =	vnsel vm9, $0x0, v17;
	[tilespmem:$0x920] =	vst v53  }
0x60: {  	vm15 =	veq.s32 v49, $0x11;
	v29 =	vnsel vm14, $0x0, v16;
	[tilespmem:$0x9A0] =	vst v54  }
0x61: {  	vm8 =	veq.s32 v49, $0xA;
	v30 =	vnsel vm15, $0x0, v17;
	[tilespmem:$0x930] =	vst v29  }
0x62: {  	vm9 =	veq.s32 v49, $0xB;
	v22 =	vnsel vm8, $0x0, v10;
	[tilespmem:$0x9B0] =	vst v30  }
0x63: {  	v23 =	vnsel vm9, $0x0, v11;
	vm4 =	veq.s32 v25, $0x0;
	[tilespmem:$0x630] =	vst v22  }
0x64: {  	vm5 =	veq.s32 v25, $0x1;
	[tilespmem:$0x6B0] =	vst v23;
	v31 =	vnsel vm4, $0x0, v2  }
0x65: {  	vm6 =	veq.s32 v25, $0x2;
	v32 =	vnsel vm5, $0x0, v0;
	[tilespmem:$0x140] =	vst v31  }
0x66: {  	vm7 =	veq.s32 v25, $0x3;
	v33 =	vnsel vm6, $0x0, v1;
	[tilespmem:$0x1C0] =	vst v32  }
0x67: {  	vm8 =	veq.s32 v25, $0x4;
	v34 =	vnsel vm7, $0x0, v3;
	[tilespmem:$0x240] =	vst v33  }
0x68: {  	vm9 =	veq.s32 v25, $0x5;
	v35 =	vnsel vm8, $0x0, v4;
	[tilespmem:$0x2C0] =	vst v34  }
0x69: {  	vm10 =	veq.s32 v25, $0x6;
	v36 =	vnsel vm9, $0x0, v5;
	[tilespmem:$0x340] =	vst v35  }
0x6a: {  	vm11 =	veq.s32 v25, $0x7;
	v37 =	vnsel vm10, $0x0, v6;
	[tilespmem:$0x3C0] =	vst v36  }
0x6b: {  	vm12 =	veq.s32 v25, $0x8;
	v38 =	vnsel vm11, $0x0, v7;
	[tilespmem:$0x440] =	vst v37  }
0x6c: {  	vm13 =	veq.s32 v25, $0x9;
	v39 =	vnsel vm12, $0x0, v8;
	[tilespmem:$0x4C0] =	vst v38  }
0x6d: {  	vm14 =	veq.s32 v25, $0xA;
	v40 =	vnsel vm13, $0x0, v9;
	[tilespmem:$0x540] =	vst v39  }
0x6e: {  	vm15 =	veq.s32 v25, $0xB;
	v41 =	vnsel vm14, $0x0, v10;
	[tilespmem:$0x5C0] =	vst v40  }
0x6f: {  	v42 =	vnsel vm15, $0x0, v11;
	vm4 =	veq.s32 v25, $0xC;
	[tilespmem:$0x640] =	vst v41  }
0x70: {  	v44 =	vld [tilespmem:$0xD0];
	vm5 =	veq.s32 v25, $0xD;
	[tilespmem:$0x6C0] =	vst v42;
	v43 =	vnsel vm4, $0x0, v12  }
0x71: {  	vm6 =	veq.s32 v25, $0xE;
	v45 =	vnsel vm5, $0x0, v13;
	[tilespmem:$0x740] =	vst v43  }
0x72: {  	vm7 =	veq.s32 v25, $0xF;
	v46 =	vnsel vm6, $0x0, v14;
	[tilespmem:$0x7C0] =	vst v45  }
0x73: {  	vm8 =	veq.s32 v25, $0x10;
	v47 =	vnsel vm7, $0x0, v15;
	[tilespmem:$0x840] =	vst v46  }
0x74: {  	vm9 =	veq.s32 v25, $0x11;
	v48 =	vnsel vm8, $0x0, v16;
	[tilespmem:$0x8C0] =	vst v47  }
0x75: {  	vm10 =	veq.s32 v44, $0x0;
	v49 =	vnsel vm9, $0x0, v17;
	[tilespmem:$0x940] =	vst v48  }
0x76: {  	vm11 =	veq.s32 v44, $0x1;
	v50 =	vnsel vm10, $0x0, v2;
	[tilespmem:$0x9C0] =	vst v49  }
0x77: {  	vm12 =	veq.s32 v44, $0x2;
	v51 =	vnsel vm11, $0x0, v0;
	[tilespmem:$0x150] =	vst v50  }
0x78: {  	vm13 =	veq.s32 v44, $0x3;
	v52 =	vnsel vm12, $0x0, v1;
	[tilespmem:$0x1D0] =	vst v51  }
0x79: {  	vm14 =	veq.s32 v44, $0x4;
	v53 =	vnsel vm13, $0x0, v3;
	[tilespmem:$0x250] =	vst v52  }
0x7a: {  	vm15 =	veq.s32 v44, $0x5;
	v54 =	vnsel vm14, $0x0, v4;
	[tilespmem:$0x2D0] =	vst v53  }
0x7b: {  	v55 =	vnsel vm15, $0x0, v5;
	vm4 =	veq.s32 v44, $0x6;
	[tilespmem:$0x350] =	vst v54  }
0x7c: {  	vm5 =	veq.s32 v44, $0x7;
	[tilespmem:$0x3D0] =	vst v55;
	v56 =	vnsel vm4, $0x0, v6  }
0x7d: {  	vm6 =	veq.s32 v44, $0x8;
	v57 =	vnsel vm5, $0x0, v7;
	[tilespmem:$0x450] =	vst v56  }
0x7e: {  	vm7 =	veq.s32 v44, $0x9;
	v58 =	vnsel vm6, $0x0, v8;
	[tilespmem:$0x4D0] =	vst v57  }
0x7f: {  	vm8 =	veq.s32 v44, $0xA;
	v59 =	vnsel vm7, $0x0, v9;
	[tilespmem:$0x550] =	vst v58  }
0x80: {  	vm9 =	veq.s32 v44, $0xB;
	v60 =	vnsel vm8, $0x0, v10;
	[tilespmem:$0x5D0] =	vst v59  }
0x81: {  	vm10 =	veq.s32 v44, $0xC;
	v61 =	vnsel vm9, $0x0, v11;
	[tilespmem:$0x650] =	vst v60  }
0x82: {  	v63 =	vld [tilespmem:$0xE0];
	vm11 =	veq.s32 v44, $0xD;
	v62 =	vnsel vm10, $0x0, v12;
	[tilespmem:$0x6D0] =	vst v61  }
0x83: {  	vm12 =	veq.s32 v44, $0xE;
	v24 =	vnsel vm11, $0x0, v13;
	[tilespmem:$0x750] =	vst v62  }
0x84: {  	vm13 =	veq.s32 v44, $0xF;
	v25 =	vnsel vm12, $0x0, v14;
	[tilespmem:$0x7D0] =	vst v24  }
0x85: {  	vm14 =	veq.s32 v44, $0x10;
	v26 =	vnsel vm13, $0x0, v15;
	[tilespmem:$0x850] =	vst v25  }
0x86: {  	vm15 =	veq.s32 v44, $0x11;
	v27 =	vnsel vm14, $0x0, v16;
	[tilespmem:$0x8D0] =	vst v26  }
0x87: {  	v28 =	vnsel vm15, $0x0, v17;
	vm4 =	veq.s32 v63, $0x0;
	[tilespmem:$0x950] =	vst v27  }
0x88: {  	vm5 =	veq.s32 v63, $0x1;
	[tilespmem:$0x9D0] =	vst v28;
	v29 =	vnsel vm4, $0x0, v2  }
0x89: {  	vm6 =	veq.s32 v63, $0x2;
	v30 =	vnsel vm5, $0x0, v0;
	[tilespmem:$0x160] =	vst v29  }
0x8a: {  	vm7 =	veq.s32 v63, $0x3;
	v31 =	vnsel vm6, $0x0, v1;
	[tilespmem:$0x1E0] =	vst v30  }
0x8b: {  	vm8 =	veq.s32 v63, $0x4;
	v32 =	vnsel vm7, $0x0, v3;
	[tilespmem:$0x260] =	vst v31  }
0x8c: {  	vm9 =	veq.s32 v63, $0x5;
	v33 =	vnsel vm8, $0x0, v4;
	[tilespmem:$0x2E0] =	vst v32  }
0x8d: {  	vm10 =	veq.s32 v63, $0x6;
	v34 =	vnsel vm9, $0x0, v5;
	[tilespmem:$0x360] =	vst v33  }
0x8e: {  	vm11 =	veq.s32 v63, $0x7;
	v35 =	vnsel vm10, $0x0, v6;
	[tilespmem:$0x3E0] =	vst v34  }
0x8f: {  	vm12 =	veq.s32 v63, $0x8;
	v36 =	vnsel vm11, $0x0, v7;
	[tilespmem:$0x460] =	vst v35  }
0x90: {  	vm13 =	veq.s32 v63, $0x9;
	v37 =	vnsel vm12, $0x0, v8;
	[tilespmem:$0x4E0] =	vst v36  }
0x91: {  	vm14 =	veq.s32 v63, $0xA;
	v38 =	vnsel vm13, $0x0, v9;
	[tilespmem:$0x560] =	vst v37  }
0x92: {  	vm15 =	veq.s32 v63, $0xB;
	v39 =	vnsel vm14, $0x0, v10;
	[tilespmem:$0x5E0] =	vst v38  }
0x93: {  	v40 =	vnsel vm15, $0x0, v11;
	vm4 =	veq.s32 v63, $0xC;
	[tilespmem:$0x660] =	vst v39  }
0x94: {  	v42 =	vld [tilespmem:$0xF0];
	vm5 =	veq.s32 v63, $0xD;
	[tilespmem:$0x6E0] =	vst v40;
	v41 =	vnsel vm4, $0x0, v12  }
0x95: {  	vm6 =	veq.s32 v63, $0xE;
	v43 =	vnsel vm5, $0x0, v13;
	[tilespmem:$0x760] =	vst v41  }
0x96: {  	vm7 =	veq.s32 v63, $0xF;
	v44 =	vnsel vm6, $0x0, v14;
	[tilespmem:$0x7E0] =	vst v43  }
0x97: {  	vm8 =	veq.s32 v63, $0x10;
	v45 =	vnsel vm7, $0x0, v15;
	[tilespmem:$0x860] =	vst v44  }
0x98: {  	vm9 =	veq.s32 v63, $0x11;
	v46 =	vnsel vm8, $0x0, v16;
	[tilespmem:$0x8E0] =	vst v45  }
0x99: {  	v47 =	vnsel vm9, $0x0, v17;
	[tilespmem:$0x960] =	vst v46;
	vm10 =	veq.s32 v42, $0x0  }
0x9a: {  	[tilespmem:$0x9E0] =	vst v47;
	vm11 =	veq.s32 v42, $0x1;
	v2 =	vnsel vm10, $0x0, v2  }
0x9b: {  	vm12 =	veq.s32 v42, $0x2;
	v0 =	vnsel vm11, $0x0, v0;
	[tilespmem:$0x170] =	vst v2  }
0x9c: {  	vm13 =	veq.s32 v42, $0x3;
	v48 =	vnsel vm12, $0x0, v1;
	[tilespmem:$0x1F0] =	vst v0  }
0x9d: {  	vm14 =	veq.s32 v42, $0x4;
	v49 =	vnsel vm13, $0x0, v3;
	[tilespmem:$0x270] =	vst v48  }
0x9e: {  	vm15 =	veq.s32 v42, $0x5;
	v50 =	vnsel vm14, $0x0, v4;
	[tilespmem:$0x2F0] =	vst v49  }
0x9f: {  	vm4 =	veq.s32 v42, $0x6;
	v51 =	vnsel vm15, $0x0, v5;
	[tilespmem:$0x370] =	vst v50  }
0xa0: {  	vm5 =	veq.s32 v42, $0x7;
	v52 =	vnsel vm4, $0x0, v6;
	[tilespmem:$0x3F0] =	vst v51  }
0xa1: {  	vm6 =	veq.s32 v42, $0x8;
	v53 =	vnsel vm5, $0x0, v7;
	[tilespmem:$0x470] =	vst v52  }
0xa2: {  	vm7 =	veq.s32 v42, $0x9;
	v54 =	vnsel vm6, $0x0, v8;
	[tilespmem:$0x4F0] =	vst v53  }
0xa3: {  	vm8 =	veq.s32 v42, $0xA;
	v55 =	vnsel vm7, $0x0, v9;
	[tilespmem:$0x570] =	vst v54  }
0xa4: {  	vm9 =	veq.s32 v42, $0xB;
	v56 =	vnsel vm8, $0x0, v10;
	[tilespmem:$0x5F0] =	vst v55  }
0xa5: {  	v57 =	vnsel vm9, $0x0, v11;
	vm10 =	veq.s32 v42, $0xC;
	[tilespmem:$0x670] =	vst v56  }
0xa6: {  	vm11 =	veq.s32 v42, $0xD;
	[tilespmem:$0x6F0] =	vst v57;
	v58 =	vnsel vm10, $0x0, v12  }
0xa7: {  	vm12 =	veq.s32 v42, $0xE;
	v59 =	vnsel vm11, $0x0, v13;
	[tilespmem:$0x770] =	vst v58  }
0xa8: {  	vm13 =	veq.s32 v42, $0xF;
	v60 =	vnsel vm12, $0x0, v14;
	[tilespmem:$0x7F0] =	vst v59  }
0xa9: {  	vm14 =	veq.s32 v42, $0x10;
	v61 =	vnsel vm13, $0x0, v15;
	[tilespmem:$0x870] =	vst v60  }
0xaa: {  	vm15 =	veq.s32 v42, $0x11;
	v62 =	vnsel vm14, $0x0, v16;
	[tilespmem:$0x8F0] =	vst v61  }
0xab: {  	v63 =	vnsel vm15, $0x0, v17;
	[tilespmem:$0x970] =	vst v62  }
0xac: {  	p0 =	sne.s32 s6, $0x1;
	[tilespmem:$0x9F0] =	vst v63  }
0xad: {  	[hbm4b:s4+s9] =	stream.strided.scatter [tilespmem:s11], [sflag:$0x2], $0x800, s10, s9, $0x38;
	[tilespmem:$0xD00] =	vst v63  }
.Ltmp1:
0xae: {  	_ = 	snop;
	(pc) =	sbr.rel @p0 .LBB2_2-.Ltmp1, $4  }
0xaf: {  	[hbm4b:s12+s2] =	stream.linear.scatter [tilespmem:s13], [sflag:$0x2], $0x100, $0x38;
	[tilespmem:$0xD00] =	vst v63  }
0xb0: {  	_ =	swait.ge [sflag:s14], $0x900  }
0xb1: {  	[sflag:s14] =	ssyncset.done $0x0  }
0xb2: {  	s6 =	sadd.s32 $0xFFFFFFFF, s6;
	[sflag:s14] =	ssyncadd.s32 $0xFFFFF700  }
.LBB2_3:
0xb3: {  	_ =	sfence.sel $0x180000  }
0xb4: {  	[bflag:$0x0] =	sbarrier.arrive $0xFFFF  }
0xb5: {  	p0 =	sne.s32 s1, $0x0;
	_ =	strace $0x90000047  }
0xb6: {  	s0 =	sadd.s32 @!p0 $0x100000, s0;
	[bflag:$0x2] =	sbarrier.arrive $0xFFFF  }
0xb7: {  	[sflag:s0] =	ssyncadd.tile.s32 @!p0 $0x1;
	_ =	shalt  }
.Lfunc_end2:
_tile_overlayer_lowered:
.L_overlay_start_2:
0xb8: {  	(tag) =	ssettag $0x2  }
0xb9: {  	s0 =	rddreg [dreg:$0x0];
	s2 =	stileid.u32  }
0xba: {  	s1 =	rddreg [dreg:$0x1];
	p0 =	sne.s32 s2, $0x0  }
0xbb: {  	s3 =	rddreg [dreg:$0x2];
	[bflag:$0x3] =	sbarrier.arrive $0xFFFF;
	s2 =	simm.s32 @!p0 $0x1C02  }
0xbc: {  	[timem:s3], [sflag:s2] =	dma.local @!p0 [hbm:s0], s1  }
0xbd: {  	s0 =	simm.s32 @!p0 $0x2  }
0xbe: {  	_ =	swait.ge @!p0 [sflag:s0], s1  }
0xbf: {  	s1 =	ssub.s32 @!p0 $0x0, s1;
	[sflag:s0] =	ssyncset.done @!p0 $0x0  }
0xc0: {  	[sflag:s0] =	ssyncadd.s32 @!p0 s1  }
0xc1: {  	[bflag:$0x3] =	sbarrier.arrive $0xFFFF  }
0xc2: {  	_ =	shalt  }

</sc_bundles>
